<compile_context>
chip_gen: v7x
topology: tpu7x:2x2x1
jax: 0.10.2.dev20260603
libtpu: 0.0.44.dev20260713+nightly
codegen_flags: <defaults>
</compile_context>

<pallas_src>
import jax
import jax.numpy as jnp
from jax import lax
from jax.experimental import pallas as pl
from jax.experimental.pallas import tpu as pltpu
from jax.experimental.pallas import tpu_sc as plsc

B, L, V, D, F, K, KW = 1024, 200, 100000, 10, 10, 50, 3
DP = 16
BT = 16
NB = B // BT
NTOK = 2 * L * B
RPAD = 256

SC_NC, SC_NS = 2, 16
NW = SC_NC * SC_NS
PER_W = NTOK // NW
CH = 128
NCH = PER_W // CH


GS = 10
NG = NCH // GS


def _sc_gather_body(table_hbm, idx_hbm, out_hbm, idx_v, rows0, rows1, sem0,
                    sem1):
    wid = lax.axis_index("s") * SC_NC + lax.axis_index("c")
    base = wid * PER_W
    pltpu.sync_copy(idx_hbm.at[wid], idx_v)

    def fire(g, rows_v, sem):
        descs = []
        for b in range(GS):
            descs.append(pltpu.async_copy(
                table_hbm.at[idx_v.at[g * GS + b]],
                rows_v.at[pl.ds(b * CH, CH)], sem))
        return descs

    def drain(rows_v, sem):
        for b in range(GS):
            pltpu.make_async_copy(
                table_hbm.at[idx_v.at[b]],
                rows_v.at[pl.ds(b * CH, CH)], sem).wait()

    def store(g, rows_v):
        off = pl.multiple_of(base + g * (GS * CH), CH)
        pltpu.sync_copy(rows_v, out_hbm.at[pl.ds(off, GS * CH)])

    fire(0, rows0, sem0)

    def body(i, carry):
        g0 = 2 * i
        fire(g0 + 1, rows1, sem1)
        drain(rows0, sem0)
        store(g0, rows0)

        @pl.when(g0 + 2 < NG)
        def _():
            fire(g0 + 2, rows0, sem0)

        drain(rows1, sem1)
        store(g0 + 1, rows1)
        return carry

    lax.fori_loop(0, NG // 2, body, 0)


def _sc_gather(table, idx):
    mesh = plsc.VectorSubcoreMesh(core_axis_name="c", subcore_axis_name="s")
    return pl.kernel(
        _sc_gather_body,
        out_type=jax.ShapeDtypeStruct((NTOK, DP), jnp.float32),
        mesh=mesh,
        scratch_types=[
            pltpu.VMEM((NCH, CH), jnp.int32),
            pltpu.VMEM((GS * CH, DP), jnp.float32),
            pltpu.VMEM((GS * CH, DP), jnp.float32),
            pltpu.SemaphoreType.DMA,
            pltpu.SemaphoreType.DMA,
        ],
        compiler_params=pltpu.CompilerParams(use_tc_tiling_on_sc=False),
    )(table, idx)


def _stage(y, s, m):
    R, C = y.shape
    if m == 0:
        v = y.reshape(R // (2 * s), 2, s, C)
        a, b = v[:, 0], v[:, 1]
        return jnp.stack(
            [jnp.maximum(a, b), jnp.minimum(a, b)], axis=1).reshape(R, C)
    if m == -1:
        v = y.reshape(R // (2 * s), 2, s, C)
        a, b = v[:, 0], v[:, 1]
        return jnp.stack(
            [jnp.minimum(a, b), jnp.maximum(a, b)], axis=1).reshape(R, C)
    q = m // (2 * s)
    v = y.reshape(R // (2 * m), 2, q, 2, s, C)
    a, b = v[:, :, :, 0], v[:, :, :, 1]
    hi = jnp.maximum(a, b)
    lo = jnp.minimum(a, b)
    first = jnp.concatenate([hi[:, 0:1], lo[:, 1:2]], axis=1)
    second = jnp.concatenate([lo[:, 0:1], hi[:, 1:2]], axis=1)
    return jnp.stack([first, second], axis=3).reshape(R, C)


def _sort_desc_blocks(y, n):
    R = y.shape[0]
    for m in (2, 4, 8, 16, 32, 64):
        if m > n:
            break
        s = m // 2
        while s >= 1:
            y = _stage(y, s, 0 if 2 * m > R and m == n else m)
            s //= 2
    return y


def _select_top64(acc):
    C = acc.shape[1]
    ab = _sort_desc_blocks(acc[0:128], 64)
    c = _sort_desc_blocks(acc[128:192], 64)
    tail = jnp.concatenate(
        [acc[192:198], jnp.full((2, C), -jnp.inf, jnp.float32)], axis=0)
    tail = -_sort_desc_blocks(-tail, 8)
    h01 = jnp.maximum(ab[0:64], ab[64:128])
    h23 = jnp.concatenate([c[0:56], jnp.maximum(c[56:64], tail)], axis=0)
    y = jnp.concatenate([h01, h23], axis=0)
    for s in (32, 16, 8, 4, 2, 1):
        y = _stage(y, s, 64)
    y = jnp.maximum(y[0:64], y[64:128])
    for s in (32, 16, 8, 4, 2, 1):
        y = _stage(y, s, 0)
    return y


def _tc_body(x_ref, wbd_ref, fcbd_ref, bias_ref, out_ref):
    x = x_ref[0]
    acc = None
    for w in range(KW):
        xs = lax.slice(x, (w, 0), (w + L - KW + 1, BT * DP))
        t = lax.dot_general(
            xs, wbd_ref[w], (((1,), (0,)), ((), ())),
            preferred_element_type=jnp.float32,
            precision=lax.Precision.DEFAULT)
        acc = t if acc is None else acc + t
    y = _select_top64(acc)
    z = lax.dot_general(
        y[0:56], fcbd_ref[...], (((1,), (0,)), ((), ())),
        preferred_element_type=jnp.float32,
        precision=lax.Precision.DEFAULT)
    z = z + bias_ref[0:1, :]
    out_ref[0, 0] = jnp.maximum(z, 0.0)


def _tc_call(x3, wbd, fcbd, bias):
    return pl.pallas_call(
        _tc_body,
        grid=(2, NB),
        in_specs=[
            pl.BlockSpec((1, L, BT * DP), lambda s, j: (s, 0, j)),
            pl.BlockSpec((KW, BT * DP, BT * DP), lambda s, j: (0, 0, 0)),
            pl.BlockSpec((BT * DP, BT * DP), lambda s, j: (0, 0)),
            pl.BlockSpec((8, BT * DP), lambda s, j: (0, 0)),
        ],
        out_specs=pl.BlockSpec((1, 1, 56, BT * DP), lambda s, j: (s, j, 0, 0)),
        out_shape=jax.ShapeDtypeStruct((2, NB, 56, BT * DP), jnp.float32),
    )(x3, wbd, fcbd, bias)


def kernel(inputs, emb, conv_w, conv_b, fc_w, fc_b):
    idx = jnp.transpose(inputs.astype(jnp.int32), (1, 2, 0))
    idx = idx.reshape(NW, NCH, CH)
    embp = jnp.pad(emb, ((0, 0), (0, DP - D)))

    eye = jnp.eye(BT, dtype=jnp.float32)
    wpad = jnp.zeros((KW, DP, DP), jnp.float32).at[:, :D, :F].set(conv_w)
    wbd = jnp.stack([jnp.kron(eye, wpad[w]) for w in range(KW)])
    fcpad = jnp.zeros((DP, DP), jnp.float32).at[:F, :2].set(fc_w)
    fcbd = jnp.kron(eye, fcpad)
    cbvec = jnp.tile(jnp.pad(conv_b, (0, DP - F)), BT)
    bias2 = cbvec @ fcbd + jnp.tile(jnp.pad(fc_b, (0, DP - 2)), BT)
    bias2 = jnp.broadcast_to(bias2, (8, BT * DP))

    x = _sc_gather(embp, idx)
    x3 = x.reshape(2, L, B * DP)

    out = _tc_call(x3, wbd, fcbd, bias2)

    o = out.reshape(2, NB, 56, BT, DP)[:, :, :K, :, :2]
    return o.transpose(1, 3, 0, 2, 4).reshape(B, 2 * K, 2)

# --- scband reference (transcript-rebuilt; emitter-appended) ---
"""Pipeline reference for scband-cnn-24524263260267 (READ-ONLY COPY).

The authoritative reference and input builder live on the scoring server;
editing this copy changes nothing except your own understanding.
"""

import jax, jax.numpy as jnp
import numpy as np

B, L, V, D, F, K, KW = 1024, 200, 100000, 10, 10, 50, 3

def setup_inputs(seed: int = 0) -> dict:
    key = jax.random.key(seed)
    k1, k2, k3, k4, k5 = jax.random.split(key, 5)
    inputs = jax.random.randint(k1, (B, 2, L), 0, V, dtype=jnp.int64)
    emb = jax.random.normal(k2, (V, D), dtype=jnp.float32) * 0.05
    conv_w = jax.random.normal(k3, (KW, D, F), dtype=jnp.float32) * 0.1
    conv_b = jnp.zeros((F,), dtype=jnp.float32)
    fc_w = jax.random.normal(k4, (F, 2), dtype=jnp.float32) * 0.1
    fc_b = jnp.zeros((2,), dtype=jnp.float32)
    return {"inputs": inputs, "emb": emb, "conv_w": conv_w, "conv_b": conv_b, "fc_w": fc_w, "fc_b": fc_b}

def reference(inputs, emb, conv_w, conv_b, fc_w, fc_b):
    # embedding lookups for the two token streams
    p1 = jnp.take(emb, inputs[:, 0], axis=0)  # [B, L, D]
    p2 = jnp.take(emb, inputs[:, 1], axis=0)
    def conv1d(x):
        y = jax.lax.conv_general_dilated(x, conv_w, window_strides=(1,), padding='VALID',
                                         dimension_numbers=('NWC', 'WIO', 'NWC'))
        return y + conv_b  # [B, L-2, F]
    p1 = conv1d(p1)
    p2 = conv1d(p2)
    # top-k over the time axis per channel (k-max pooling)
    p1 = jax.lax.top_k(jnp.transpose(p1, (0, 2, 1)), K)[0]  # [B, F, K]
    p2 = jax.lax.top_k(jnp.transpose(p2, (0, 2, 1)), K)[0]
    p1 = jnp.transpose(p1, (0, 2, 1))  # [B, K, F]
    p2 = jnp.transpose(p2, (0, 2, 1))
    x = jnp.concatenate([p1, p2], axis=1)  # [B, 2K, F]
    return jax.nn.relu(x @ fc_w + fc_b)  # [B, 2K, 2]

if __name__ == "__main__":
    import jax
    _d = setup_inputs()
    print(jax.jit(kernel)(*tuple(_d.values())))

</pallas_src>

<mosaic_0001>
#map = affine_map<(d0, d1) -> (0, 0)>
#map1 = affine_map<(d0, d1) -> (0, 0, 0)>
module attributes {stable_mosaic.version = 14 : i64} {
  func.func @_sc_gather_body(%arg0: i32, %arg1: i32, %arg2: memref<100000x16xf32, #tpu.memory_space<hbm>>, %arg3: memref<32x100x128xi32, #tpu.memory_space<hbm>>, %arg4: memref<409600x16xf32, #tpu.memory_space<hbm>>, %arg5: memref<100x128xi32, #tpu.memory_space<vmem>>, %arg6: memref<1280x16xf32, #tpu.memory_space<vmem>>, %arg7: memref<1280x16xf32, #tpu.memory_space<vmem>>, %arg8: memref<!tpu.dma_semaphore, #tpu.memory_space<semaphore_mem>>, %arg9: memref<!tpu.dma_semaphore, #tpu.memory_space<semaphore_mem>>) attributes {dimension_semantics = [#tpu.dimension_semantics<core_parallel>, #tpu.dimension_semantics<subcore_parallel>], iteration_bounds = array<i64: 2, 16>, scalar_prefetch = 0 : i64, scratch_operands = 5 : i64, tpu.core_type = #tpu.core_type<sc_vector_subcore>, window_params = [{transform_indices = #map}, {transform_indices = #map1}, {transform_indices = #map}]} {
    %mul3A = arith.constant 2 : i32
    %mul3A_0 = arith.muli %arg1, %mul3A : i32
    %add3A = arith.addi %mul3A_0, %arg0 : i32
    %mul3A_1 = arith.constant 12800 : i32
    %mul3A_2 = arith.muli %add3A, %mul3A_1 : i32
    "tpu.region"() ({
      %run_scoped3A = tpu.sem_alloc : memref<!tpu.dma_semaphore, #tpu.memory_space<semaphore_mem>>
      %dma_start3A_107 = arith.constant 0 : i32
      %dma_start3A_108 = arith.constant 0 : i32
      %dma_start3A_109 = tpu.memref_slice %arg3[%add3A, %dma_start3A_107, %dma_start3A_108] : memref<32x100x128xi32, #tpu.memory_space<hbm>> -> memref<1x100x128xi32, #tpu.memory_space<hbm>>
      %dma_start3A_110 = tpu.memref_squeeze %dma_start3A_109 : memref<1x100x128xi32, #tpu.memory_space<hbm>> -> memref<100x128xi32, #tpu.memory_space<hbm>>
      %dma_start3A_111 = arith.constant 0 : i32
      %dma_start3A_112 = arith.constant 0 : i32
      %dma_start3A_113 = tpu.memref_slice %arg3[%add3A, %dma_start3A_111, %dma_start3A_112] : memref<32x100x128xi32, #tpu.memory_space<hbm>> -> memref<1x100x128xi32, #tpu.memory_space<hbm>>
      %dma_start3A_114 = tpu.memref_squeeze %dma_start3A_113 : memref<1x100x128xi32, #tpu.memory_space<hbm>> -> memref<100x128xi32, #tpu.memory_space<hbm>>
      tpu.enqueue_dma source(%dma_start3A_114 : memref<100x128xi32, #tpu.memory_space<hbm>>) target(%arg5 : memref<100x128xi32, #tpu.memory_space<vmem>>) target_semaphore(%run_scoped3A : memref<!tpu.dma_semaphore, #tpu.memory_space<semaphore_mem>>)
      %dma_wait3A = arith.constant 0 : i32
      %dma_wait3A_115 = arith.constant 0 : i32
      %dma_wait3A_116 = tpu.memref_slice %arg3[%add3A, %dma_wait3A, %dma_wait3A_115] : memref<32x100x128xi32, #tpu.memory_space<hbm>> -> memref<1x100x128xi32, #tpu.memory_space<hbm>>
      %dma_wait3A_117 = tpu.memref_squeeze %dma_wait3A_116 : memref<1x100x128xi32, #tpu.memory_space<hbm>> -> memref<100x128xi32, #tpu.memory_space<hbm>>
      %dma_wait3A_118 = arith.constant 0 : i32
      %dma_wait3A_119 = arith.constant 0 : i32
      %dma_wait3A_120 = tpu.memref_slice %arg3[%add3A, %dma_wait3A_118, %dma_wait3A_119] : memref<32x100x128xi32, #tpu.memory_space<hbm>> -> memref<1x100x128xi32, #tpu.memory_space<hbm>>
      %dma_wait3A_121 = tpu.memref_squeeze %dma_wait3A_120 : memref<1x100x128xi32, #tpu.memory_space<hbm>> -> memref<100x128xi32, #tpu.memory_space<hbm>>
      tpu.wait_dma2 semaphore(%run_scoped3A : memref<!tpu.dma_semaphore, #tpu.memory_space<semaphore_mem>>) src(%dma_wait3A_121 : memref<100x128xi32, #tpu.memory_space<hbm>>) dst(%arg5 : memref<100x128xi32, #tpu.memory_space<vmem>>)
      tpu.yield
    }) : () -> ()
    %dma_start3A = arith.constant 0 : i32
    %dma_start3A_3 = arith.constant 0 : i32
    %dma_start3A_4 = arith.constant 0 : i32
    %dma_start3A_5 = tpu.memref_slice %arg6[%dma_start3A_3, %dma_start3A_4] : memref<1280x16xf32, #tpu.memory_space<vmem>> -> memref<128x16xf32, #tpu.memory_space<vmem>>
    %dma_start3A_6 = arith.constant 0 : i32
    %dma_start3A_7 = tpu.memref_slice %arg5[%dma_start3A, %dma_start3A_6] : memref<100x128xi32, #tpu.memory_space<vmem>> -> memref<1x128xi32, #tpu.memory_space<vmem>>
    %dma_start3A_8 = tpu.memref_squeeze %dma_start3A_7 : memref<1x128xi32, #tpu.memory_space<vmem>> -> memref<128xi32, #tpu.memory_space<vmem>>
    %dma_start3A_9 = arith.constant 0 : i32
    %dma_start3A_10 = arith.constant 0 : i32
    %dma_start3A_11 = tpu.memref_slice %arg2[%dma_start3A_9, %dma_start3A_10] : memref<100000x16xf32, #tpu.memory_space<hbm>> -> memref<100000x16xf32, #tpu.memory_space<hbm>>
    tpu.enqueue_indirect_dma source(%dma_start3A_11 : memref<100000x16xf32, #tpu.memory_space<hbm>>) target(%dma_start3A_5 : memref<128x16xf32, #tpu.memory_space<vmem>>) offsets(%dma_start3A_8 : memref<128xi32, #tpu.memory_space<vmem>>) semaphore(%arg8 : memref<!tpu.dma_semaphore, #tpu.memory_space<semaphore_mem>>)
    %dma_start3A_12 = arith.constant 1 : i32
    %dma_start3A_13 = arith.constant 128 : i32
    %dma_start3A_14 = arith.constant 0 : i32
    %dma_start3A_15 = tpu.memref_slice %arg6[%dma_start3A_13, %dma_start3A_14] : memref<1280x16xf32, #tpu.memory_space<vmem>> -> memref<128x16xf32, #tpu.memory_space<vmem>>
    %dma_start3A_16 = arith.constant 0 : i32
    %dma_start3A_17 = tpu.memref_slice %arg5[%dma_start3A_12, %dma_start3A_16] : memref<100x128xi32, #tpu.memory_space<vmem>> -> memref<1x128xi32, #tpu.memory_space<vmem>>
    %dma_start3A_18 = tpu.memref_squeeze %dma_start3A_17 : memref<1x128xi32, #tpu.memory_space<vmem>> -> memref<128xi32, #tpu.memory_space<vmem>>
    %dma_start3A_19 = arith.constant 0 : i32
    %dma_start3A_20 = arith.constant 0 : i32
    %dma_start3A_21 = tpu.memref_slice %arg2[%dma_start3A_19, %dma_start3A_20] : memref<100000x16xf32, #tpu.memory_space<hbm>> -> memref<100000x16xf32, #tpu.memory_space<hbm>>
    tpu.enqueue_indirect_dma source(%dma_start3A_21 : memref<100000x16xf32, #tpu.memory_space<hbm>>) target(%dma_start3A_15 : memref<128x16xf32, #tpu.memory_space<vmem>>) offsets(%dma_start3A_18 : memref<128xi32, #tpu.memory_space<vmem>>) semaphore(%arg8 : memref<!tpu.dma_semaphore, #tpu.memory_space<semaphore_mem>>)
    %dma_start3A_22 = arith.constant 2 : i32
    %dma_start3A_23 = arith.constant 256 : i32
    %dma_start3A_24 = arith.constant 0 : i32
    %dma_start3A_25 = tpu.memref_slice %arg6[%dma_start3A_23, %dma_start3A_24] : memref<1280x16xf32, #tpu.memory_space<vmem>> -> memref<128x16xf32, #tpu.memory_space<vmem>>
    %dma_start3A_26 = arith.constant 0 : i32
    %dma_start3A_27 = tpu.memref_slice %arg5[%dma_start3A_22, %dma_start3A_26] : memref<100x128xi32, #tpu.memory_space<vmem>> -> memref<1x128xi32, #tpu.memory_space<vmem>>
    %dma_start3A_28 = tpu.memref_squeeze %dma_start3A_27 : memref<1x128xi32, #tpu.memory_space<vmem>> -> memref<128xi32, #tpu.memory_space<vmem>>
    %dma_start3A_29 = arith.constant 0 : i32
    %dma_start3A_30 = arith.constant 0 : i32
    %dma_start3A_31 = tpu.memref_slice %arg2[%dma_start3A_29, %dma_start3A_30] : memref<100000x16xf32, #tpu.memory_space<hbm>> -> memref<100000x16xf32, #tpu.memory_space<hbm>>
    tpu.enqueue_indirect_dma source(%dma_start3A_31 : memref<100000x16xf32, #tpu.memory_space<hbm>>) target(%dma_start3A_25 : memref<128x16xf32, #tpu.memory_space<vmem>>) offsets(%dma_start3A_28 : memref<128xi32, #tpu.memory_space<vmem>>) semaphore(%arg8 : memref<!tpu.dma_semaphore, #tpu.memory_space<semaphore_mem>>)
    %dma_start3A_32 = arith.constant 3 : i32
    %dma_start3A_33 = arith.constant 384 : i32
    %dma_start3A_34 = arith.constant 0 : i32
    %dma_start3A_35 = tpu.memref_slice %arg6[%dma_start3A_33, %dma_start3A_34] : memref<1280x16xf32, #tpu.memory_space<vmem>> -> memref<128x16xf32, #tpu.memory_space<vmem>>
    %dma_start3A_36 = arith.constant 0 : i32
    %dma_start3A_37 = tpu.memref_slice %arg5[%dma_start3A_32, %dma_start3A_36] : memref<100x128xi32, #tpu.memory_space<vmem>> -> memref<1x128xi32, #tpu.memory_space<vmem>>
    %dma_start3A_38 = tpu.memref_squeeze %dma_start3A_37 : memref<1x128xi32, #tpu.memory_space<vmem>> -> memref<128xi32, #tpu.memory_space<vmem>>
    %dma_start3A_39 = arith.constant 0 : i32
    %dma_start3A_40 = arith.constant 0 : i32
    %dma_start3A_41 = tpu.memref_slice %arg2[%dma_start3A_39, %dma_start3A_40] : memref<100000x16xf32, #tpu.memory_space<hbm>> -> memref<100000x16xf32, #tpu.memory_space<hbm>>
    tpu.enqueue_indirect_dma source(%dma_start3A_41 : memref<100000x16xf32, #tpu.memory_space<hbm>>) target(%dma_start3A_35 : memref<128x16xf32, #tpu.memory_space<vmem>>) offsets(%dma_start3A_38 : memref<128xi32, #tpu.memory_space<vmem>>) semaphore(%arg8 : memref<!tpu.dma_semaphore, #tpu.memory_space<semaphore_mem>>)
    %dma_start3A_42 = arith.constant 4 : i32
    %dma_start3A_43 = arith.constant 512 : i32
    %dma_start3A_44 = arith.constant 0 : i32
    %dma_start3A_45 = tpu.memref_slice %arg6[%dma_start3A_43, %dma_start3A_44] : memref<1280x16xf32, #tpu.memory_space<vmem>> -> memref<128x16xf32, #tpu.memory_space<vmem>>
    %dma_start3A_46 = arith.constant 0 : i32
    %dma_start3A_47 = tpu.memref_slice %arg5[%dma_start3A_42, %dma_start3A_46] : memref<100x128xi32, #tpu.memory_space<vmem>> -> memref<1x128xi32, #tpu.memory_space<vmem>>
    %dma_start3A_48 = tpu.memref_squeeze %dma_start3A_47 : memref<1x128xi32, #tpu.memory_space<vmem>> -> memref<128xi32, #tpu.memory_space<vmem>>
    %dma_start3A_49 = arith.constant 0 : i32
    %dma_start3A_50 = arith.constant 0 : i32
    %dma_start3A_51 = tpu.memref_slice %arg2[%dma_start3A_49, %dma_start3A_50] : memref<100000x16xf32, #tpu.memory_space<hbm>> -> memref<100000x16xf32, #tpu.memory_space<hbm>>
    tpu.enqueue_indirect_dma source(%dma_start3A_51 : memref<100000x16xf32, #tpu.memory_space<hbm>>) target(%dma_start3A_45 : memref<128x16xf32, #tpu.memory_space<vmem>>) offsets(%dma_start3A_48 : memref<128xi32, #tpu.memory_space<vmem>>) semaphore(%arg8 : memref<!tpu.dma_semaphore, #tpu.memory_space<semaphore_mem>>)
    %dma_start3A_52 = arith.constant 5 : i32
    %dma_start3A_53 = arith.constant 640 : i32
    %dma_start3A_54 = arith.constant 0 : i32
    %dma_start3A_55 = tpu.memref_slice %arg6[%dma_start3A_53, %dma_start3A_54] : memref<1280x16xf32, #tpu.memory_space<vmem>> -> memref<128x16xf32, #tpu.memory_space<vmem>>
    %dma_start3A_56 = arith.constant 0 : i32
    %dma_start3A_57 = tpu.memref_slice %arg5[%dma_start3A_52, %dma_start3A_56] : memref<100x128xi32, #tpu.memory_space<vmem>> -> memref<1x128xi32, #tpu.memory_space<vmem>>
    %dma_start3A_58 = tpu.memref_squeeze %dma_start3A_57 : memref<1x128xi32, #tpu.memory_space<vmem>> -> memref<128xi32, #tpu.memory_space<vmem>>
    %dma_start3A_59 = arith.constant 0 : i32
    %dma_start3A_60 = arith.constant 0 : i32
    %dma_start3A_61 = tpu.memref_slice %arg2[%dma_start3A_59, %dma_start3A_60] : memref<100000x16xf32, #tpu.memory_space<hbm>> -> memref<100000x16xf32, #tpu.memory_space<hbm>>
    tpu.enqueue_indirect_dma source(%dma_start3A_61 : memref<100000x16xf32, #tpu.memory_space<hbm>>) target(%dma_start3A_55 : memref<128x16xf32, #tpu.memory_space<vmem>>) offsets(%dma_start3A_58 : memref<128xi32, #tpu.memory_space<vmem>>) semaphore(%arg8 : memref<!tpu.dma_semaphore, #tpu.memory_space<semaphore_mem>>)
    %dma_start3A_62 = arith.constant 6 : i32
    %dma_start3A_63 = arith.constant 768 : i32
    %dma_start3A_64 = arith.constant 0 : i32
    %dma_start3A_65 = tpu.memref_slice %arg6[%dma_start3A_63, %dma_start3A_64] : memref<1280x16xf32, #tpu.memory_space<vmem>> -> memref<128x16xf32, #tpu.memory_space<vmem>>
    %dma_start3A_66 = arith.constant 0 : i32
    %dma_start3A_67 = tpu.memref_slice %arg5[%dma_start3A_62, %dma_start3A_66] : memref<100x128xi32, #tpu.memory_space<vmem>> -> memref<1x128xi32, #tpu.memory_space<vmem>>
    %dma_start3A_68 = tpu.memref_squeeze %dma_start3A_67 : memref<1x128xi32, #tpu.memory_space<vmem>> -> memref<128xi32, #tpu.memory_space<vmem>>
    %dma_start3A_69 = arith.constant 0 : i32
    %dma_start3A_70 = arith.constant 0 : i32
    %dma_start3A_71 = tpu.memref_slice %arg2[%dma_start3A_69, %dma_start3A_70] : memref<100000x16xf32, #tpu.memory_space<hbm>> -> memref<100000x16xf32, #tpu.memory_space<hbm>>
    tpu.enqueue_indirect_dma source(%dma_start3A_71 : memref<100000x16xf32, #tpu.memory_space<hbm>>) target(%dma_start3A_65 : memref<128x16xf32, #tpu.memory_space<vmem>>) offsets(%dma_start3A_68 : memref<128xi32, #tpu.memory_space<vmem>>) semaphore(%arg8 : memref<!tpu.dma_semaphore, #tpu.memory_space<semaphore_mem>>)
    %dma_start3A_72 = arith.constant 7 : i32
    %dma_start3A_73 = arith.constant 896 : i32
    %dma_start3A_74 = arith.constant 0 : i32
    %dma_start3A_75 = tpu.memref_slice %arg6[%dma_start3A_73, %dma_start3A_74] : memref<1280x16xf32, #tpu.memory_space<vmem>> -> memref<128x16xf32, #tpu.memory_space<vmem>>
    %dma_start3A_76 = arith.constant 0 : i32
    %dma_start3A_77 = tpu.memref_slice %arg5[%dma_start3A_72, %dma_start3A_76] : memref<100x128xi32, #tpu.memory_space<vmem>> -> memref<1x128xi32, #tpu.memory_space<vmem>>
    %dma_start3A_78 = tpu.memref_squeeze %dma_start3A_77 : memref<1x128xi32, #tpu.memory_space<vmem>> -> memref<128xi32, #tpu.memory_space<vmem>>
    %dma_start3A_79 = arith.constant 0 : i32
    %dma_start3A_80 = arith.constant 0 : i32
    %dma_start3A_81 = tpu.memref_slice %arg2[%dma_start3A_79, %dma_start3A_80] : memref<100000x16xf32, #tpu.memory_space<hbm>> -> memref<100000x16xf32, #tpu.memory_space<hbm>>
    tpu.enqueue_indirect_dma source(%dma_start3A_81 : memref<100000x16xf32, #tpu.memory_space<hbm>>) target(%dma_start3A_75 : memref<128x16xf32, #tpu.memory_space<vmem>>) offsets(%dma_start3A_78 : memref<128xi32, #tpu.memory_space<vmem>>) semaphore(%arg8 : memref<!tpu.dma_semaphore, #tpu.memory_space<semaphore_mem>>)
    %dma_start3A_82 = arith.constant 8 : i32
    %dma_start3A_83 = arith.constant 1024 : i32
    %dma_start3A_84 = arith.constant 0 : i32
    %dma_start3A_85 = tpu.memref_slice %arg6[%dma_start3A_83, %dma_start3A_84] : memref<1280x16xf32, #tpu.memory_space<vmem>> -> memref<128x16xf32, #tpu.memory_space<vmem>>
    %dma_start3A_86 = arith.constant 0 : i32
    %dma_start3A_87 = tpu.memref_slice %arg5[%dma_start3A_82, %dma_start3A_86] : memref<100x128xi32, #tpu.memory_space<vmem>> -> memref<1x128xi32, #tpu.memory_space<vmem>>
    %dma_start3A_88 = tpu.memref_squeeze %dma_start3A_87 : memref<1x128xi32, #tpu.memory_space<vmem>> -> memref<128xi32, #tpu.memory_space<vmem>>
    %dma_start3A_89 = arith.constant 0 : i32
    %dma_start3A_90 = arith.constant 0 : i32
    %dma_start3A_91 = tpu.memref_slice %arg2[%dma_start3A_89, %dma_start3A_90] : memref<100000x16xf32, #tpu.memory_space<hbm>> -> memref<100000x16xf32, #tpu.memory_space<hbm>>
    tpu.enqueue_indirect_dma source(%dma_start3A_91 : memref<100000x16xf32, #tpu.memory_space<hbm>>) target(%dma_start3A_85 : memref<128x16xf32, #tpu.memory_space<vmem>>) offsets(%dma_start3A_88 : memref<128xi32, #tpu.memory_space<vmem>>) semaphore(%arg8 : memref<!tpu.dma_semaphore, #tpu.memory_space<semaphore_mem>>)
    %dma_start3A_92 = arith.constant 9 : i32
    %dma_start3A_93 = arith.constant 1152 : i32
    %dma_start3A_94 = arith.constant 0 : i32
    %dma_start3A_95 = tpu.memref_slice %arg6[%dma_start3A_93, %dma_start3A_94] : memref<1280x16xf32, #tpu.memory_space<vmem>> -> memref<128x16xf32, #tpu.memory_space<vmem>>
    %dma_start3A_96 = arith.constant 0 : i32
    %dma_start3A_97 = tpu.memref_slice %arg5[%dma_start3A_92, %dma_start3A_96] : memref<100x128xi32, #tpu.memory_space<vmem>> -> memref<1x128xi32, #tpu.memory_space<vmem>>
    %dma_start3A_98 = tpu.memref_squeeze %dma_start3A_97 : memref<1x128xi32, #tpu.memory_space<vmem>> -> memref<128xi32, #tpu.memory_space<vmem>>
    %dma_start3A_99 = arith.constant 0 : i32
    %dma_start3A_100 = arith.constant 0 : i32
    %dma_start3A_101 = tpu.memref_slice %arg2[%dma_start3A_99, %dma_start3A_100] : memref<100000x16xf32, #tpu.memory_space<hbm>> -> memref<100000x16xf32, #tpu.memory_space<hbm>>
    tpu.enqueue_indirect_dma source(%dma_start3A_101 : memref<100000x16xf32, #tpu.memory_space<hbm>>) target(%dma_start3A_95 : memref<128x16xf32, #tpu.memory_space<vmem>>) offsets(%dma_start3A_98 : memref<128xi32, #tpu.memory_space<vmem>>) semaphore(%arg8 : memref<!tpu.dma_semaphore, #tpu.memory_space<semaphore_mem>>)
    %scan3A = arith.constant 0 : i32
    %scan3A_102 = arith.constant 0 : i32
    %scan3A_103 = arith.constant 5 : i32
    %scan3A_104 = arith.addi %scan3A_102, %scan3A_103 : i32
    %scan3A_105 = arith.constant 1 : i32
    scf.for %scan3A_107 = %scan3A_102 to %scan3A_104 step %scan3A_105  : i32 {
      %mul3A_108 = arith.constant 2 : i32
      %mul3A_109 = arith.muli %mul3A_108, %scan3A_107 : i32
      %add3A_110 = arith.constant 1 : i32
      %add3A_111 = arith.addi %mul3A_109, %add3A_110 : i32
      %mul3A_112 = arith.constant 10 : i32
      %mul3A_113 = arith.muli %add3A_111, %mul3A_112 : i32
      %add3A_114 = arith.constant 0 : i32
      %add3A_115 = arith.addi %mul3A_113, %add3A_114 : i32
      %dma_start3A_116 = arith.constant 0 : i32
      %dma_start3A_117 = arith.constant 0 : i32
      %dma_start3A_118 = tpu.memref_slice %arg7[%dma_start3A_116, %dma_start3A_117] : memref<1280x16xf32, #tpu.memory_space<vmem>> -> memref<128x16xf32, #tpu.memory_space<vmem>>
      %dma_start3A_119 = arith.constant 0 : i32
      %dma_start3A_120 = tpu.memref_slice %arg5[%add3A_115, %dma_start3A_119] : memref<100x128xi32, #tpu.memory_space<vmem>> -> memref<1x128xi32, #tpu.memory_space<vmem>>
      %dma_start3A_121 = tpu.memref_squeeze %dma_start3A_120 : memref<1x128xi32, #tpu.memory_space<vmem>> -> memref<128xi32, #tpu.memory_space<vmem>>
      %dma_start3A_122 = arith.constant 0 : i32
      %dma_start3A_123 = arith.constant 0 : i32
      %dma_start3A_124 = tpu.memref_slice %arg2[%dma_start3A_122, %dma_start3A_123] : memref<100000x16xf32, #tpu.memory_space<hbm>> -> memref<100000x16xf32, #tpu.memory_space<hbm>>
      tpu.enqueue_indirect_dma source(%dma_start3A_124 : memref<100000x16xf32, #tpu.memory_space<hbm>>) target(%dma_start3A_118 : memref<128x16xf32, #tpu.memory_space<vmem>>) offsets(%dma_start3A_121 : memref<128xi32, #tpu.memory_space<vmem>>) semaphore(%arg9 : memref<!tpu.dma_semaphore, #tpu.memory_space<semaphore_mem>>)
      %mul3A_125 = arith.constant 10 : i32
      %mul3A_126 = arith.muli %add3A_111, %mul3A_125 : i32
      %add3A_127 = arith.constant 1 : i32
      %add3A_128 = arith.addi %mul3A_126, %add3A_127 : i32
      %dma_start3A_129 = arith.constant 128 : i32
      %dma_start3A_130 = arith.constant 0 : i32
      %dma_start3A_131 = tpu.memref_slice %arg7[%dma_start3A_129, %dma_start3A_130] : memref<1280x16xf32, #tpu.memory_space<vmem>> -> memref<128x16xf32, #tpu.memory_space<vmem>>
      %dma_start3A_132 = arith.constant 0 : i32
      %dma_start3A_133 = tpu.memref_slice %arg5[%add3A_128, %dma_start3A_132] : memref<100x128xi32, #tpu.memory_space<vmem>> -> memref<1x128xi32, #tpu.memory_space<vmem>>
      %dma_start3A_134 = tpu.memref_squeeze %dma_start3A_133 : memref<1x128xi32, #tpu.memory_space<vmem>> -> memref<128xi32, #tpu.memory_space<vmem>>
      %dma_start3A_135 = arith.constant 0 : i32
      %dma_start3A_136 = arith.constant 0 : i32
      %dma_start3A_137 = tpu.memref_slice %arg2[%dma_start3A_135, %dma_start3A_136] : memref<100000x16xf32, #tpu.memory_space<hbm>> -> memref<100000x16xf32, #tpu.memory_space<hbm>>
      tpu.enqueue_indirect_dma source(%dma_start3A_137 : memref<100000x16xf32, #tpu.memory_space<hbm>>) target(%dma_start3A_131 : memref<128x16xf32, #tpu.memory_space<vmem>>) offsets(%dma_start3A_134 : memref<128xi32, #tpu.memory_space<vmem>>) semaphore(%arg9 : memref<!tpu.dma_semaphore, #tpu.memory_space<semaphore_mem>>)
      %mul3A_138 = arith.constant 10 : i32
      %mul3A_139 = arith.muli %add3A_111, %mul3A_138 : i32
      %add3A_140 = arith.constant 2 : i32
      %add3A_141 = arith.addi %mul3A_139, %add3A_140 : i32
      %dma_start3A_142 = arith.constant 256 : i32
      %dma_start3A_143 = arith.constant 0 : i32
      %dma_start3A_144 = tpu.memref_slice %arg7[%dma_start3A_142, %dma_start3A_143] : memref<1280x16xf32, #tpu.memory_space<vmem>> -> memref<128x16xf32, #tpu.memory_space<vmem>>
      %dma_start3A_145 = arith.constant 0 : i32
      %dma_start3A_146 = tpu.memref_slice %arg5[%add3A_141, %dma_start3A_145] : memref<100x128xi32, #tpu.memory_space<vmem>> -> memref<1x128xi32, #tpu.memory_space<vmem>>
      %dma_start3A_147 = tpu.memref_squeeze %dma_start3A_146 : memref<1x128xi32, #tpu.memory_space<vmem>> -> memref<128xi32, #tpu.memory_space<vmem>>
      %dma_start3A_148 = arith.constant 0 : i32
      %dma_start3A_149 = arith.constant 0 : i32
      %dma_start3A_150 = tpu.memref_slice %arg2[%dma_start3A_148, %dma_start3A_149] : memref<100000x16xf32, #tpu.memory_space<hbm>> -> memref<100000x16xf32, #tpu.memory_space<hbm>>
      tpu.enqueue_indirect_dma source(%dma_start3A_150 : memref<100000x16xf32, #tpu.memory_space<hbm>>) target(%dma_start3A_144 : memref<128x16xf32, #tpu.memory_space<vmem>>) offsets(%dma_start3A_147 : memref<128xi32, #tpu.memory_space<vmem>>) semaphore(%arg9 : memref<!tpu.dma_semaphore, #tpu.memory_space<semaphore_mem>>)
      %mul3A_151 = arith.constant 10 : i32
      %mul3A_152 = arith.muli %add3A_111, %mul3A_151 : i32
      %add3A_153 = arith.constant 3 : i32
      %add3A_154 = arith.addi %mul3A_152, %add3A_153 : i32
      %dma_start3A_155 = arith.constant 384 : i32
      %dma_start3A_156 = arith.constant 0 : i32
      %dma_start3A_157 = tpu.memref_slice %arg7[%dma_start3A_155, %dma_start3A_156] : memref<1280x16xf32, #tpu.memory_space<vmem>> -> memref<128x16xf32, #tpu.memory_space<vmem>>
      %dma_start3A_158 = arith.constant 0 : i32
      %dma_start3A_159 = tpu.memref_slice %arg5[%add3A_154, %dma_start3A_158] : memref<100x128xi32, #tpu.memory_space<vmem>> -> memref<1x128xi32, #tpu.memory_space<vmem>>
      %dma_start3A_160 = tpu.memref_squeeze %dma_start3A_159 : memref<1x128xi32, #tpu.memory_space<vmem>> -> memref<128xi32, #tpu.memory_space<vmem>>
      %dma_start3A_161 = arith.constant 0 : i32
      %dma_start3A_162 = arith.constant 0 : i32
      %dma_start3A_163 = tpu.memref_slice %arg2[%dma_start3A_161, %dma_start3A_162] : memref<100000x16xf32, #tpu.memory_space<hbm>> -> memref<100000x16xf32, #tpu.memory_space<hbm>>
      tpu.enqueue_indirect_dma source(%dma_start3A_163 : memref<100000x16xf32, #tpu.memory_space<hbm>>) target(%dma_start3A_157 : memref<128x16xf32, #tpu.memory_space<vmem>>) offsets(%dma_start3A_160 : memref<128xi32, #tpu.memory_space<vmem>>) semaphore(%arg9 : memref<!tpu.dma_semaphore, #tpu.memory_space<semaphore_mem>>)
      %mul3A_164 = arith.constant 10 : i32
      %mul3A_165 = arith.muli %add3A_111, %mul3A_164 : i32
      %add3A_166 = arith.constant 4 : i32
      %add3A_167 = arith.addi %mul3A_165, %add3A_166 : i32
      %dma_start3A_168 = arith.constant 512 : i32
      %dma_start3A_169 = arith.constant 0 : i32
      %dma_start3A_170 = tpu.memref_slice %arg7[%dma_start3A_168, %dma_start3A_169] : memref<1280x16xf32, #tpu.memory_space<vmem>> -> memref<128x16xf32, #tpu.memory_space<vmem>>
      %dma_start3A_171 = arith.constant 0 : i32
      %dma_start3A_172 = tpu.memref_slice %arg5[%add3A_167, %dma_start3A_171] : memref<100x128xi32, #tpu.memory_space<vmem>> -> memref<1x128xi32, #tpu.memory_space<vmem>>
      %dma_start3A_173 = tpu.memref_squeeze %dma_start3A_172 : memref<1x128xi32, #tpu.memory_space<vmem>> -> memref<128xi32, #tpu.memory_space<vmem>>
      %dma_start3A_174 = arith.constant 0 : i32
      %dma_start3A_175 = arith.constant 0 : i32
      %dma_start3A_176 = tpu.memref_slice %arg2[%dma_start3A_174, %dma_start3A_175] : memref<100000x16xf32, #tpu.memory_space<hbm>> -> memref<100000x16xf32, #tpu.memory_space<hbm>>
      tpu.enqueue_indirect_dma source(%dma_start3A_176 : memref<100000x16xf32, #tpu.memory_space<hbm>>) target(%dma_start3A_170 : memref<128x16xf32, #tpu.memory_space<vmem>>) offsets(%dma_start3A_173 : memref<128xi32, #tpu.memory_space<vmem>>) semaphore(%arg9 : memref<!tpu.dma_semaphore, #tpu.memory_space<semaphore_mem>>)
      %mul3A_177 = arith.constant 10 : i32
      %mul3A_178 = arith.muli %add3A_111, %mul3A_177 : i32
      %add3A_179 = arith.constant 5 : i32
      %add3A_180 = arith.addi %mul3A_178, %add3A_179 : i32
      %dma_start3A_181 = arith.constant 640 : i32
      %dma_start3A_182 = arith.constant 0 : i32
      %dma_start3A_183 = tpu.memref_slice %arg7[%dma_start3A_181, %dma_start3A_182] : memref<1280x16xf32, #tpu.memory_space<vmem>> -> memref<128x16xf32, #tpu.memory_space<vmem>>
      %dma_start3A_184 = arith.constant 0 : i32
      %dma_start3A_185 = tpu.memref_slice %arg5[%add3A_180, %dma_start3A_184] : memref<100x128xi32, #tpu.memory_space<vmem>> -> memref<1x128xi32, #tpu.memory_space<vmem>>
      %dma_start3A_186 = tpu.memref_squeeze %dma_start3A_185 : memref<1x128xi32, #tpu.memory_space<vmem>> -> memref<128xi32, #tpu.memory_space<vmem>>
      %dma_start3A_187 = arith.constant 0 : i32
      %dma_start3A_188 = arith.constant 0 : i32
      %dma_start3A_189 = tpu.memref_slice %arg2[%dma_start3A_187, %dma_start3A_188] : memref<100000x16xf32, #tpu.memory_space<hbm>> -> memref<100000x16xf32, #tpu.memory_space<hbm>>
      tpu.enqueue_indirect_dma source(%dma_start3A_189 : memref<100000x16xf32, #tpu.memory_space<hbm>>) target(%dma_start3A_183 : memref<128x16xf32, #tpu.memory_space<vmem>>) offsets(%dma_start3A_186 : memref<128xi32, #tpu.memory_space<vmem>>) semaphore(%arg9 : memref<!tpu.dma_semaphore, #tpu.memory_space<semaphore_mem>>)
      %mul3A_190 = arith.constant 10 : i32
      %mul3A_191 = arith.muli %add3A_111, %mul3A_190 : i32
      %add3A_192 = arith.constant 6 : i32
      %add3A_193 = arith.addi %mul3A_191, %add3A_192 : i32
      %dma_start3A_194 = arith.constant 768 : i32
      %dma_start3A_195 = arith.constant 0 : i32
      %dma_start3A_196 = tpu.memref_slice %arg7[%dma_start3A_194, %dma_start3A_195] : memref<1280x16xf32, #tpu.memory_space<vmem>> -> memref<128x16xf32, #tpu.memory_space<vmem>>
      %dma_start3A_197 = arith.constant 0 : i32
      %dma_start3A_198 = tpu.memref_slice %arg5[%add3A_193, %dma_start3A_197] : memref<100x128xi32, #tpu.memory_space<vmem>> -> memref<1x128xi32, #tpu.memory_space<vmem>>
      %dma_start3A_199 = tpu.memref_squeeze %dma_start3A_198 : memref<1x128xi32, #tpu.memory_space<vmem>> -> memref<128xi32, #tpu.memory_space<vmem>>
      %dma_start3A_200 = arith.constant 0 : i32
      %dma_start3A_201 = arith.constant 0 : i32
      %dma_start3A_202 = tpu.memref_slice %arg2[%dma_start3A_200, %dma_start3A_201] : memref<100000x16xf32, #tpu.memory_space<hbm>> -> memref<100000x16xf32, #tpu.memory_space<hbm>>
      tpu.enqueue_indirect_dma source(%dma_start3A_202 : memref<100000x16xf32, #tpu.memory_space<hbm>>) target(%dma_start3A_196 : memref<128x16xf32, #tpu.memory_space<vmem>>) offsets(%dma_start3A_199 : memref<128xi32, #tpu.memory_space<vmem>>) semaphore(%arg9 : memref<!tpu.dma_semaphore, #tpu.memory_space<semaphore_mem>>)
      %mul3A_203 = arith.constant 10 : i32
      %mul3A_204 = arith.muli %add3A_111, %mul3A_203 : i32
      %add3A_205 = arith.constant 7 : i32
      %add3A_206 = arith.addi %mul3A_204, %add3A_205 : i32
      %dma_start3A_207 = arith.constant 896 : i32
      %dma_start3A_208 = arith.constant 0 : i32
      %dma_start3A_209 = tpu.memref_slice %arg7[%dma_start3A_207, %dma_start3A_208] : memref<1280x16xf32, #tpu.memory_space<vmem>> -> memref<128x16xf32, #tpu.memory_space<vmem>>
      %dma_start3A_210 = arith.constant 0 : i32
      %dma_start3A_211 = tpu.memref_slice %arg5[%add3A_206, %dma_start3A_210] : memref<100x128xi32, #tpu.memory_space<vmem>> -> memref<1x128xi32, #tpu.memory_space<vmem>>
      %dma_start3A_212 = tpu.memref_squeeze %dma_start3A_211 : memref<1x128xi32, #tpu.memory_space<vmem>> -> memref<128xi32, #tpu.memory_space<vmem>>
      %dma_start3A_213 = arith.constant 0 : i32
      %dma_start3A_214 = arith.constant 0 : i32
      %dma_start3A_215 = tpu.memref_slice %arg2[%dma_start3A_213, %dma_start3A_214] : memref<100000x16xf32, #tpu.memory_space<hbm>> -> memref<100000x16xf32, #tpu.memory_space<hbm>>
      tpu.enqueue_indirect_dma source(%dma_start3A_215 : memref<100000x16xf32, #tpu.memory_space<hbm>>) target(%dma_start3A_209 : memref<128x16xf32, #tpu.memory_space<vmem>>) offsets(%dma_start3A_212 : memref<128xi32, #tpu.memory_space<vmem>>) semaphore(%arg9 : memref<!tpu.dma_semaphore, #tpu.memory_space<semaphore_mem>>)
      %mul3A_216 = arith.constant 10 : i32
      %mul3A_217 = arith.muli %add3A_111, %mul3A_216 : i32
      %add3A_218 = arith.constant 8 : i32
      %add3A_219 = arith.addi %mul3A_217, %add3A_218 : i32
      %dma_start3A_220 = arith.constant 1024 : i32
      %dma_start3A_221 = arith.constant 0 : i32
      %dma_start3A_222 = tpu.memref_slice %arg7[%dma_start3A_220, %dma_start3A_221] : memref<1280x16xf32, #tpu.memory_space<vmem>> -> memref<128x16xf32, #tpu.memory_space<vmem>>
      %dma_start3A_223 = arith.constant 0 : i32
      %dma_start3A_224 = tpu.memref_slice %arg5[%add3A_219, %dma_start3A_223] : memref<100x128xi32, #tpu.memory_space<vmem>> -> memref<1x128xi32, #tpu.memory_space<vmem>>
      %dma_start3A_225 = tpu.memref_squeeze %dma_start3A_224 : memref<1x128xi32, #tpu.memory_space<vmem>> -> memref<128xi32, #tpu.memory_space<vmem>>
      %dma_start3A_226 = arith.constant 0 : i32
      %dma_start3A_227 = arith.constant 0 : i32
      %dma_start3A_228 = tpu.memref_slice %arg2[%dma_start3A_226, %dma_start3A_227] : memref<100000x16xf32, #tpu.memory_space<hbm>> -> memref<100000x16xf32, #tpu.memory_space<hbm>>
      tpu.enqueue_indirect_dma source(%dma_start3A_228 : memref<100000x16xf32, #tpu.memory_space<hbm>>) target(%dma_start3A_222 : memref<128x16xf32, #tpu.memory_space<vmem>>) offsets(%dma_start3A_225 : memref<128xi32, #tpu.memory_space<vmem>>) semaphore(%arg9 : memref<!tpu.dma_semaphore, #tpu.memory_space<semaphore_mem>>)
      %mul3A_229 = arith.constant 10 : i32
      %mul3A_230 = arith.muli %add3A_111, %mul3A_229 : i32
      %add3A_231 = arith.constant 9 : i32
      %add3A_232 = arith.addi %mul3A_230, %add3A_231 : i32
      %dma_start3A_233 = arith.constant 1152 : i32
      %dma_start3A_234 = arith.constant 0 : i32
      %dma_start3A_235 = tpu.memref_slice %arg7[%dma_start3A_233, %dma_start3A_234] : memref<1280x16xf32, #tpu.memory_space<vmem>> -> memref<128x16xf32, #tpu.memory_space<vmem>>
      %dma_start3A_236 = arith.constant 0 : i32
      %dma_start3A_237 = tpu.memref_slice %arg5[%add3A_232, %dma_start3A_236] : memref<100x128xi32, #tpu.memory_space<vmem>> -> memref<1x128xi32, #tpu.memory_space<vmem>>
      %dma_start3A_238 = tpu.memref_squeeze %dma_start3A_237 : memref<1x128xi32, #tpu.memory_space<vmem>> -> memref<128xi32, #tpu.memory_space<vmem>>
      %dma_start3A_239 = arith.constant 0 : i32
      %dma_start3A_240 = arith.constant 0 : i32
      %dma_start3A_241 = tpu.memref_slice %arg2[%dma_start3A_239, %dma_start3A_240] : memref<100000x16xf32, #tpu.memory_space<hbm>> -> memref<100000x16xf32, #tpu.memory_space<hbm>>
      tpu.enqueue_indirect_dma source(%dma_start3A_241 : memref<100000x16xf32, #tpu.memory_space<hbm>>) target(%dma_start3A_235 : memref<128x16xf32, #tpu.memory_space<vmem>>) offsets(%dma_start3A_238 : memref<128xi32, #tpu.memory_space<vmem>>) semaphore(%arg9 : memref<!tpu.dma_semaphore, #tpu.memory_space<semaphore_mem>>)
      %dma_wait3A = arith.constant 0 : i32
      %dma_wait3A_242 = arith.constant 0 : i32
      %dma_wait3A_243 = arith.constant 0 : i32
      %dma_wait3A_244 = tpu.memref_slice %arg6[%dma_wait3A_242, %dma_wait3A_243] : memref<1280x16xf32, #tpu.memory_space<vmem>> -> memref<128x16xf32, #tpu.memory_space<vmem>>
      %dma_wait3A_245 = arith.constant 0 : i32
      %dma_wait3A_246 = tpu.memref_slice %arg5[%dma_wait3A, %dma_wait3A_245] : memref<100x128xi32, #tpu.memory_space<vmem>> -> memref<1x128xi32, #tpu.memory_space<vmem>>
      %dma_wait3A_247 = tpu.memref_squeeze %dma_wait3A_246 : memref<1x128xi32, #tpu.memory_space<vmem>> -> memref<128xi32, #tpu.memory_space<vmem>>
      %dma_wait3A_248 = arith.constant 0 : i32
      %dma_wait3A_249 = arith.constant 0 : i32
      %dma_wait3A_250 = tpu.memref_slice %arg2[%dma_wait3A_248, %dma_wait3A_249] : memref<100000x16xf32, #tpu.memory_space<hbm>> -> memref<100000x16xf32, #tpu.memory_space<hbm>>
      tpu.wait_indirect_dma semaphore(%arg8 : memref<!tpu.dma_semaphore, #tpu.memory_space<semaphore_mem>>) src(%dma_wait3A_250 : memref<100000x16xf32, #tpu.memory_space<hbm>>) dst(%dma_wait3A_244 : memref<128x16xf32, #tpu.memory_space<vmem>>)
      %dma_wait3A_251 = arith.constant 1 : i32
      %dma_wait3A_252 = arith.constant 128 : i32
      %dma_wait3A_253 = arith.constant 0 : i32
      %dma_wait3A_254 = tpu.memref_slice %arg6[%dma_wait3A_252, %dma_wait3A_253] : memref<1280x16xf32, #tpu.memory_space<vmem>> -> memref<128x16xf32, #tpu.memory_space<vmem>>
      %dma_wait3A_255 = arith.constant 0 : i32
      %dma_wait3A_256 = tpu.memref_slice %arg5[%dma_wait3A_251, %dma_wait3A_255] : memref<100x128xi32, #tpu.memory_space<vmem>> -> memref<1x128xi32, #tpu.memory_space<vmem>>
      %dma_wait3A_257 = tpu.memref_squeeze %dma_wait3A_256 : memref<1x128xi32, #tpu.memory_space<vmem>> -> memref<128xi32, #tpu.memory_space<vmem>>
      %dma_wait3A_258 = arith.constant 0 : i32
      %dma_wait3A_259 = arith.constant 0 : i32
      %dma_wait3A_260 = tpu.memref_slice %arg2[%dma_wait3A_258, %dma_wait3A_259] : memref<100000x16xf32, #tpu.memory_space<hbm>> -> memref<100000x16xf32, #tpu.memory_space<hbm>>
      tpu.wait_indirect_dma semaphore(%arg8 : memref<!tpu.dma_semaphore, #tpu.memory_space<semaphore_mem>>) src(%dma_wait3A_260 : memref<100000x16xf32, #tpu.memory_space<hbm>>) dst(%dma_wait3A_254 : memref<128x16xf32, #tpu.memory_space<vmem>>)
      %dma_wait3A_261 = arith.constant 2 : i32
      %dma_wait3A_262 = arith.constant 256 : i32
      %dma_wait3A_263 = arith.constant 0 : i32
      %dma_wait3A_264 = tpu.memref_slice %arg6[%dma_wait3A_262, %dma_wait3A_263] : memref<1280x16xf32, #tpu.memory_space<vmem>> -> memref<128x16xf32, #tpu.memory_space<vmem>>
      %dma_wait3A_265 = arith.constant 0 : i32
      %dma_wait3A_266 = tpu.memref_slice %arg5[%dma_wait3A_261, %dma_wait3A_265] : memref<100x128xi32, #tpu.memory_space<vmem>> -> memref<1x128xi32, #tpu.memory_space<vmem>>
      %dma_wait3A_267 = tpu.memref_squeeze %dma_wait3A_266 : memref<1x128xi32, #tpu.memory_space<vmem>> -> memref<128xi32, #tpu.memory_space<vmem>>
      %dma_wait3A_268 = arith.constant 0 : i32
      %dma_wait3A_269 = arith.constant 0 : i32
      %dma_wait3A_270 = tpu.memref_slice %arg2[%dma_wait3A_268, %dma_wait3A_269] : memref<100000x16xf32, #tpu.memory_space<hbm>> -> memref<100000x16xf32, #tpu.memory_space<hbm>>
      tpu.wait_indirect_dma semaphore(%arg8 : memref<!tpu.dma_semaphore, #tpu.memory_space<semaphore_mem>>) src(%dma_wait3A_270 : memref<100000x16xf32, #tpu.memory_space<hbm>>) dst(%dma_wait3A_264 : memref<128x16xf32, #tpu.memory_space<vmem>>)
      %dma_wait3A_271 = arith.constant 3 : i32
      %dma_wait3A_272 = arith.constant 384 : i32
      %dma_wait3A_273 = arith.constant 0 : i32
      %dma_wait3A_274 = tpu.memref_slice %arg6[%dma_wait3A_272, %dma_wait3A_273] : memref<1280x16xf32, #tpu.memory_space<vmem>> -> memref<128x16xf32, #tpu.memory_space<vmem>>
      %dma_wait3A_275 = arith.constant 0 : i32
      %dma_wait3A_276 = tpu.memref_slice %arg5[%dma_wait3A_271, %dma_wait3A_275] : memref<100x128xi32, #tpu.memory_space<vmem>> -> memref<1x128xi32, #tpu.memory_space<vmem>>
      %dma_wait3A_277 = tpu.memref_squeeze %dma_wait3A_276 : memref<1x128xi32, #tpu.memory_space<vmem>> -> memref<128xi32, #tpu.memory_space<vmem>>
      %dma_wait3A_278 = arith.constant 0 : i32
      %dma_wait3A_279 = arith.constant 0 : i32
      %dma_wait3A_280 = tpu.memref_slice %arg2[%dma_wait3A_278, %dma_wait3A_279] : memref<100000x16xf32, #tpu.memory_space<hbm>> -> memref<100000x16xf32, #tpu.memory_space<hbm>>
      tpu.wait_indirect_dma semaphore(%arg8 : memref<!tpu.dma_semaphore, #tpu.memory_space<semaphore_mem>>) src(%dma_wait3A_280 : memref<100000x16xf32, #tpu.memory_space<hbm>>) dst(%dma_wait3A_274 : memref<128x16xf32, #tpu.memory_space<vmem>>)
      %dma_wait3A_281 = arith.constant 4 : i32
      %dma_wait3A_282 = arith.constant 512 : i32
      %dma_wait3A_283 = arith.constant 0 : i32
      %dma_wait3A_284 = tpu.memref_slice %arg6[%dma_wait3A_282, %dma_wait3A_283] : memref<1280x16xf32, #tpu.memory_space<vmem>> -> memref<128x16xf32, #tpu.memory_space<vmem>>
      %dma_wait3A_285 = arith.constant 0 : i32
      %dma_wait3A_286 = tpu.memref_slice %arg5[%dma_wait3A_281, %dma_wait3A_285] : memref<100x128xi32, #tpu.memory_space<vmem>> -> memref<1x128xi32, #tpu.memory_space<vmem>>
      %dma_wait3A_287 = tpu.memref_squeeze %dma_wait3A_286 : memref<1x128xi32, #tpu.memory_space<vmem>> -> memref<128xi32, #tpu.memory_space<vmem>>
      %dma_wait3A_288 = arith.constant 0 : i32
      %dma_wait3A_289 = arith.constant 0 : i32
      %dma_wait3A_290 = tpu.memref_slice %arg2[%dma_wait3A_288, %dma_wait3A_289] : memref<100000x16xf32, #tpu.memory_space<hbm>> -> memref<100000x16xf32, #tpu.memory_space<hbm>>
      tpu.wait_indirect_dma semaphore(%arg8 : memref<!tpu.dma_semaphore, #tpu.memory_space<semaphore_mem>>) src(%dma_wait3A_290 : memref<100000x16xf32, #tpu.memory_space<hbm>>) dst(%dma_wait3A_284 : memref<128x16xf32, #tpu.memory_space<vmem>>)
      %dma_wait3A_291 = arith.constant 5 : i32
      %dma_wait3A_292 = arith.constant 640 : i32
      %dma_wait3A_293 = arith.constant 0 : i32
      %dma_wait3A_294 = tpu.memref_slice %arg6[%dma_wait3A_292, %dma_wait3A_293] : memref<1280x16xf32, #tpu.memory_space<vmem>> -> memref<128x16xf32, #tpu.memory_space<vmem>>
      %dma_wait3A_295 = arith.constant 0 : i32
      %dma_wait3A_296 = tpu.memref_slice %arg5[%dma_wait3A_291, %dma_wait3A_295] : memref<100x128xi32, #tpu.memory_space<vmem>> -> memref<1x128xi32, #tpu.memory_space<vmem>>
      %dma_wait3A_297 = tpu.memref_squeeze %dma_wait3A_296 : memref<1x128xi32, #tpu.memory_space<vmem>> -> memref<128xi32, #tpu.memory_space<vmem>>
      %dma_wait3A_298 = arith.constant 0 : i32
      %dma_wait3A_299 = arith.constant 0 : i32
      %dma_wait3A_300 = tpu.memref_slice %arg2[%dma_wait3A_298, %dma_wait3A_299] : memref<100000x16xf32, #tpu.memory_space<hbm>> -> memref<100000x16xf32, #tpu.memory_space<hbm>>
      tpu.wait_indirect_dma semaphore(%arg8 : memref<!tpu.dma_semaphore, #tpu.memory_space<semaphore_mem>>) src(%dma_wait3A_300 : memref<100000x16xf32, #tpu.memory_space<hbm>>) dst(%dma_wait3A_294 : memref<128x16xf32, #tpu.memory_space<vmem>>)
      %dma_wait3A_301 = arith.constant 6 : i32
      %dma_wait3A_302 = arith.constant 768 : i32
      %dma_wait3A_303 = arith.constant 0 : i32
      %dma_wait3A_304 = tpu.memref_slice %arg6[%dma_wait3A_302, %dma_wait3A_303] : memref<1280x16xf32, #tpu.memory_space<vmem>> -> memref<128x16xf32, #tpu.memory_space<vmem>>
      %dma_wait3A_305 = arith.constant 0 : i32
      %dma_wait3A_306 = tpu.memref_slice %arg5[%dma_wait3A_301, %dma_wait3A_305] : memref<100x128xi32, #tpu.memory_space<vmem>> -> memref<1x128xi32, #tpu.memory_space<vmem>>
      %dma_wait3A_307 = tpu.memref_squeeze %dma_wait3A_306 : memref<1x128xi32, #tpu.memory_space<vmem>> -> memref<128xi32, #tpu.memory_space<vmem>>
      %dma_wait3A_308 = arith.constant 0 : i32
      %dma_wait3A_309 = arith.constant 0 : i32
      %dma_wait3A_310 = tpu.memref_slice %arg2[%dma_wait3A_308, %dma_wait3A_309] : memref<100000x16xf32, #tpu.memory_space<hbm>> -> memref<100000x16xf32, #tpu.memory_space<hbm>>
      tpu.wait_indirect_dma semaphore(%arg8 : memref<!tpu.dma_semaphore, #tpu.memory_space<semaphore_mem>>) src(%dma_wait3A_310 : memref<100000x16xf32, #tpu.memory_space<hbm>>) dst(%dma_wait3A_304 : memref<128x16xf32, #tpu.memory_space<vmem>>)
      %dma_wait3A_311 = arith.constant 7 : i32
      %dma_wait3A_312 = arith.constant 896 : i32
      %dma_wait3A_313 = arith.constant 0 : i32
      %dma_wait3A_314 = tpu.memref_slice %arg6[%dma_wait3A_312, %dma_wait3A_313] : memref<1280x16xf32, #tpu.memory_space<vmem>> -> memref<128x16xf32, #tpu.memory_space<vmem>>
      %dma_wait3A_315 = arith.constant 0 : i32
      %dma_wait3A_316 = tpu.memref_slice %arg5[%dma_wait3A_311, %dma_wait3A_315] : memref<100x128xi32, #tpu.memory_space<vmem>> -> memref<1x128xi32, #tpu.memory_space<vmem>>
      %dma_wait3A_317 = tpu.memref_squeeze %dma_wait3A_316 : memref<1x128xi32, #tpu.memory_space<vmem>> -> memref<128xi32, #tpu.memory_space<vmem>>
      %dma_wait3A_318 = arith.constant 0 : i32
      %dma_wait3A_319 = arith.constant 0 : i32
      %dma_wait3A_320 = tpu.memref_slice %arg2[%dma_wait3A_318, %dma_wait3A_319] : memref<100000x16xf32, #tpu.memory_space<hbm>> -> memref<100000x16xf32, #tpu.memory_space<hbm>>
      tpu.wait_indirect_dma semaphore(%arg8 : memref<!tpu.dma_semaphore, #tpu.memory_space<semaphore_mem>>) src(%dma_wait3A_320 : memref<100000x16xf32, #tpu.memory_space<hbm>>) dst(%dma_wait3A_314 : memref<128x16xf32, #tpu.memory_space<vmem>>)
      %dma_wait3A_321 = arith.constant 8 : i32
      %dma_wait3A_322 = arith.constant 1024 : i32
      %dma_wait3A_323 = arith.constant 0 : i32
      %dma_wait3A_324 = tpu.memref_slice %arg6[%dma_wait3A_322, %dma_wait3A_323] : memref<1280x16xf32, #tpu.memory_space<vmem>> -> memref<128x16xf32, #tpu.memory_space<vmem>>
      %dma_wait3A_325 = arith.constant 0 : i32
      %dma_wait3A_326 = tpu.memref_slice %arg5[%dma_wait3A_321, %dma_wait3A_325] : memref<100x128xi32, #tpu.memory_space<vmem>> -> memref<1x128xi32, #tpu.memory_space<vmem>>
      %dma_wait3A_327 = tpu.memref_squeeze %dma_wait3A_326 : memref<1x128xi32, #tpu.memory_space<vmem>> -> memref<128xi32, #tpu.memory_space<vmem>>
      %dma_wait3A_328 = arith.constant 0 : i32
      %dma_wait3A_329 = arith.constant 0 : i32
      %dma_wait3A_330 = tpu.memref_slice %arg2[%dma_wait3A_328, %dma_wait3A_329] : memref<100000x16xf32, #tpu.memory_space<hbm>> -> memref<100000x16xf32, #tpu.memory_space<hbm>>
      tpu.wait_indirect_dma semaphore(%arg8 : memref<!tpu.dma_semaphore, #tpu.memory_space<semaphore_mem>>) src(%dma_wait3A_330 : memref<100000x16xf32, #tpu.memory_space<hbm>>) dst(%dma_wait3A_324 : memref<128x16xf32, #tpu.memory_space<vmem>>)
      %dma_wait3A_331 = arith.constant 9 : i32
      %dma_wait3A_332 = arith.constant 1152 : i32
      %dma_wait3A_333 = arith.constant 0 : i32
      %dma_wait3A_334 = tpu.memref_slice %arg6[%dma_wait3A_332, %dma_wait3A_333] : memref<1280x16xf32, #tpu.memory_space<vmem>> -> memref<128x16xf32, #tpu.memory_space<vmem>>
      %dma_wait3A_335 = arith.constant 0 : i32
      %dma_wait3A_336 = tpu.memref_slice %arg5[%dma_wait3A_331, %dma_wait3A_335] : memref<100x128xi32, #tpu.memory_space<vmem>> -> memref<1x128xi32, #tpu.memory_space<vmem>>
      %dma_wait3A_337 = tpu.memref_squeeze %dma_wait3A_336 : memref<1x128xi32, #tpu.memory_space<vmem>> -> memref<128xi32, #tpu.memory_space<vmem>>
      %dma_wait3A_338 = arith.constant 0 : i32
      %dma_wait3A_339 = arith.constant 0 : i32
      %dma_wait3A_340 = tpu.memref_slice %arg2[%dma_wait3A_338, %dma_wait3A_339] : memref<100000x16xf32, #tpu.memory_space<hbm>> -> memref<100000x16xf32, #tpu.memory_space<hbm>>
      tpu.wait_indirect_dma semaphore(%arg8 : memref<!tpu.dma_semaphore, #tpu.memory_space<semaphore_mem>>) src(%dma_wait3A_340 : memref<100000x16xf32, #tpu.memory_space<hbm>>) dst(%dma_wait3A_334 : memref<128x16xf32, #tpu.memory_space<vmem>>)
      %mul3A_341 = arith.constant 1280 : i32
      %mul3A_342 = arith.muli %mul3A_109, %mul3A_341 : i32
      %add3A_343 = arith.addi %mul3A_2, %mul3A_342 : i32
      %multiple_of3A = tpu.assume_multiple %add3A_343, 128 : i32
      "tpu.region"() ({
        %run_scoped3A = tpu.sem_alloc : memref<!tpu.dma_semaphore, #tpu.memory_space<semaphore_mem>>
        %dma_start3A_454 = arith.constant 0 : i32
        %dma_start3A_455 = tpu.memref_slice %arg4[%multiple_of3A, %dma_start3A_454] : memref<409600x16xf32, #tpu.memory_space<hbm>> -> memref<1280x16xf32, #tpu.memory_space<hbm>>
        %dma_start3A_456 = arith.constant 0 : i32
        %dma_start3A_457 = tpu.memref_slice %arg4[%multiple_of3A, %dma_start3A_456] : memref<409600x16xf32, #tpu.memory_space<hbm>> -> memref<1280x16xf32, #tpu.memory_space<hbm>>
        tpu.enqueue_dma source(%arg6 : memref<1280x16xf32, #tpu.memory_space<vmem>>) target(%dma_start3A_457 : memref<1280x16xf32, #tpu.memory_space<hbm>>) target_semaphore(%run_scoped3A : memref<!tpu.dma_semaphore, #tpu.memory_space<semaphore_mem>>)
        %dma_wait3A_458 = arith.constant 0 : i32
        %dma_wait3A_459 = tpu.memref_slice %arg4[%multiple_of3A, %dma_wait3A_458] : memref<409600x16xf32, #tpu.memory_space<hbm>> -> memref<1280x16xf32, #tpu.memory_space<hbm>>
        %dma_wait3A_460 = arith.constant 0 : i32
        %dma_wait3A_461 = tpu.memref_slice %arg4[%multiple_of3A, %dma_wait3A_460] : memref<409600x16xf32, #tpu.memory_space<hbm>> -> memref<1280x16xf32, #tpu.memory_space<hbm>>
        tpu.wait_dma2 semaphore(%run_scoped3A : memref<!tpu.dma_semaphore, #tpu.memory_space<semaphore_mem>>) src(%arg6 : memref<1280x16xf32, #tpu.memory_space<vmem>>) dst(%dma_wait3A_461 : memref<1280x16xf32, #tpu.memory_space<hbm>>)
        tpu.yield
      }) : () -> ()
      %add3A_344 = arith.constant 2 : i32
      %add3A_345 = arith.addi %mul3A_109, %add3A_344 : i32
      %lt3A = arith.constant 10 : i32
      %lt3A_346 = arith.cmpi slt, %add3A_345, %lt3A : i32
      %convert_element_type3A = arith.extui %lt3A_346 : i1 to i32
      %cond3A = arith.constant 0 : i32
      %cond3A_347 = arith.cmpi ne, %convert_element_type3A, %cond3A : i32
      scf.if %cond3A_347 {
        %add3A_454 = arith.constant 2 : i32
        %add3A_455 = arith.addi %mul3A_109, %add3A_454 : i32
        %mul3A_456 = arith.constant 10 : i32
        %mul3A_457 = arith.muli %add3A_455, %mul3A_456 : i32
        %add3A_458 = arith.constant 0 : i32
        %add3A_459 = arith.addi %mul3A_457, %add3A_458 : i32
        %dma_start3A_460 = arith.constant 0 : i32
        %dma_start3A_461 = arith.constant 0 : i32
        %dma_start3A_462 = tpu.memref_slice %arg6[%dma_start3A_460, %dma_start3A_461] : memref<1280x16xf32, #tpu.memory_space<vmem>> -> memref<128x16xf32, #tpu.memory_space<vmem>>
        %dma_start3A_463 = arith.constant 0 : i32
        %dma_start3A_464 = tpu.memref_slice %arg5[%add3A_459, %dma_start3A_463] : memref<100x128xi32, #tpu.memory_space<vmem>> -> memref<1x128xi32, #tpu.memory_space<vmem>>
        %dma_start3A_465 = tpu.memref_squeeze %dma_start3A_464 : memref<1x128xi32, #tpu.memory_space<vmem>> -> memref<128xi32, #tpu.memory_space<vmem>>
        %dma_start3A_466 = arith.constant 0 : i32
        %dma_start3A_467 = arith.constant 0 : i32
        %dma_start3A_468 = tpu.memref_slice %arg2[%dma_start3A_466, %dma_start3A_467] : memref<100000x16xf32, #tpu.memory_space<hbm>> -> memref<100000x16xf32, #tpu.memory_space<hbm>>
        tpu.enqueue_indirect_dma source(%dma_start3A_468 : memref<100000x16xf32, #tpu.memory_space<hbm>>) target(%dma_start3A_462 : memref<128x16xf32, #tpu.memory_space<vmem>>) offsets(%dma_start3A_465 : memref<128xi32, #tpu.memory_space<vmem>>) semaphore(%arg8 : memref<!tpu.dma_semaphore, #tpu.memory_space<semaphore_mem>>)
        %mul3A_469 = arith.constant 10 : i32
        %mul3A_470 = arith.muli %add3A_455, %mul3A_469 : i32
        %add3A_471 = arith.constant 1 : i32
        %add3A_472 = arith.addi %mul3A_470, %add3A_471 : i32
        %dma_start3A_473 = arith.constant 128 : i32
        %dma_start3A_474 = arith.constant 0 : i32
        %dma_start3A_475 = tpu.memref_slice %arg6[%dma_start3A_473, %dma_start3A_474] : memref<1280x16xf32, #tpu.memory_space<vmem>> -> memref<128x16xf32, #tpu.memory_space<vmem>>
        %dma_start3A_476 = arith.constant 0 : i32
        %dma_start3A_477 = tpu.memref_slice %arg5[%add3A_472, %dma_start3A_476] : memref<100x128xi32, #tpu.memory_space<vmem>> -> memref<1x128xi32, #tpu.memory_space<vmem>>
        %dma_start3A_478 = tpu.memref_squeeze %dma_start3A_477 : memref<1x128xi32, #tpu.memory_space<vmem>> -> memref<128xi32, #tpu.memory_space<vmem>>
        %dma_start3A_479 = arith.constant 0 : i32
        %dma_start3A_480 = arith.constant 0 : i32
        %dma_start3A_481 = tpu.memref_slice %arg2[%dma_start3A_479, %dma_start3A_480] : memref<100000x16xf32, #tpu.memory_space<hbm>> -> memref<100000x16xf32, #tpu.memory_space<hbm>>
        tpu.enqueue_indirect_dma source(%dma_start3A_481 : memref<100000x16xf32, #tpu.memory_space<hbm>>) target(%dma_start3A_475 : memref<128x16xf32, #tpu.memory_space<vmem>>) offsets(%dma_start3A_478 : memref<128xi32, #tpu.memory_space<vmem>>) semaphore(%arg8 : memref<!tpu.dma_semaphore, #tpu.memory_space<semaphore_mem>>)
        %mul3A_482 = arith.constant 10 : i32
        %mul3A_483 = arith.muli %add3A_455, %mul3A_482 : i32
        %add3A_484 = arith.constant 2 : i32
        %add3A_485 = arith.addi %mul3A_483, %add3A_484 : i32
        %dma_start3A_486 = arith.constant 256 : i32
        %dma_start3A_487 = arith.constant 0 : i32
        %dma_start3A_488 = tpu.memref_slice %arg6[%dma_start3A_486, %dma_start3A_487] : memref<1280x16xf32, #tpu.memory_space<vmem>> -> memref<128x16xf32, #tpu.memory_space<vmem>>
        %dma_start3A_489 = arith.constant 0 : i32
        %dma_start3A_490 = tpu.memref_slice %arg5[%add3A_485, %dma_start3A_489] : memref<100x128xi32, #tpu.memory_space<vmem>> -> memref<1x128xi32, #tpu.memory_space<vmem>>
        %dma_start3A_491 = tpu.memref_squeeze %dma_start3A_490 : memref<1x128xi32, #tpu.memory_space<vmem>> -> memref<128xi32, #tpu.memory_space<vmem>>
        %dma_start3A_492 = arith.constant 0 : i32
        %dma_start3A_493 = arith.constant 0 : i32
        %dma_start3A_494 = tpu.memref_slice %arg2[%dma_start3A_492, %dma_start3A_493] : memref<100000x16xf32, #tpu.memory_space<hbm>> -> memref<100000x16xf32, #tpu.memory_space<hbm>>
        tpu.enqueue_indirect_dma source(%dma_start3A_494 : memref<100000x16xf32, #tpu.memory_space<hbm>>) target(%dma_start3A_488 : memref<128x16xf32, #tpu.memory_space<vmem>>) offsets(%dma_start3A_491 : memref<128xi32, #tpu.memory_space<vmem>>) semaphore(%arg8 : memref<!tpu.dma_semaphore, #tpu.memory_space<semaphore_mem>>)
        %mul3A_495 = arith.constant 10 : i32
        %mul3A_496 = arith.muli %add3A_455, %mul3A_495 : i32
        %add3A_497 = arith.constant 3 : i32
        %add3A_498 = arith.addi %mul3A_496, %add3A_497 : i32
        %dma_start3A_499 = arith.constant 384 : i32
        %dma_start3A_500 = arith.constant 0 : i32
        %dma_start3A_501 = tpu.memref_slice %arg6[%dma_start3A_499, %dma_start3A_500] : memref<1280x16xf32, #tpu.memory_space<vmem>> -> memref<128x16xf32, #tpu.memory_space<vmem>>
        %dma_start3A_502 = arith.constant 0 : i32
        %dma_start3A_503 = tpu.memref_slice %arg5[%add3A_498, %dma_start3A_502] : memref<100x128xi32, #tpu.memory_space<vmem>> -> memref<1x128xi32, #tpu.memory_space<vmem>>
        %dma_start3A_504 = tpu.memref_squeeze %dma_start3A_503 : memref<1x128xi32, #tpu.memory_space<vmem>> -> memref<128xi32, #tpu.memory_space<vmem>>
        %dma_start3A_505 = arith.constant 0 : i32
        %dma_start3A_506 = arith.constant 0 : i32
        %dma_start3A_507 = tpu.memref_slice %arg2[%dma_start3A_505, %dma_start3A_506] : memref<100000x16xf32, #tpu.memory_space<hbm>> -> memref<100000x16xf32, #tpu.memory_space<hbm>>
        tpu.enqueue_indirect_dma source(%dma_start3A_507 : memref<100000x16xf32, #tpu.memory_space<hbm>>) target(%dma_start3A_501 : memref<128x16xf32, #tpu.memory_space<vmem>>) offsets(%dma_start3A_504 : memref<128xi32, #tpu.memory_space<vmem>>) semaphore(%arg8 : memref<!tpu.dma_semaphore, #tpu.memory_space<semaphore_mem>>)
        %mul3A_508 = arith.constant 10 : i32
        %mul3A_509 = arith.muli %add3A_455, %mul3A_508 : i32
        %add3A_510 = arith.constant 4 : i32
        %add3A_511 = arith.addi %mul3A_509, %add3A_510 : i32
        %dma_start3A_512 = arith.constant 512 : i32
        %dma_start3A_513 = arith.constant 0 : i32
        %dma_start3A_514 = tpu.memref_slice %arg6[%dma_start3A_512, %dma_start3A_513] : memref<1280x16xf32, #tpu.memory_space<vmem>> -> memref<128x16xf32, #tpu.memory_space<vmem>>
        %dma_start3A_515 = arith.constant 0 : i32
        %dma_start3A_516 = tpu.memref_slice %arg5[%add3A_511, %dma_start3A_515] : memref<100x128xi32, #tpu.memory_space<vmem>> -> memref<1x128xi32, #tpu.memory_space<vmem>>
        %dma_start3A_517 = tpu.memref_squeeze %dma_start3A_516 : memref<1x128xi32, #tpu.memory_space<vmem>> -> memref<128xi32, #tpu.memory_space<vmem>>
        %dma_start3A_518 = arith.constant 0 : i32
        %dma_start3A_519 = arith.constant 0 : i32
        %dma_start3A_520 = tpu.memref_slice %arg2[%dma_start3A_518, %dma_start3A_519] : memref<100000x16xf32, #tpu.memory_space<hbm>> -> memref<100000x16xf32, #tpu.memory_space<hbm>>
        tpu.enqueue_indirect_dma source(%dma_start3A_520 : memref<100000x16xf32, #tpu.memory_space<hbm>>) target(%dma_start3A_514 : memref<128x16xf32, #tpu.memory_space<vmem>>) offsets(%dma_start3A_517 : memref<128xi32, #tpu.memory_space<vmem>>) semaphore(%arg8 : memref<!tpu.dma_semaphore, #tpu.memory_space<semaphore_mem>>)
        %mul3A_521 = arith.constant 10 : i32
        %mul3A_522 = arith.muli %add3A_455, %mul3A_521 : i32
        %add3A_523 = arith.constant 5 : i32
        %add3A_524 = arith.addi %mul3A_522, %add3A_523 : i32
        %dma_start3A_525 = arith.constant 640 : i32
        %dma_start3A_526 = arith.constant 0 : i32
        %dma_start3A_527 = tpu.memref_slice %arg6[%dma_start3A_525, %dma_start3A_526] : memref<1280x16xf32, #tpu.memory_space<vmem>> -> memref<128x16xf32, #tpu.memory_space<vmem>>
        %dma_start3A_528 = arith.constant 0 : i32
        %dma_start3A_529 = tpu.memref_slice %arg5[%add3A_524, %dma_start3A_528] : memref<100x128xi32, #tpu.memory_space<vmem>> -> memref<1x128xi32, #tpu.memory_space<vmem>>
        %dma_start3A_530 = tpu.memref_squeeze %dma_start3A_529 : memref<1x128xi32, #tpu.memory_space<vmem>> -> memref<128xi32, #tpu.memory_space<vmem>>
        %dma_start3A_531 = arith.constant 0 : i32
        %dma_start3A_532 = arith.constant 0 : i32
        %dma_start3A_533 = tpu.memref_slice %arg2[%dma_start3A_531, %dma_start3A_532] : memref<100000x16xf32, #tpu.memory_space<hbm>> -> memref<100000x16xf32, #tpu.memory_space<hbm>>
        tpu.enqueue_indirect_dma source(%dma_start3A_533 : memref<100000x16xf32, #tpu.memory_space<hbm>>) target(%dma_start3A_527 : memref<128x16xf32, #tpu.memory_space<vmem>>) offsets(%dma_start3A_530 : memref<128xi32, #tpu.memory_space<vmem>>) semaphore(%arg8 : memref<!tpu.dma_semaphore, #tpu.memory_space<semaphore_mem>>)
        %mul3A_534 = arith.constant 10 : i32
        %mul3A_535 = arith.muli %add3A_455, %mul3A_534 : i32
        %add3A_536 = arith.constant 6 : i32
        %add3A_537 = arith.addi %mul3A_535, %add3A_536 : i32
        %dma_start3A_538 = arith.constant 768 : i32
        %dma_start3A_539 = arith.constant 0 : i32
        %dma_start3A_540 = tpu.memref_slice %arg6[%dma_start3A_538, %dma_start3A_539] : memref<1280x16xf32, #tpu.memory_space<vmem>> -> memref<128x16xf32, #tpu.memory_space<vmem>>
        %dma_start3A_541 = arith.constant 0 : i32
        %dma_start3A_542 = tpu.memref_slice %arg5[%add3A_537, %dma_start3A_541] : memref<100x128xi32, #tpu.memory_space<vmem>> -> memref<1x128xi32, #tpu.memory_space<vmem>>
        %dma_start3A_543 = tpu.memref_squeeze %dma_start3A_542 : memref<1x128xi32, #tpu.memory_space<vmem>> -> memref<128xi32, #tpu.memory_space<vmem>>
        %dma_start3A_544 = arith.constant 0 : i32
        %dma_start3A_545 = arith.constant 0 : i32
        %dma_start3A_546 = tpu.memref_slice %arg2[%dma_start3A_544, %dma_start3A_545] : memref<100000x16xf32, #tpu.memory_space<hbm>> -> memref<100000x16xf32, #tpu.memory_space<hbm>>
        tpu.enqueue_indirect_dma source(%dma_start3A_546 : memref<100000x16xf32, #tpu.memory_space<hbm>>) target(%dma_start3A_540 : memref<128x16xf32, #tpu.memory_space<vmem>>) offsets(%dma_start3A_543 : memref<128xi32, #tpu.memory_space<vmem>>) semaphore(%arg8 : memref<!tpu.dma_semaphore, #tpu.memory_space<semaphore_mem>>)
        %mul3A_547 = arith.constant 10 : i32
        %mul3A_548 = arith.muli %add3A_455, %mul3A_547 : i32
        %add3A_549 = arith.constant 7 : i32
        %add3A_550 = arith.addi %mul3A_548, %add3A_549 : i32
        %dma_start3A_551 = arith.constant 896 : i32
        %dma_start3A_552 = arith.constant 0 : i32
        %dma_start3A_553 = tpu.memref_slice %arg6[%dma_start3A_551, %dma_start3A_552] : memref<1280x16xf32, #tpu.memory_space<vmem>> -> memref<128x16xf32, #tpu.memory_space<vmem>>
        %dma_start3A_554 = arith.constant 0 : i32
        %dma_start3A_555 = tpu.memref_slice %arg5[%add3A_550, %dma_start3A_554] : memref<100x128xi32, #tpu.memory_space<vmem>> -> memref<1x128xi32, #tpu.memory_space<vmem>>
        %dma_start3A_556 = tpu.memref_squeeze %dma_start3A_555 : memref<1x128xi32, #tpu.memory_space<vmem>> -> memref<128xi32, #tpu.memory_space<vmem>>
        %dma_start3A_557 = arith.constant 0 : i32
        %dma_start3A_558 = arith.constant 0 : i32
        %dma_start3A_559 = tpu.memref_slice %arg2[%dma_start3A_557, %dma_start3A_558] : memref<100000x16xf32, #tpu.memory_space<hbm>> -> memref<100000x16xf32, #tpu.memory_space<hbm>>
        tpu.enqueue_indirect_dma source(%dma_start3A_559 : memref<100000x16xf32, #tpu.memory_space<hbm>>) target(%dma_start3A_553 : memref<128x16xf32, #tpu.memory_space<vmem>>) offsets(%dma_start3A_556 : memref<128xi32, #tpu.memory_space<vmem>>) semaphore(%arg8 : memref<!tpu.dma_semaphore, #tpu.memory_space<semaphore_mem>>)
        %mul3A_560 = arith.constant 10 : i32
        %mul3A_561 = arith.muli %add3A_455, %mul3A_560 : i32
        %add3A_562 = arith.constant 8 : i32
        %add3A_563 = arith.addi %mul3A_561, %add3A_562 : i32
        %dma_start3A_564 = arith.constant 1024 : i32
        %dma_start3A_565 = arith.constant 0 : i32
        %dma_start3A_566 = tpu.memref_slice %arg6[%dma_start3A_564, %dma_start3A_565] : memref<1280x16xf32, #tpu.memory_space<vmem>> -> memref<128x16xf32, #tpu.memory_space<vmem>>
        %dma_start3A_567 = arith.constant 0 : i32
        %dma_start3A_568 = tpu.memref_slice %arg5[%add3A_563, %dma_start3A_567] : memref<100x128xi32, #tpu.memory_space<vmem>> -> memref<1x128xi32, #tpu.memory_space<vmem>>
        %dma_start3A_569 = tpu.memref_squeeze %dma_start3A_568 : memref<1x128xi32, #tpu.memory_space<vmem>> -> memref<128xi32, #tpu.memory_space<vmem>>
        %dma_start3A_570 = arith.constant 0 : i32
        %dma_start3A_571 = arith.constant 0 : i32
        %dma_start3A_572 = tpu.memref_slice %arg2[%dma_start3A_570, %dma_start3A_571] : memref<100000x16xf32, #tpu.memory_space<hbm>> -> memref<100000x16xf32, #tpu.memory_space<hbm>>
        tpu.enqueue_indirect_dma source(%dma_start3A_572 : memref<100000x16xf32, #tpu.memory_space<hbm>>) target(%dma_start3A_566 : memref<128x16xf32, #tpu.memory_space<vmem>>) offsets(%dma_start3A_569 : memref<128xi32, #tpu.memory_space<vmem>>) semaphore(%arg8 : memref<!tpu.dma_semaphore, #tpu.memory_space<semaphore_mem>>)
        %mul3A_573 = arith.constant 10 : i32
        %mul3A_574 = arith.muli %add3A_455, %mul3A_573 : i32
        %add3A_575 = arith.constant 9 : i32
        %add3A_576 = arith.addi %mul3A_574, %add3A_575 : i32
        %dma_start3A_577 = arith.constant 1152 : i32
        %dma_start3A_578 = arith.constant 0 : i32
        %dma_start3A_579 = tpu.memref_slice %arg6[%dma_start3A_577, %dma_start3A_578] : memref<1280x16xf32, #tpu.memory_space<vmem>> -> memref<128x16xf32, #tpu.memory_space<vmem>>
        %dma_start3A_580 = arith.constant 0 : i32
        %dma_start3A_581 = tpu.memref_slice %arg5[%add3A_576, %dma_start3A_580] : memref<100x128xi32, #tpu.memory_space<vmem>> -> memref<1x128xi32, #tpu.memory_space<vmem>>
        %dma_start3A_582 = tpu.memref_squeeze %dma_start3A_581 : memref<1x128xi32, #tpu.memory_space<vmem>> -> memref<128xi32, #tpu.memory_space<vmem>>
        %dma_start3A_583 = arith.constant 0 : i32
        %dma_start3A_584 = arith.constant 0 : i32
        %dma_start3A_585 = tpu.memref_slice %arg2[%dma_start3A_583, %dma_start3A_584] : memref<100000x16xf32, #tpu.memory_space<hbm>> -> memref<100000x16xf32, #tpu.memory_space<hbm>>
        tpu.enqueue_indirect_dma source(%dma_start3A_585 : memref<100000x16xf32, #tpu.memory_space<hbm>>) target(%dma_start3A_579 : memref<128x16xf32, #tpu.memory_space<vmem>>) offsets(%dma_start3A_582 : memref<128xi32, #tpu.memory_space<vmem>>) semaphore(%arg8 : memref<!tpu.dma_semaphore, #tpu.memory_space<semaphore_mem>>)
      } else {
      }
      %dma_wait3A_348 = arith.constant 0 : i32
      %dma_wait3A_349 = arith.constant 0 : i32
      %dma_wait3A_350 = arith.constant 0 : i32
      %dma_wait3A_351 = tpu.memref_slice %arg7[%dma_wait3A_349, %dma_wait3A_350] : memref<1280x16xf32, #tpu.memory_space<vmem>> -> memref<128x16xf32, #tpu.memory_space<vmem>>
      %dma_wait3A_352 = arith.constant 0 : i32
      %dma_wait3A_353 = tpu.memref_slice %arg5[%dma_wait3A_348, %dma_wait3A_352] : memref<100x128xi32, #tpu.memory_space<vmem>> -> memref<1x128xi32, #tpu.memory_space<vmem>>
      %dma_wait3A_354 = tpu.memref_squeeze %dma_wait3A_353 : memref<1x128xi32, #tpu.memory_space<vmem>> -> memref<128xi32, #tpu.memory_space<vmem>>
      %dma_wait3A_355 = arith.constant 0 : i32
      %dma_wait3A_356 = arith.constant 0 : i32
      %dma_wait3A_357 = tpu.memref_slice %arg2[%dma_wait3A_355, %dma_wait3A_356] : memref<100000x16xf32, #tpu.memory_space<hbm>> -> memref<100000x16xf32, #tpu.memory_space<hbm>>
      tpu.wait_indirect_dma semaphore(%arg9 : memref<!tpu.dma_semaphore, #tpu.memory_space<semaphore_mem>>) src(%dma_wait3A_357 : memref<100000x16xf32, #tpu.memory_space<hbm>>) dst(%dma_wait3A_351 : memref<128x16xf32, #tpu.memory_space<vmem>>)
      %dma_wait3A_358 = arith.constant 1 : i32
      %dma_wait3A_359 = arith.constant 128 : i32
      %dma_wait3A_360 = arith.constant 0 : i32
      %dma_wait3A_361 = tpu.memref_slice %arg7[%dma_wait3A_359, %dma_wait3A_360] : memref<1280x16xf32, #tpu.memory_space<vmem>> -> memref<128x16xf32, #tpu.memory_space<vmem>>
      %dma_wait3A_362 = arith.constant 0 : i32
      %dma_wait3A_363 = tpu.memref_slice %arg5[%dma_wait3A_358, %dma_wait3A_362] : memref<100x128xi32, #tpu.memory_space<vmem>> -> memref<1x128xi32, #tpu.memory_space<vmem>>
      %dma_wait3A_364 = tpu.memref_squeeze %dma_wait3A_363 : memref<1x128xi32, #tpu.memory_space<vmem>> -> memref<128xi32, #tpu.memory_space<vmem>>
      %dma_wait3A_365 = arith.constant 0 : i32
      %dma_wait3A_366 = arith.constant 0 : i32
      %dma_wait3A_367 = tpu.memref_slice %arg2[%dma_wait3A_365, %dma_wait3A_366] : memref<100000x16xf32, #tpu.memory_space<hbm>> -> memref<100000x16xf32, #tpu.memory_space<hbm>>
      tpu.wait_indirect_dma semaphore(%arg9 : memref<!tpu.dma_semaphore, #tpu.memory_space<semaphore_mem>>) src(%dma_wait3A_367 : memref<100000x16xf32, #tpu.memory_space<hbm>>) dst(%dma_wait3A_361 : memref<128x16xf32, #tpu.memory_space<vmem>>)
      %dma_wait3A_368 = arith.constant 2 : i32
      %dma_wait3A_369 = arith.constant 256 : i32
      %dma_wait3A_370 = arith.constant 0 : i32
      %dma_wait3A_371 = tpu.memref_slice %arg7[%dma_wait3A_369, %dma_wait3A_370] : memref<1280x16xf32, #tpu.memory_space<vmem>> -> memref<128x16xf32, #tpu.memory_space<vmem>>
      %dma_wait3A_372 = arith.constant 0 : i32
      %dma_wait3A_373 = tpu.memref_slice %arg5[%dma_wait3A_368, %dma_wait3A_372] : memref<100x128xi32, #tpu.memory_space<vmem>> -> memref<1x128xi32, #tpu.memory_space<vmem>>
      %dma_wait3A_374 = tpu.memref_squeeze %dma_wait3A_373 : memref<1x128xi32, #tpu.memory_space<vmem>> -> memref<128xi32, #tpu.memory_space<vmem>>
      %dma_wait3A_375 = arith.constant 0 : i32
      %dma_wait3A_376 = arith.constant 0 : i32
      %dma_wait3A_377 = tpu.memref_slice %arg2[%dma_wait3A_375, %dma_wait3A_376] : memref<100000x16xf32, #tpu.memory_space<hbm>> -> memref<100000x16xf32, #tpu.memory_space<hbm>>
      tpu.wait_indirect_dma semaphore(%arg9 : memref<!tpu.dma_semaphore, #tpu.memory_space<semaphore_mem>>) src(%dma_wait3A_377 : memref<100000x16xf32, #tpu.memory_space<hbm>>) dst(%dma_wait3A_371 : memref<128x16xf32, #tpu.memory_space<vmem>>)
      %dma_wait3A_378 = arith.constant 3 : i32
      %dma_wait3A_379 = arith.constant 384 : i32
      %dma_wait3A_380 = arith.constant 0 : i32
      %dma_wait3A_381 = tpu.memref_slice %arg7[%dma_wait3A_379, %dma_wait3A_380] : memref<1280x16xf32, #tpu.memory_space<vmem>> -> memref<128x16xf32, #tpu.memory_space<vmem>>
      %dma_wait3A_382 = arith.constant 0 : i32
      %dma_wait3A_383 = tpu.memref_slice %arg5[%dma_wait3A_378, %dma_wait3A_382] : memref<100x128xi32, #tpu.memory_space<vmem>> -> memref<1x128xi32, #tpu.memory_space<vmem>>
      %dma_wait3A_384 = tpu.memref_squeeze %dma_wait3A_383 : memref<1x128xi32, #tpu.memory_space<vmem>> -> memref<128xi32, #tpu.memory_space<vmem>>
      %dma_wait3A_385 = arith.constant 0 : i32
      %dma_wait3A_386 = arith.constant 0 : i32
      %dma_wait3A_387 = tpu.memref_slice %arg2[%dma_wait3A_385, %dma_wait3A_386] : memref<100000x16xf32, #tpu.memory_space<hbm>> -> memref<100000x16xf32, #tpu.memory_space<hbm>>
      tpu.wait_indirect_dma semaphore(%arg9 : memref<!tpu.dma_semaphore, #tpu.memory_space<semaphore_mem>>) src(%dma_wait3A_387 : memref<100000x16xf32, #tpu.memory_space<hbm>>) dst(%dma_wait3A_381 : memref<128x16xf32, #tpu.memory_space<vmem>>)
      %dma_wait3A_388 = arith.constant 4 : i32
      %dma_wait3A_389 = arith.constant 512 : i32
      %dma_wait3A_390 = arith.constant 0 : i32
      %dma_wait3A_391 = tpu.memref_slice %arg7[%dma_wait3A_389, %dma_wait3A_390] : memref<1280x16xf32, #tpu.memory_space<vmem>> -> memref<128x16xf32, #tpu.memory_space<vmem>>
      %dma_wait3A_392 = arith.constant 0 : i32
      %dma_wait3A_393 = tpu.memref_slice %arg5[%dma_wait3A_388, %dma_wait3A_392] : memref<100x128xi32, #tpu.memory_space<vmem>> -> memref<1x128xi32, #tpu.memory_space<vmem>>
      %dma_wait3A_394 = tpu.memref_squeeze %dma_wait3A_393 : memref<1x128xi32, #tpu.memory_space<vmem>> -> memref<128xi32, #tpu.memory_space<vmem>>
      %dma_wait3A_395 = arith.constant 0 : i32
      %dma_wait3A_396 = arith.constant 0 : i32
      %dma_wait3A_397 = tpu.memref_slice %arg2[%dma_wait3A_395, %dma_wait3A_396] : memref<100000x16xf32, #tpu.memory_space<hbm>> -> memref<100000x16xf32, #tpu.memory_space<hbm>>
      tpu.wait_indirect_dma semaphore(%arg9 : memref<!tpu.dma_semaphore, #tpu.memory_space<semaphore_mem>>) src(%dma_wait3A_397 : memref<100000x16xf32, #tpu.memory_space<hbm>>) dst(%dma_wait3A_391 : memref<128x16xf32, #tpu.memory_space<vmem>>)
      %dma_wait3A_398 = arith.constant 5 : i32
      %dma_wait3A_399 = arith.constant 640 : i32
      %dma_wait3A_400 = arith.constant 0 : i32
      %dma_wait3A_401 = tpu.memref_slice %arg7[%dma_wait3A_399, %dma_wait3A_400] : memref<1280x16xf32, #tpu.memory_space<vmem>> -> memref<128x16xf32, #tpu.memory_space<vmem>>
      %dma_wait3A_402 = arith.constant 0 : i32
      %dma_wait3A_403 = tpu.memref_slice %arg5[%dma_wait3A_398, %dma_wait3A_402] : memref<100x128xi32, #tpu.memory_space<vmem>> -> memref<1x128xi32, #tpu.memory_space<vmem>>
      %dma_wait3A_404 = tpu.memref_squeeze %dma_wait3A_403 : memref<1x128xi32, #tpu.memory_space<vmem>> -> memref<128xi32, #tpu.memory_space<vmem>>
      %dma_wait3A_405 = arith.constant 0 : i32
      %dma_wait3A_406 = arith.constant 0 : i32
      %dma_wait3A_407 = tpu.memref_slice %arg2[%dma_wait3A_405, %dma_wait3A_406] : memref<100000x16xf32, #tpu.memory_space<hbm>> -> memref<100000x16xf32, #tpu.memory_space<hbm>>
      tpu.wait_indirect_dma semaphore(%arg9 : memref<!tpu.dma_semaphore, #tpu.memory_space<semaphore_mem>>) src(%dma_wait3A_407 : memref<100000x16xf32, #tpu.memory_space<hbm>>) dst(%dma_wait3A_401 : memref<128x16xf32, #tpu.memory_space<vmem>>)
      %dma_wait3A_408 = arith.constant 6 : i32
      %dma_wait3A_409 = arith.constant 768 : i32
      %dma_wait3A_410 = arith.constant 0 : i32
      %dma_wait3A_411 = tpu.memref_slice %arg7[%dma_wait3A_409, %dma_wait3A_410] : memref<1280x16xf32, #tpu.memory_space<vmem>> -> memref<128x16xf32, #tpu.memory_space<vmem>>
      %dma_wait3A_412 = arith.constant 0 : i32
      %dma_wait3A_413 = tpu.memref_slice %arg5[%dma_wait3A_408, %dma_wait3A_412] : memref<100x128xi32, #tpu.memory_space<vmem>> -> memref<1x128xi32, #tpu.memory_space<vmem>>
      %dma_wait3A_414 = tpu.memref_squeeze %dma_wait3A_413 : memref<1x128xi32, #tpu.memory_space<vmem>> -> memref<128xi32, #tpu.memory_space<vmem>>
      %dma_wait3A_415 = arith.constant 0 : i32
      %dma_wait3A_416 = arith.constant 0 : i32
      %dma_wait3A_417 = tpu.memref_slice %arg2[%dma_wait3A_415, %dma_wait3A_416] : memref<100000x16xf32, #tpu.memory_space<hbm>> -> memref<100000x16xf32, #tpu.memory_space<hbm>>
      tpu.wait_indirect_dma semaphore(%arg9 : memref<!tpu.dma_semaphore, #tpu.memory_space<semaphore_mem>>) src(%dma_wait3A_417 : memref<100000x16xf32, #tpu.memory_space<hbm>>) dst(%dma_wait3A_411 : memref<128x16xf32, #tpu.memory_space<vmem>>)
      %dma_wait3A_418 = arith.constant 7 : i32
      %dma_wait3A_419 = arith.constant 896 : i32
      %dma_wait3A_420 = arith.constant 0 : i32
      %dma_wait3A_421 = tpu.memref_slice %arg7[%dma_wait3A_419, %dma_wait3A_420] : memref<1280x16xf32, #tpu.memory_space<vmem>> -> memref<128x16xf32, #tpu.memory_space<vmem>>
      %dma_wait3A_422 = arith.constant 0 : i32
      %dma_wait3A_423 = tpu.memref_slice %arg5[%dma_wait3A_418, %dma_wait3A_422] : memref<100x128xi32, #tpu.memory_space<vmem>> -> memref<1x128xi32, #tpu.memory_space<vmem>>
      %dma_wait3A_424 = tpu.memref_squeeze %dma_wait3A_423 : memref<1x128xi32, #tpu.memory_space<vmem>> -> memref<128xi32, #tpu.memory_space<vmem>>
      %dma_wait3A_425 = arith.constant 0 : i32
      %dma_wait3A_426 = arith.constant 0 : i32
      %dma_wait3A_427 = tpu.memref_slice %arg2[%dma_wait3A_425, %dma_wait3A_426] : memref<100000x16xf32, #tpu.memory_space<hbm>> -> memref<100000x16xf32, #tpu.memory_space<hbm>>
      tpu.wait_indirect_dma semaphore(%arg9 : memref<!tpu.dma_semaphore, #tpu.memory_space<semaphore_mem>>) src(%dma_wait3A_427 : memref<100000x16xf32, #tpu.memory_space<hbm>>) dst(%dma_wait3A_421 : memref<128x16xf32, #tpu.memory_space<vmem>>)
      %dma_wait3A_428 = arith.constant 8 : i32
      %dma_wait3A_429 = arith.constant 1024 : i32
      %dma_wait3A_430 = arith.constant 0 : i32
      %dma_wait3A_431 = tpu.memref_slice %arg7[%dma_wait3A_429, %dma_wait3A_430] : memref<1280x16xf32, #tpu.memory_space<vmem>> -> memref<128x16xf32, #tpu.memory_space<vmem>>
      %dma_wait3A_432 = arith.constant 0 : i32
      %dma_wait3A_433 = tpu.memref_slice %arg5[%dma_wait3A_428, %dma_wait3A_432] : memref<100x128xi32, #tpu.memory_space<vmem>> -> memref<1x128xi32, #tpu.memory_space<vmem>>
      %dma_wait3A_434 = tpu.memref_squeeze %dma_wait3A_433 : memref<1x128xi32, #tpu.memory_space<vmem>> -> memref<128xi32, #tpu.memory_space<vmem>>
      %dma_wait3A_435 = arith.constant 0 : i32
      %dma_wait3A_436 = arith.constant 0 : i32
      %dma_wait3A_437 = tpu.memref_slice %arg2[%dma_wait3A_435, %dma_wait3A_436] : memref<100000x16xf32, #tpu.memory_space<hbm>> -> memref<100000x16xf32, #tpu.memory_space<hbm>>
      tpu.wait_indirect_dma semaphore(%arg9 : memref<!tpu.dma_semaphore, #tpu.memory_space<semaphore_mem>>) src(%dma_wait3A_437 : memref<100000x16xf32, #tpu.memory_space<hbm>>) dst(%dma_wait3A_431 : memref<128x16xf32, #tpu.memory_space<vmem>>)
      %dma_wait3A_438 = arith.constant 9 : i32
      %dma_wait3A_439 = arith.constant 1152 : i32
      %dma_wait3A_440 = arith.constant 0 : i32
      %dma_wait3A_441 = tpu.memref_slice %arg7[%dma_wait3A_439, %dma_wait3A_440] : memref<1280x16xf32, #tpu.memory_space<vmem>> -> memref<128x16xf32, #tpu.memory_space<vmem>>
      %dma_wait3A_442 = arith.constant 0 : i32
      %dma_wait3A_443 = tpu.memref_slice %arg5[%dma_wait3A_438, %dma_wait3A_442] : memref<100x128xi32, #tpu.memory_space<vmem>> -> memref<1x128xi32, #tpu.memory_space<vmem>>
      %dma_wait3A_444 = tpu.memref_squeeze %dma_wait3A_443 : memref<1x128xi32, #tpu.memory_space<vmem>> -> memref<128xi32, #tpu.memory_space<vmem>>
      %dma_wait3A_445 = arith.constant 0 : i32
      %dma_wait3A_446 = arith.constant 0 : i32
      %dma_wait3A_447 = tpu.memref_slice %arg2[%dma_wait3A_445, %dma_wait3A_446] : memref<100000x16xf32, #tpu.memory_space<hbm>> -> memref<100000x16xf32, #tpu.memory_space<hbm>>
      tpu.wait_indirect_dma semaphore(%arg9 : memref<!tpu.dma_semaphore, #tpu.memory_space<semaphore_mem>>) src(%dma_wait3A_447 : memref<100000x16xf32, #tpu.memory_space<hbm>>) dst(%dma_wait3A_441 : memref<128x16xf32, #tpu.memory_space<vmem>>)
      %add3A_448 = arith.constant 1 : i32
      %add3A_449 = arith.addi %mul3A_109, %add3A_448 : i32
      %mul3A_450 = arith.constant 1280 : i32
      %mul3A_451 = arith.muli %add3A_449, %mul3A_450 : i32
      %add3A_452 = arith.addi %mul3A_2, %mul3A_451 : i32
      %multiple_of3A_453 = tpu.assume_multiple %add3A_452, 128 : i32
      "tpu.region"() ({
        %run_scoped3A = tpu.sem_alloc : memref<!tpu.dma_semaphore, #tpu.memory_space<semaphore_mem>>
        %dma_start3A_454 = arith.constant 0 : i32
        %dma_start3A_455 = tpu.memref_slice %arg4[%multiple_of3A_453, %dma_start3A_454] : memref<409600x16xf32, #tpu.memory_space<hbm>> -> memref<1280x16xf32, #tpu.memory_space<hbm>>
        %dma_start3A_456 = arith.constant 0 : i32
        %dma_start3A_457 = tpu.memref_slice %arg4[%multiple_of3A_453, %dma_start3A_456] : memref<409600x16xf32, #tpu.memory_space<hbm>> -> memref<1280x16xf32, #tpu.memory_space<hbm>>
        tpu.enqueue_dma source(%arg7 : memref<1280x16xf32, #tpu.memory_space<vmem>>) target(%dma_start3A_457 : memref<1280x16xf32, #tpu.memory_space<hbm>>) target_semaphore(%run_scoped3A : memref<!tpu.dma_semaphore, #tpu.memory_space<semaphore_mem>>)
        %dma_wait3A_458 = arith.constant 0 : i32
        %dma_wait3A_459 = tpu.memref_slice %arg4[%multiple_of3A_453, %dma_wait3A_458] : memref<409600x16xf32, #tpu.memory_space<hbm>> -> memref<1280x16xf32, #tpu.memory_space<hbm>>
        %dma_wait3A_460 = arith.constant 0 : i32
        %dma_wait3A_461 = tpu.memref_slice %arg4[%multiple_of3A_453, %dma_wait3A_460] : memref<409600x16xf32, #tpu.memory_space<hbm>> -> memref<1280x16xf32, #tpu.memory_space<hbm>>
        tpu.wait_dma2 semaphore(%run_scoped3A : memref<!tpu.dma_semaphore, #tpu.memory_space<semaphore_mem>>) src(%arg7 : memref<1280x16xf32, #tpu.memory_space<vmem>>) dst(%dma_wait3A_461 : memref<1280x16xf32, #tpu.memory_space<hbm>>)
        tpu.yield
      }) : () -> ()
    }
    %scan3A_106 = arith.constant 5 : i32
    return
  }
}

module attributes {stable_mosaic.version = 14 : i64} {
  func.func @_tc_body(%arg0: i32, %arg1: i32, %arg2: memref<1x200x256xf32, #tpu.memory_space<vmem>>, %arg3: memref<3x256x256xf32, #tpu.memory_space<vmem>>, %arg4: memref<256x256xf32, #tpu.memory_space<vmem>>, %arg5: memref<8x256xf32, #tpu.memory_space<vmem>>, %arg6: memref<1x1x56x256xf32, #tpu.memory_space<vmem>>) attributes {dimension_semantics = [#tpu.dimension_semantics<arbitrary>, #tpu.dimension_semantics<arbitrary>], iteration_bounds = array<i64: 2, 64>, scalar_prefetch = 0 : i64, scratch_operands = 0 : i64, tpu.core_type = #tpu.core_type<tc>, window_params = [{transform_indices = @transform_0, window_bounds = array<i64: 1, 200, 256>}, {pipeline_mode = #tpu.pipeline_mode<synchronous>, transform_indices = @transform_1, window_bounds = array<i64: 3, 256, 256>}, {pipeline_mode = #tpu.pipeline_mode<synchronous>, transform_indices = @transform_2, window_bounds = array<i64: 256, 256>}, {pipeline_mode = #tpu.pipeline_mode<synchronous>, transform_indices = @transform_3, window_bounds = array<i64: 8, 256>}, {transform_indices = @transform_4, window_bounds = array<i64: 1, 1, 56, 256>}]} {
    %get3A = arith.constant 0 : index
    %get3A_0 = arith.constant 0 : index
    %get3A_1 = arith.constant 0 : index
    %get3A_2 = vector.load %arg2[%get3A, %get3A_0, %get3A_1] : memref<1x200x256xf32, #tpu.memory_space<vmem>>, vector<1x200x256xf32>
    %get3A_3 = vector.shape_cast %get3A_2 : vector<1x200x256xf32> to vector<200x256xf32>
    %slice3A = vector.extract_strided_slice %get3A_3 {offsets = [0, 0], sizes = [198, 256], strides = [1, 1]} : vector<200x256xf32> to vector<198x256xf32>
    %get3A_4 = arith.constant 0 : index
    %get3A_5 = arith.constant 0 : index
    %get3A_6 = arith.constant 0 : index
    %get3A_7 = vector.load %arg3[%get3A_4, %get3A_5, %get3A_6] : memref<3x256x256xf32, #tpu.memory_space<vmem>>, vector<1x256x256xf32>
    %get3A_8 = vector.shape_cast %get3A_7 : vector<1x256x256xf32> to vector<256x256xf32>
    %dot_general3A = arith.constant dense<0.000000e+00> : vector<198x256xf32>
    %dot_general3A_9 = tpu.matmul %slice3A, %get3A_8, %dot_general3A {dimension_numbers = #tpu.dot_dimension_numbers<[1], [0], [0], [1], [0, 0, 1, 1], [], []>, transpose_lhs_hint = false} : vector<198x256xf32>, vector<256x256xf32>, vector<198x256xf32> -> vector<198x256xf32>
    %slice3A_10 = vector.extract_strided_slice %get3A_3 {offsets = [1, 0], sizes = [198, 256], strides = [1, 1]} : vector<200x256xf32> to vector<198x256xf32>
    %get3A_11 = arith.constant 1 : index
    %get3A_12 = arith.constant 0 : index
    %get3A_13 = arith.constant 0 : index
    %get3A_14 = vector.load %arg3[%get3A_11, %get3A_12, %get3A_13] : memref<3x256x256xf32, #tpu.memory_space<vmem>>, vector<1x256x256xf32>
    %get3A_15 = vector.shape_cast %get3A_14 : vector<1x256x256xf32> to vector<256x256xf32>
    %dot_general3A_16 = arith.constant dense<0.000000e+00> : vector<198x256xf32>
    %dot_general3A_17 = tpu.matmul %slice3A_10, %get3A_15, %dot_general3A_16 {dimension_numbers = #tpu.dot_dimension_numbers<[1], [0], [0], [1], [0, 0, 1, 1], [], []>, transpose_lhs_hint = false} : vector<198x256xf32>, vector<256x256xf32>, vector<198x256xf32> -> vector<198x256xf32>
    %add3A = arith.addf %dot_general3A_9, %dot_general3A_17 : vector<198x256xf32>
    %slice3A_18 = vector.extract_strided_slice %get3A_3 {offsets = [2, 0], sizes = [198, 256], strides = [1, 1]} : vector<200x256xf32> to vector<198x256xf32>
    %get3A_19 = arith.constant 2 : index
    %get3A_20 = arith.constant 0 : index
    %get3A_21 = arith.constant 0 : index
    %get3A_22 = vector.load %arg3[%get3A_19, %get3A_20, %get3A_21] : memref<3x256x256xf32, #tpu.memory_space<vmem>>, vector<1x256x256xf32>
    %get3A_23 = vector.shape_cast %get3A_22 : vector<1x256x256xf32> to vector<256x256xf32>
    %dot_general3A_24 = arith.constant dense<0.000000e+00> : vector<198x256xf32>
    %dot_general3A_25 = tpu.matmul %slice3A_18, %get3A_23, %dot_general3A_24 {dimension_numbers = #tpu.dot_dimension_numbers<[1], [0], [0], [1], [0, 0, 1, 1], [], []>, transpose_lhs_hint = false} : vector<198x256xf32>, vector<256x256xf32>, vector<198x256xf32> -> vector<198x256xf32>
    %add3A_26 = arith.addf %add3A, %dot_general3A_25 : vector<198x256xf32>
    %slice3A_27 = vector.extract_strided_slice %add3A_26 {offsets = [0, 0], sizes = [128, 256], strides = [1, 1]} : vector<198x256xf32> to vector<128x256xf32>
    %reshape3A = vector.shape_cast %slice3A_27 : vector<128x256xf32> to vector<32x2x1x2x1x256xf32>
    %slice3A_28 = vector.extract_strided_slice %reshape3A {offsets = [0, 0, 0, 0, 0, 0], sizes = [32, 2, 1, 1, 1, 256], strides = [1, 1, 1, 1, 1, 1]} : vector<32x2x1x2x1x256xf32> to vector<32x2x1x1x1x256xf32>
    %squeeze3A = vector.shape_cast %slice3A_28 : vector<32x2x1x1x1x256xf32> to vector<32x2x1x1x256xf32>
    %slice3A_29 = vector.extract_strided_slice %reshape3A {offsets = [0, 0, 0, 1, 0, 0], sizes = [32, 2, 1, 1, 1, 256], strides = [1, 1, 1, 1, 1, 1]} : vector<32x2x1x2x1x256xf32> to vector<32x2x1x1x1x256xf32>
    %squeeze3A_30 = vector.shape_cast %slice3A_29 : vector<32x2x1x1x1x256xf32> to vector<32x2x1x1x256xf32>
    %max3A = arith.maximumf %squeeze3A, %squeeze3A_30 : vector<32x2x1x1x256xf32>
    %min3A = arith.minimumf %squeeze3A, %squeeze3A_30 : vector<32x2x1x1x256xf32>
    %slice3A_31 = vector.extract_strided_slice %max3A {offsets = [0, 0, 0, 0, 0], sizes = [32, 1, 1, 1, 256], strides = [1, 1, 1, 1, 1]} : vector<32x2x1x1x256xf32> to vector<32x1x1x1x256xf32>
    %slice3A_32 = vector.extract_strided_slice %min3A {offsets = [0, 1, 0, 0, 0], sizes = [32, 1, 1, 1, 256], strides = [1, 1, 1, 1, 1]} : vector<32x2x1x1x256xf32> to vector<32x1x1x1x256xf32>
    %concatenate3A = tpu.concatenate %slice3A_31, %slice3A_32 in 1 : vector<32x1x1x1x256xf32>, vector<32x1x1x1x256xf32> -> vector<32x2x1x1x256xf32>
    %slice3A_33 = vector.extract_strided_slice %min3A {offsets = [0, 0, 0, 0, 0], sizes = [32, 1, 1, 1, 256], strides = [1, 1, 1, 1, 1]} : vector<32x2x1x1x256xf32> to vector<32x1x1x1x256xf32>
    %slice3A_34 = vector.extract_strided_slice %max3A {offsets = [0, 1, 0, 0, 0], sizes = [32, 1, 1, 1, 256], strides = [1, 1, 1, 1, 1]} : vector<32x2x1x1x256xf32> to vector<32x1x1x1x256xf32>
    %concatenate3A_35 = tpu.concatenate %slice3A_33, %slice3A_34 in 1 : vector<32x1x1x1x256xf32>, vector<32x1x1x1x256xf32> -> vector<32x2x1x1x256xf32>
    %stack3A = vector.shape_cast %concatenate3A : vector<32x2x1x1x256xf32> to vector<32x2x1x1x1x256xf32>
    %stack3A_36 = vector.shape_cast %concatenate3A_35 : vector<32x2x1x1x256xf32> to vector<32x2x1x1x1x256xf32>
    %stack3A_37 = tpu.concatenate %stack3A, %stack3A_36 in 3 : vector<32x2x1x1x1x256xf32>, vector<32x2x1x1x1x256xf32> -> vector<32x2x1x2x1x256xf32>
    %reshape3A_38 = vector.shape_cast %stack3A_37 : vector<32x2x1x2x1x256xf32> to vector<128x256xf32>
    %reshape3A_39 = vector.shape_cast %reshape3A_38 : vector<128x256xf32> to vector<16x2x1x2x2x256xf32>
    %slice3A_40 = vector.extract_strided_slice %reshape3A_39 {offsets = [0, 0, 0, 0, 0, 0], sizes = [16, 2, 1, 1, 2, 256], strides = [1, 1, 1, 1, 1, 1]} : vector<16x2x1x2x2x256xf32> to vector<16x2x1x1x2x256xf32>
    %squeeze3A_41 = vector.shape_cast %slice3A_40 : vector<16x2x1x1x2x256xf32> to vector<16x2x1x2x256xf32>
    %slice3A_42 = vector.extract_strided_slice %reshape3A_39 {offsets = [0, 0, 0, 1, 0, 0], sizes = [16, 2, 1, 1, 2, 256], strides = [1, 1, 1, 1, 1, 1]} : vector<16x2x1x2x2x256xf32> to vector<16x2x1x1x2x256xf32>
    %squeeze3A_43 = vector.shape_cast %slice3A_42 : vector<16x2x1x1x2x256xf32> to vector<16x2x1x2x256xf32>
    %max3A_44 = arith.maximumf %squeeze3A_41, %squeeze3A_43 : vector<16x2x1x2x256xf32>
    %min3A_45 = arith.minimumf %squeeze3A_41, %squeeze3A_43 : vector<16x2x1x2x256xf32>
    %slice3A_46 = vector.extract_strided_slice %max3A_44 {offsets = [0, 0, 0, 0, 0], sizes = [16, 1, 1, 2, 256], strides = [1, 1, 1, 1, 1]} : vector<16x2x1x2x256xf32> to vector<16x1x1x2x256xf32>
    %slice3A_47 = vector.extract_strided_slice %min3A_45 {offsets = [0, 1, 0, 0, 0], sizes = [16, 1, 1, 2, 256], strides = [1, 1, 1, 1, 1]} : vector<16x2x1x2x256xf32> to vector<16x1x1x2x256xf32>
    %concatenate3A_48 = tpu.concatenate %slice3A_46, %slice3A_47 in 1 : vector<16x1x1x2x256xf32>, vector<16x1x1x2x256xf32> -> vector<16x2x1x2x256xf32>
    %slice3A_49 = vector.extract_strided_slice %min3A_45 {offsets = [0, 0, 0, 0, 0], sizes = [16, 1, 1, 2, 256], strides = [1, 1, 1, 1, 1]} : vector<16x2x1x2x256xf32> to vector<16x1x1x2x256xf32>
    %slice3A_50 = vector.extract_strided_slice %max3A_44 {offsets = [0, 1, 0, 0, 0], sizes = [16, 1, 1, 2, 256], strides = [1, 1, 1, 1, 1]} : vector<16x2x1x2x256xf32> to vector<16x1x1x2x256xf32>
    %concatenate3A_51 = tpu.concatenate %slice3A_49, %slice3A_50 in 1 : vector<16x1x1x2x256xf32>, vector<16x1x1x2x256xf32> -> vector<16x2x1x2x256xf32>
    %stack3A_52 = vector.shape_cast %concatenate3A_48 : vector<16x2x1x2x256xf32> to vector<16x2x1x1x2x256xf32>
    %stack3A_53 = vector.shape_cast %concatenate3A_51 : vector<16x2x1x2x256xf32> to vector<16x2x1x1x2x256xf32>
    %stack3A_54 = tpu.concatenate %stack3A_52, %stack3A_53 in 3 : vector<16x2x1x1x2x256xf32>, vector<16x2x1x1x2x256xf32> -> vector<16x2x1x2x2x256xf32>
    %reshape3A_55 = vector.shape_cast %stack3A_54 : vector<16x2x1x2x2x256xf32> to vector<128x256xf32>
    %reshape3A_56 = vector.shape_cast %reshape3A_55 : vector<128x256xf32> to vector<16x2x2x2x1x256xf32>
    %slice3A_57 = vector.extract_strided_slice %reshape3A_56 {offsets = [0, 0, 0, 0, 0, 0], sizes = [16, 2, 2, 1, 1, 256], strides = [1, 1, 1, 1, 1, 1]} : vector<16x2x2x2x1x256xf32> to vector<16x2x2x1x1x256xf32>
    %squeeze3A_58 = vector.shape_cast %slice3A_57 : vector<16x2x2x1x1x256xf32> to vector<16x2x2x1x256xf32>
    %slice3A_59 = vector.extract_strided_slice %reshape3A_56 {offsets = [0, 0, 0, 1, 0, 0], sizes = [16, 2, 2, 1, 1, 256], strides = [1, 1, 1, 1, 1, 1]} : vector<16x2x2x2x1x256xf32> to vector<16x2x2x1x1x256xf32>
    %squeeze3A_60 = vector.shape_cast %slice3A_59 : vector<16x2x2x1x1x256xf32> to vector<16x2x2x1x256xf32>
    %max3A_61 = arith.maximumf %squeeze3A_58, %squeeze3A_60 : vector<16x2x2x1x256xf32>
    %min3A_62 = arith.minimumf %squeeze3A_58, %squeeze3A_60 : vector<16x2x2x1x256xf32>
    %slice3A_63 = vector.extract_strided_slice %max3A_61 {offsets = [0, 0, 0, 0, 0], sizes = [16, 1, 2, 1, 256], strides = [1, 1, 1, 1, 1]} : vector<16x2x2x1x256xf32> to vector<16x1x2x1x256xf32>
    %slice3A_64 = vector.extract_strided_slice %min3A_62 {offsets = [0, 1, 0, 0, 0], sizes = [16, 1, 2, 1, 256], strides = [1, 1, 1, 1, 1]} : vector<16x2x2x1x256xf32> to vector<16x1x2x1x256xf32>
    %concatenate3A_65 = tpu.concatenate %slice3A_63, %slice3A_64 in 1 : vector<16x1x2x1x256xf32>, vector<16x1x2x1x256xf32> -> vector<16x2x2x1x256xf32>
    %slice3A_66 = vector.extract_strided_slice %min3A_62 {offsets = [0, 0, 0, 0, 0], sizes = [16, 1, 2, 1, 256], strides = [1, 1, 1, 1, 1]} : vector<16x2x2x1x256xf32> to vector<16x1x2x1x256xf32>
    %slice3A_67 = vector.extract_strided_slice %max3A_61 {offsets = [0, 1, 0, 0, 0], sizes = [16, 1, 2, 1, 256], strides = [1, 1, 1, 1, 1]} : vector<16x2x2x1x256xf32> to vector<16x1x2x1x256xf32>
    %concatenate3A_68 = tpu.concatenate %slice3A_66, %slice3A_67 in 1 : vector<16x1x2x1x256xf32>, vector<16x1x2x1x256xf32> -> vector<16x2x2x1x256xf32>
    %stack3A_69 = vector.shape_cast %concatenate3A_65 : vector<16x2x2x1x256xf32> to vector<16x2x2x1x1x256xf32>
    %stack3A_70 = vector.shape_cast %concatenate3A_68 : vector<16x2x2x1x256xf32> to vector<16x2x2x1x1x256xf32>
    %stack3A_71 = tpu.concatenate %stack3A_69, %stack3A_70 in 3 : vector<16x2x2x1x1x256xf32>, vector<16x2x2x1x1x256xf32> -> vector<16x2x2x2x1x256xf32>
    %reshape3A_72 = vector.shape_cast %stack3A_71 : vector<16x2x2x2x1x256xf32> to vector<128x256xf32>
    %reshape3A_73 = vector.shape_cast %reshape3A_72 : vector<128x256xf32> to vector<8x2x1x2x4x256xf32>
    %slice3A_74 = vector.extract_strided_slice %reshape3A_73 {offsets = [0, 0, 0, 0, 0, 0], sizes = [8, 2, 1, 1, 4, 256], strides = [1, 1, 1, 1, 1, 1]} : vector<8x2x1x2x4x256xf32> to vector<8x2x1x1x4x256xf32>
    %squeeze3A_75 = vector.shape_cast %slice3A_74 : vector<8x2x1x1x4x256xf32> to vector<8x2x1x4x256xf32>
    %slice3A_76 = vector.extract_strided_slice %reshape3A_73 {offsets = [0, 0, 0, 1, 0, 0], sizes = [8, 2, 1, 1, 4, 256], strides = [1, 1, 1, 1, 1, 1]} : vector<8x2x1x2x4x256xf32> to vector<8x2x1x1x4x256xf32>
    %squeeze3A_77 = vector.shape_cast %slice3A_76 : vector<8x2x1x1x4x256xf32> to vector<8x2x1x4x256xf32>
    %max3A_78 = arith.maximumf %squeeze3A_75, %squeeze3A_77 : vector<8x2x1x4x256xf32>
    %min3A_79 = arith.minimumf %squeeze3A_75, %squeeze3A_77 : vector<8x2x1x4x256xf32>
    %slice3A_80 = vector.extract_strided_slice %max3A_78 {offsets = [0, 0, 0, 0, 0], sizes = [8, 1, 1, 4, 256], strides = [1, 1, 1, 1, 1]} : vector<8x2x1x4x256xf32> to vector<8x1x1x4x256xf32>
    %slice3A_81 = vector.extract_strided_slice %min3A_79 {offsets = [0, 1, 0, 0, 0], sizes = [8, 1, 1, 4, 256], strides = [1, 1, 1, 1, 1]} : vector<8x2x1x4x256xf32> to vector<8x1x1x4x256xf32>
    %concatenate3A_82 = tpu.concatenate %slice3A_80, %slice3A_81 in 1 : vector<8x1x1x4x256xf32>, vector<8x1x1x4x256xf32> -> vector<8x2x1x4x256xf32>
    %slice3A_83 = vector.extract_strided_slice %min3A_79 {offsets = [0, 0, 0, 0, 0], sizes = [8, 1, 1, 4, 256], strides = [1, 1, 1, 1, 1]} : vector<8x2x1x4x256xf32> to vector<8x1x1x4x256xf32>
    %slice3A_84 = vector.extract_strided_slice %max3A_78 {offsets = [0, 1, 0, 0, 0], sizes = [8, 1, 1, 4, 256], strides = [1, 1, 1, 1, 1]} : vector<8x2x1x4x256xf32> to vector<8x1x1x4x256xf32>
    %concatenate3A_85 = tpu.concatenate %slice3A_83, %slice3A_84 in 1 : vector<8x1x1x4x256xf32>, vector<8x1x1x4x256xf32> -> vector<8x2x1x4x256xf32>
    %stack3A_86 = vector.shape_cast %concatenate3A_82 : vector<8x2x1x4x256xf32> to vector<8x2x1x1x4x256xf32>
    %stack3A_87 = vector.shape_cast %concatenate3A_85 : vector<8x2x1x4x256xf32> to vector<8x2x1x1x4x256xf32>
    %stack3A_88 = tpu.concatenate %stack3A_86, %stack3A_87 in 3 : vector<8x2x1x1x4x256xf32>, vector<8x2x1x1x4x256xf32> -> vector<8x2x1x2x4x256xf32>
    %reshape3A_89 = vector.shape_cast %stack3A_88 : vector<8x2x1x2x4x256xf32> to vector<128x256xf32>
    %reshape3A_90 = vector.shape_cast %reshape3A_89 : vector<128x256xf32> to vector<8x2x2x2x2x256xf32>
    %slice3A_91 = vector.extract_strided_slice %reshape3A_90 {offsets = [0, 0, 0, 0, 0, 0], sizes = [8, 2, 2, 1, 2, 256], strides = [1, 1, 1, 1, 1, 1]} : vector<8x2x2x2x2x256xf32> to vector<8x2x2x1x2x256xf32>
    %squeeze3A_92 = vector.shape_cast %slice3A_91 : vector<8x2x2x1x2x256xf32> to vector<8x2x2x2x256xf32>
    %slice3A_93 = vector.extract_strided_slice %reshape3A_90 {offsets = [0, 0, 0, 1, 0, 0], sizes = [8, 2, 2, 1, 2, 256], strides = [1, 1, 1, 1, 1, 1]} : vector<8x2x2x2x2x256xf32> to vector<8x2x2x1x2x256xf32>
    %squeeze3A_94 = vector.shape_cast %slice3A_93 : vector<8x2x2x1x2x256xf32> to vector<8x2x2x2x256xf32>
    %max3A_95 = arith.maximumf %squeeze3A_92, %squeeze3A_94 : vector<8x2x2x2x256xf32>
    %min3A_96 = arith.minimumf %squeeze3A_92, %squeeze3A_94 : vector<8x2x2x2x256xf32>
    %slice3A_97 = vector.extract_strided_slice %max3A_95 {offsets = [0, 0, 0, 0, 0], sizes = [8, 1, 2, 2, 256], strides = [1, 1, 1, 1, 1]} : vector<8x2x2x2x256xf32> to vector<8x1x2x2x256xf32>
    %slice3A_98 = vector.extract_strided_slice %min3A_96 {offsets = [0, 1, 0, 0, 0], sizes = [8, 1, 2, 2, 256], strides = [1, 1, 1, 1, 1]} : vector<8x2x2x2x256xf32> to vector<8x1x2x2x256xf32>
    %concatenate3A_99 = tpu.concatenate %slice3A_97, %slice3A_98 in 1 : vector<8x1x2x2x256xf32>, vector<8x1x2x2x256xf32> -> vector<8x2x2x2x256xf32>
    %slice3A_100 = vector.extract_strided_slice %min3A_96 {offsets = [0, 0, 0, 0, 0], sizes = [8, 1, 2, 2, 256], strides = [1, 1, 1, 1, 1]} : vector<8x2x2x2x256xf32> to vector<8x1x2x2x256xf32>
    %slice3A_101 = vector.extract_strided_slice %max3A_95 {offsets = [0, 1, 0, 0, 0], sizes = [8, 1, 2, 2, 256], strides = [1, 1, 1, 1, 1]} : vector<8x2x2x2x256xf32> to vector<8x1x2x2x256xf32>
    %concatenate3A_102 = tpu.concatenate %slice3A_100, %slice3A_101 in 1 : vector<8x1x2x2x256xf32>, vector<8x1x2x2x256xf32> -> vector<8x2x2x2x256xf32>
    %stack3A_103 = vector.shape_cast %concatenate3A_99 : vector<8x2x2x2x256xf32> to vector<8x2x2x1x2x256xf32>
    %stack3A_104 = vector.shape_cast %concatenate3A_102 : vector<8x2x2x2x256xf32> to vector<8x2x2x1x2x256xf32>
    %stack3A_105 = tpu.concatenate %stack3A_103, %stack3A_104 in 3 : vector<8x2x2x1x2x256xf32>, vector<8x2x2x1x2x256xf32> -> vector<8x2x2x2x2x256xf32>
    %reshape3A_106 = vector.shape_cast %stack3A_105 : vector<8x2x2x2x2x256xf32> to vector<128x256xf32>
    %reshape3A_107 = vector.shape_cast %reshape3A_106 : vector<128x256xf32> to vector<8x2x4x2x1x256xf32>
    %slice3A_108 = vector.extract_strided_slice %reshape3A_107 {offsets = [0, 0, 0, 0, 0, 0], sizes = [8, 2, 4, 1, 1, 256], strides = [1, 1, 1, 1, 1, 1]} : vector<8x2x4x2x1x256xf32> to vector<8x2x4x1x1x256xf32>
    %squeeze3A_109 = vector.shape_cast %slice3A_108 : vector<8x2x4x1x1x256xf32> to vector<8x2x4x1x256xf32>
    %slice3A_110 = vector.extract_strided_slice %reshape3A_107 {offsets = [0, 0, 0, 1, 0, 0], sizes = [8, 2, 4, 1, 1, 256], strides = [1, 1, 1, 1, 1, 1]} : vector<8x2x4x2x1x256xf32> to vector<8x2x4x1x1x256xf32>
    %squeeze3A_111 = vector.shape_cast %slice3A_110 : vector<8x2x4x1x1x256xf32> to vector<8x2x4x1x256xf32>
    %max3A_112 = arith.maximumf %squeeze3A_109, %squeeze3A_111 : vector<8x2x4x1x256xf32>
    %min3A_113 = arith.minimumf %squeeze3A_109, %squeeze3A_111 : vector<8x2x4x1x256xf32>
    %slice3A_114 = vector.extract_strided_slice %max3A_112 {offsets = [0, 0, 0, 0, 0], sizes = [8, 1, 4, 1, 256], strides = [1, 1, 1, 1, 1]} : vector<8x2x4x1x256xf32> to vector<8x1x4x1x256xf32>
    %slice3A_115 = vector.extract_strided_slice %min3A_113 {offsets = [0, 1, 0, 0, 0], sizes = [8, 1, 4, 1, 256], strides = [1, 1, 1, 1, 1]} : vector<8x2x4x1x256xf32> to vector<8x1x4x1x256xf32>
    %concatenate3A_116 = tpu.concatenate %slice3A_114, %slice3A_115 in 1 : vector<8x1x4x1x256xf32>, vector<8x1x4x1x256xf32> -> vector<8x2x4x1x256xf32>
    %slice3A_117 = vector.extract_strided_slice %min3A_113 {offsets = [0, 0, 0, 0, 0], sizes = [8, 1, 4, 1, 256], strides = [1, 1, 1, 1, 1]} : vector<8x2x4x1x256xf32> to vector<8x1x4x1x256xf32>
    %slice3A_118 = vector.extract_strided_slice %max3A_112 {offsets = [0, 1, 0, 0, 0], sizes = [8, 1, 4, 1, 256], strides = [1, 1, 1, 1, 1]} : vector<8x2x4x1x256xf32> to vector<8x1x4x1x256xf32>
    %concatenate3A_119 = tpu.concatenate %slice3A_117, %slice3A_118 in 1 : vector<8x1x4x1x256xf32>, vector<8x1x4x1x256xf32> -> vector<8x2x4x1x256xf32>
    %stack3A_120 = vector.shape_cast %concatenate3A_116 : vector<8x2x4x1x256xf32> to vector<8x2x4x1x1x256xf32>
    %stack3A_121 = vector.shape_cast %concatenate3A_119 : vector<8x2x4x1x256xf32> to vector<8x2x4x1x1x256xf32>
    %stack3A_122 = tpu.concatenate %stack3A_120, %stack3A_121 in 3 : vector<8x2x4x1x1x256xf32>, vector<8x2x4x1x1x256xf32> -> vector<8x2x4x2x1x256xf32>
    %reshape3A_123 = vector.shape_cast %stack3A_122 : vector<8x2x4x2x1x256xf32> to vector<128x256xf32>
    %reshape3A_124 = vector.shape_cast %reshape3A_123 : vector<128x256xf32> to vector<4x2x1x2x8x256xf32>
    %slice3A_125 = vector.extract_strided_slice %reshape3A_124 {offsets = [0, 0, 0, 0, 0, 0], sizes = [4, 2, 1, 1, 8, 256], strides = [1, 1, 1, 1, 1, 1]} : vector<4x2x1x2x8x256xf32> to vector<4x2x1x1x8x256xf32>
    %squeeze3A_126 = vector.shape_cast %slice3A_125 : vector<4x2x1x1x8x256xf32> to vector<4x2x1x8x256xf32>
    %slice3A_127 = vector.extract_strided_slice %reshape3A_124 {offsets = [0, 0, 0, 1, 0, 0], sizes = [4, 2, 1, 1, 8, 256], strides = [1, 1, 1, 1, 1, 1]} : vector<4x2x1x2x8x256xf32> to vector<4x2x1x1x8x256xf32>
    %squeeze3A_128 = vector.shape_cast %slice3A_127 : vector<4x2x1x1x8x256xf32> to vector<4x2x1x8x256xf32>
    %max3A_129 = arith.maximumf %squeeze3A_126, %squeeze3A_128 : vector<4x2x1x8x256xf32>
    %min3A_130 = arith.minimumf %squeeze3A_126, %squeeze3A_128 : vector<4x2x1x8x256xf32>
    %slice3A_131 = vector.extract_strided_slice %max3A_129 {offsets = [0, 0, 0, 0, 0], sizes = [4, 1, 1, 8, 256], strides = [1, 1, 1, 1, 1]} : vector<4x2x1x8x256xf32> to vector<4x1x1x8x256xf32>
    %slice3A_132 = vector.extract_strided_slice %min3A_130 {offsets = [0, 1, 0, 0, 0], sizes = [4, 1, 1, 8, 256], strides = [1, 1, 1, 1, 1]} : vector<4x2x1x8x256xf32> to vector<4x1x1x8x256xf32>
    %concatenate3A_133 = tpu.concatenate %slice3A_131, %slice3A_132 in 1 : vector<4x1x1x8x256xf32>, vector<4x1x1x8x256xf32> -> vector<4x2x1x8x256xf32>
    %slice3A_134 = vector.extract_strided_slice %min3A_130 {offsets = [0, 0, 0, 0, 0], sizes = [4, 1, 1, 8, 256], strides = [1, 1, 1, 1, 1]} : vector<4x2x1x8x256xf32> to vector<4x1x1x8x256xf32>
    %slice3A_135 = vector.extract_strided_slice %max3A_129 {offsets = [0, 1, 0, 0, 0], sizes = [4, 1, 1, 8, 256], strides = [1, 1, 1, 1, 1]} : vector<4x2x1x8x256xf32> to vector<4x1x1x8x256xf32>
    %concatenate3A_136 = tpu.concatenate %slice3A_134, %slice3A_135 in 1 : vector<4x1x1x8x256xf32>, vector<4x1x1x8x256xf32> -> vector<4x2x1x8x256xf32>
    %stack3A_137 = vector.shape_cast %concatenate3A_133 : vector<4x2x1x8x256xf32> to vector<4x2x1x1x8x256xf32>
    %stack3A_138 = vector.shape_cast %concatenate3A_136 : vector<4x2x1x8x256xf32> to vector<4x2x1x1x8x256xf32>
    %stack3A_139 = tpu.concatenate %stack3A_137, %stack3A_138 in 3 : vector<4x2x1x1x8x256xf32>, vector<4x2x1x1x8x256xf32> -> vector<4x2x1x2x8x256xf32>
    %reshape3A_140 = vector.shape_cast %stack3A_139 : vector<4x2x1x2x8x256xf32> to vector<128x256xf32>
    %reshape3A_141 = vector.shape_cast %reshape3A_140 : vector<128x256xf32> to vector<4x2x2x2x4x256xf32>
    %slice3A_142 = vector.extract_strided_slice %reshape3A_141 {offsets = [0, 0, 0, 0, 0, 0], sizes = [4, 2, 2, 1, 4, 256], strides = [1, 1, 1, 1, 1, 1]} : vector<4x2x2x2x4x256xf32> to vector<4x2x2x1x4x256xf32>
    %squeeze3A_143 = vector.shape_cast %slice3A_142 : vector<4x2x2x1x4x256xf32> to vector<4x2x2x4x256xf32>
    %slice3A_144 = vector.extract_strided_slice %reshape3A_141 {offsets = [0, 0, 0, 1, 0, 0], sizes = [4, 2, 2, 1, 4, 256], strides = [1, 1, 1, 1, 1, 1]} : vector<4x2x2x2x4x256xf32> to vector<4x2x2x1x4x256xf32>
    %squeeze3A_145 = vector.shape_cast %slice3A_144 : vector<4x2x2x1x4x256xf32> to vector<4x2x2x4x256xf32>
    %max3A_146 = arith.maximumf %squeeze3A_143, %squeeze3A_145 : vector<4x2x2x4x256xf32>
    %min3A_147 = arith.minimumf %squeeze3A_143, %squeeze3A_145 : vector<4x2x2x4x256xf32>
    %slice3A_148 = vector.extract_strided_slice %max3A_146 {offsets = [0, 0, 0, 0, 0], sizes = [4, 1, 2, 4, 256], strides = [1, 1, 1, 1, 1]} : vector<4x2x2x4x256xf32> to vector<4x1x2x4x256xf32>
    %slice3A_149 = vector.extract_strided_slice %min3A_147 {offsets = [0, 1, 0, 0, 0], sizes = [4, 1, 2, 4, 256], strides = [1, 1, 1, 1, 1]} : vector<4x2x2x4x256xf32> to vector<4x1x2x4x256xf32>
    %concatenate3A_150 = tpu.concatenate %slice3A_148, %slice3A_149 in 1 : vector<4x1x2x4x256xf32>, vector<4x1x2x4x256xf32> -> vector<4x2x2x4x256xf32>
    %slice3A_151 = vector.extract_strided_slice %min3A_147 {offsets = [0, 0, 0, 0, 0], sizes = [4, 1, 2, 4, 256], strides = [1, 1, 1, 1, 1]} : vector<4x2x2x4x256xf32> to vector<4x1x2x4x256xf32>
    %slice3A_152 = vector.extract_strided_slice %max3A_146 {offsets = [0, 1, 0, 0, 0], sizes = [4, 1, 2, 4, 256], strides = [1, 1, 1, 1, 1]} : vector<4x2x2x4x256xf32> to vector<4x1x2x4x256xf32>
    %concatenate3A_153 = tpu.concatenate %slice3A_151, %slice3A_152 in 1 : vector<4x1x2x4x256xf32>, vector<4x1x2x4x256xf32> -> vector<4x2x2x4x256xf32>
    %stack3A_154 = vector.shape_cast %concatenate3A_150 : vector<4x2x2x4x256xf32> to vector<4x2x2x1x4x256xf32>
    %stack3A_155 = vector.shape_cast %concatenate3A_153 : vector<4x2x2x4x256xf32> to vector<4x2x2x1x4x256xf32>
    %stack3A_156 = tpu.concatenate %stack3A_154, %stack3A_155 in 3 : vector<4x2x2x1x4x256xf32>, vector<4x2x2x1x4x256xf32> -> vector<4x2x2x2x4x256xf32>
    %reshape3A_157 = vector.shape_cast %stack3A_156 : vector<4x2x2x2x4x256xf32> to vector<128x256xf32>
    %reshape3A_158 = vector.shape_cast %reshape3A_157 : vector<128x256xf32> to vector<4x2x4x2x2x256xf32>
    %slice3A_159 = vector.extract_strided_slice %reshape3A_158 {offsets = [0, 0, 0, 0, 0, 0], sizes = [4, 2, 4, 1, 2, 256], strides = [1, 1, 1, 1, 1, 1]} : vector<4x2x4x2x2x256xf32> to vector<4x2x4x1x2x256xf32>
    %squeeze3A_160 = vector.shape_cast %slice3A_159 : vector<4x2x4x1x2x256xf32> to vector<4x2x4x2x256xf32>
    %slice3A_161 = vector.extract_strided_slice %reshape3A_158 {offsets = [0, 0, 0, 1, 0, 0], sizes = [4, 2, 4, 1, 2, 256], strides = [1, 1, 1, 1, 1, 1]} : vector<4x2x4x2x2x256xf32> to vector<4x2x4x1x2x256xf32>
    %squeeze3A_162 = vector.shape_cast %slice3A_161 : vector<4x2x4x1x2x256xf32> to vector<4x2x4x2x256xf32>
    %max3A_163 = arith.maximumf %squeeze3A_160, %squeeze3A_162 : vector<4x2x4x2x256xf32>
    %min3A_164 = arith.minimumf %squeeze3A_160, %squeeze3A_162 : vector<4x2x4x2x256xf32>
    %slice3A_165 = vector.extract_strided_slice %max3A_163 {offsets = [0, 0, 0, 0, 0], sizes = [4, 1, 4, 2, 256], strides = [1, 1, 1, 1, 1]} : vector<4x2x4x2x256xf32> to vector<4x1x4x2x256xf32>
    %slice3A_166 = vector.extract_strided_slice %min3A_164 {offsets = [0, 1, 0, 0, 0], sizes = [4, 1, 4, 2, 256], strides = [1, 1, 1, 1, 1]} : vector<4x2x4x2x256xf32> to vector<4x1x4x2x256xf32>
    %concatenate3A_167 = tpu.concatenate %slice3A_165, %slice3A_166 in 1 : vector<4x1x4x2x256xf32>, vector<4x1x4x2x256xf32> -> vector<4x2x4x2x256xf32>
    %slice3A_168 = vector.extract_strided_slice %min3A_164 {offsets = [0, 0, 0, 0, 0], sizes = [4, 1, 4, 2, 256], strides = [1, 1, 1, 1, 1]} : vector<4x2x4x2x256xf32> to vector<4x1x4x2x256xf32>
    %slice3A_169 = vector.extract_strided_slice %max3A_163 {offsets = [0, 1, 0, 0, 0], sizes = [4, 1, 4, 2, 256], strides = [1, 1, 1, 1, 1]} : vector<4x2x4x2x256xf32> to vector<4x1x4x2x256xf32>
    %concatenate3A_170 = tpu.concatenate %slice3A_168, %slice3A_169 in 1 : vector<4x1x4x2x256xf32>, vector<4x1x4x2x256xf32> -> vector<4x2x4x2x256xf32>
    %stack3A_171 = vector.shape_cast %concatenate3A_167 : vector<4x2x4x2x256xf32> to vector<4x2x4x1x2x256xf32>
    %stack3A_172 = vector.shape_cast %concatenate3A_170 : vector<4x2x4x2x256xf32> to vector<4x2x4x1x2x256xf32>
    %stack3A_173 = tpu.concatenate %stack3A_171, %stack3A_172 in 3 : vector<4x2x4x1x2x256xf32>, vector<4x2x4x1x2x256xf32> -> vector<4x2x4x2x2x256xf32>
    %reshape3A_174 = vector.shape_cast %stack3A_173 : vector<4x2x4x2x2x256xf32> to vector<128x256xf32>
    %reshape3A_175 = vector.shape_cast %reshape3A_174 : vector<128x256xf32> to vector<4x2x8x2x1x256xf32>
    %slice3A_176 = vector.extract_strided_slice %reshape3A_175 {offsets = [0, 0, 0, 0, 0, 0], sizes = [4, 2, 8, 1, 1, 256], strides = [1, 1, 1, 1, 1, 1]} : vector<4x2x8x2x1x256xf32> to vector<4x2x8x1x1x256xf32>
    %squeeze3A_177 = vector.shape_cast %slice3A_176 : vector<4x2x8x1x1x256xf32> to vector<4x2x8x1x256xf32>
    %slice3A_178 = vector.extract_strided_slice %reshape3A_175 {offsets = [0, 0, 0, 1, 0, 0], sizes = [4, 2, 8, 1, 1, 256], strides = [1, 1, 1, 1, 1, 1]} : vector<4x2x8x2x1x256xf32> to vector<4x2x8x1x1x256xf32>
    %squeeze3A_179 = vector.shape_cast %slice3A_178 : vector<4x2x8x1x1x256xf32> to vector<4x2x8x1x256xf32>
    %max3A_180 = arith.maximumf %squeeze3A_177, %squeeze3A_179 : vector<4x2x8x1x256xf32>
    %min3A_181 = arith.minimumf %squeeze3A_177, %squeeze3A_179 : vector<4x2x8x1x256xf32>
    %slice3A_182 = vector.extract_strided_slice %max3A_180 {offsets = [0, 0, 0, 0, 0], sizes = [4, 1, 8, 1, 256], strides = [1, 1, 1, 1, 1]} : vector<4x2x8x1x256xf32> to vector<4x1x8x1x256xf32>
    %slice3A_183 = vector.extract_strided_slice %min3A_181 {offsets = [0, 1, 0, 0, 0], sizes = [4, 1, 8, 1, 256], strides = [1, 1, 1, 1, 1]} : vector<4x2x8x1x256xf32> to vector<4x1x8x1x256xf32>
    %concatenate3A_184 = tpu.concatenate %slice3A_182, %slice3A_183 in 1 : vector<4x1x8x1x256xf32>, vector<4x1x8x1x256xf32> -> vector<4x2x8x1x256xf32>
    %slice3A_185 = vector.extract_strided_slice %min3A_181 {offsets = [0, 0, 0, 0, 0], sizes = [4, 1, 8, 1, 256], strides = [1, 1, 1, 1, 1]} : vector<4x2x8x1x256xf32> to vector<4x1x8x1x256xf32>
    %slice3A_186 = vector.extract_strided_slice %max3A_180 {offsets = [0, 1, 0, 0, 0], sizes = [4, 1, 8, 1, 256], strides = [1, 1, 1, 1, 1]} : vector<4x2x8x1x256xf32> to vector<4x1x8x1x256xf32>
    %concatenate3A_187 = tpu.concatenate %slice3A_185, %slice3A_186 in 1 : vector<4x1x8x1x256xf32>, vector<4x1x8x1x256xf32> -> vector<4x2x8x1x256xf32>
    %stack3A_188 = vector.shape_cast %concatenate3A_184 : vector<4x2x8x1x256xf32> to vector<4x2x8x1x1x256xf32>
    %stack3A_189 = vector.shape_cast %concatenate3A_187 : vector<4x2x8x1x256xf32> to vector<4x2x8x1x1x256xf32>
    %stack3A_190 = tpu.concatenate %stack3A_188, %stack3A_189 in 3 : vector<4x2x8x1x1x256xf32>, vector<4x2x8x1x1x256xf32> -> vector<4x2x8x2x1x256xf32>
    %reshape3A_191 = vector.shape_cast %stack3A_190 : vector<4x2x8x2x1x256xf32> to vector<128x256xf32>
    %reshape3A_192 = vector.shape_cast %reshape3A_191 : vector<128x256xf32> to vector<2x2x1x2x16x256xf32>
    %slice3A_193 = vector.extract_strided_slice %reshape3A_192 {offsets = [0, 0, 0, 0, 0, 0], sizes = [2, 2, 1, 1, 16, 256], strides = [1, 1, 1, 1, 1, 1]} : vector<2x2x1x2x16x256xf32> to vector<2x2x1x1x16x256xf32>
    %squeeze3A_194 = vector.shape_cast %slice3A_193 : vector<2x2x1x1x16x256xf32> to vector<2x2x1x16x256xf32>
    %slice3A_195 = vector.extract_strided_slice %reshape3A_192 {offsets = [0, 0, 0, 1, 0, 0], sizes = [2, 2, 1, 1, 16, 256], strides = [1, 1, 1, 1, 1, 1]} : vector<2x2x1x2x16x256xf32> to vector<2x2x1x1x16x256xf32>
    %squeeze3A_196 = vector.shape_cast %slice3A_195 : vector<2x2x1x1x16x256xf32> to vector<2x2x1x16x256xf32>
    %max3A_197 = arith.maximumf %squeeze3A_194, %squeeze3A_196 : vector<2x2x1x16x256xf32>
    %min3A_198 = arith.minimumf %squeeze3A_194, %squeeze3A_196 : vector<2x2x1x16x256xf32>
    %slice3A_199 = vector.extract_strided_slice %max3A_197 {offsets = [0, 0, 0, 0, 0], sizes = [2, 1, 1, 16, 256], strides = [1, 1, 1, 1, 1]} : vector<2x2x1x16x256xf32> to vector<2x1x1x16x256xf32>
    %slice3A_200 = vector.extract_strided_slice %min3A_198 {offsets = [0, 1, 0, 0, 0], sizes = [2, 1, 1, 16, 256], strides = [1, 1, 1, 1, 1]} : vector<2x2x1x16x256xf32> to vector<2x1x1x16x256xf32>
    %concatenate3A_201 = tpu.concatenate %slice3A_199, %slice3A_200 in 1 : vector<2x1x1x16x256xf32>, vector<2x1x1x16x256xf32> -> vector<2x2x1x16x256xf32>
    %slice3A_202 = vector.extract_strided_slice %min3A_198 {offsets = [0, 0, 0, 0, 0], sizes = [2, 1, 1, 16, 256], strides = [1, 1, 1, 1, 1]} : vector<2x2x1x16x256xf32> to vector<2x1x1x16x256xf32>
    %slice3A_203 = vector.extract_strided_slice %max3A_197 {offsets = [0, 1, 0, 0, 0], sizes = [2, 1, 1, 16, 256], strides = [1, 1, 1, 1, 1]} : vector<2x2x1x16x256xf32> to vector<2x1x1x16x256xf32>
    %concatenate3A_204 = tpu.concatenate %slice3A_202, %slice3A_203 in 1 : vector<2x1x1x16x256xf32>, vector<2x1x1x16x256xf32> -> vector<2x2x1x16x256xf32>
    %stack3A_205 = vector.shape_cast %concatenate3A_201 : vector<2x2x1x16x256xf32> to vector<2x2x1x1x16x256xf32>
    %stack3A_206 = vector.shape_cast %concatenate3A_204 : vector<2x2x1x16x256xf32> to vector<2x2x1x1x16x256xf32>
    %stack3A_207 = tpu.concatenate %stack3A_205, %stack3A_206 in 3 : vector<2x2x1x1x16x256xf32>, vector<2x2x1x1x16x256xf32> -> vector<2x2x1x2x16x256xf32>
    %reshape3A_208 = vector.shape_cast %stack3A_207 : vector<2x2x1x2x16x256xf32> to vector<128x256xf32>
    %reshape3A_209 = vector.shape_cast %reshape3A_208 : vector<128x256xf32> to vector<2x2x2x2x8x256xf32>
    %slice3A_210 = vector.extract_strided_slice %reshape3A_209 {offsets = [0, 0, 0, 0, 0, 0], sizes = [2, 2, 2, 1, 8, 256], strides = [1, 1, 1, 1, 1, 1]} : vector<2x2x2x2x8x256xf32> to vector<2x2x2x1x8x256xf32>
    %squeeze3A_211 = vector.shape_cast %slice3A_210 : vector<2x2x2x1x8x256xf32> to vector<2x2x2x8x256xf32>
    %slice3A_212 = vector.extract_strided_slice %reshape3A_209 {offsets = [0, 0, 0, 1, 0, 0], sizes = [2, 2, 2, 1, 8, 256], strides = [1, 1, 1, 1, 1, 1]} : vector<2x2x2x2x8x256xf32> to vector<2x2x2x1x8x256xf32>
    %squeeze3A_213 = vector.shape_cast %slice3A_212 : vector<2x2x2x1x8x256xf32> to vector<2x2x2x8x256xf32>
    %max3A_214 = arith.maximumf %squeeze3A_211, %squeeze3A_213 : vector<2x2x2x8x256xf32>
    %min3A_215 = arith.minimumf %squeeze3A_211, %squeeze3A_213 : vector<2x2x2x8x256xf32>
    %slice3A_216 = vector.extract_strided_slice %max3A_214 {offsets = [0, 0, 0, 0, 0], sizes = [2, 1, 2, 8, 256], strides = [1, 1, 1, 1, 1]} : vector<2x2x2x8x256xf32> to vector<2x1x2x8x256xf32>
    %slice3A_217 = vector.extract_strided_slice %min3A_215 {offsets = [0, 1, 0, 0, 0], sizes = [2, 1, 2, 8, 256], strides = [1, 1, 1, 1, 1]} : vector<2x2x2x8x256xf32> to vector<2x1x2x8x256xf32>
    %concatenate3A_218 = tpu.concatenate %slice3A_216, %slice3A_217 in 1 : vector<2x1x2x8x256xf32>, vector<2x1x2x8x256xf32> -> vector<2x2x2x8x256xf32>
    %slice3A_219 = vector.extract_strided_slice %min3A_215 {offsets = [0, 0, 0, 0, 0], sizes = [2, 1, 2, 8, 256], strides = [1, 1, 1, 1, 1]} : vector<2x2x2x8x256xf32> to vector<2x1x2x8x256xf32>
    %slice3A_220 = vector.extract_strided_slice %max3A_214 {offsets = [0, 1, 0, 0, 0], sizes = [2, 1, 2, 8, 256], strides = [1, 1, 1, 1, 1]} : vector<2x2x2x8x256xf32> to vector<2x1x2x8x256xf32>
    %concatenate3A_221 = tpu.concatenate %slice3A_219, %slice3A_220 in 1 : vector<2x1x2x8x256xf32>, vector<2x1x2x8x256xf32> -> vector<2x2x2x8x256xf32>
    %stack3A_222 = vector.shape_cast %concatenate3A_218 : vector<2x2x2x8x256xf32> to vector<2x2x2x1x8x256xf32>
    %stack3A_223 = vector.shape_cast %concatenate3A_221 : vector<2x2x2x8x256xf32> to vector<2x2x2x1x8x256xf32>
    %stack3A_224 = tpu.concatenate %stack3A_222, %stack3A_223 in 3 : vector<2x2x2x1x8x256xf32>, vector<2x2x2x1x8x256xf32> -> vector<2x2x2x2x8x256xf32>
    %reshape3A_225 = vector.shape_cast %stack3A_224 : vector<2x2x2x2x8x256xf32> to vector<128x256xf32>
    %reshape3A_226 = vector.shape_cast %reshape3A_225 : vector<128x256xf32> to vector<2x2x4x2x4x256xf32>
    %slice3A_227 = vector.extract_strided_slice %reshape3A_226 {offsets = [0, 0, 0, 0, 0, 0], sizes = [2, 2, 4, 1, 4, 256], strides = [1, 1, 1, 1, 1, 1]} : vector<2x2x4x2x4x256xf32> to vector<2x2x4x1x4x256xf32>
    %squeeze3A_228 = vector.shape_cast %slice3A_227 : vector<2x2x4x1x4x256xf32> to vector<2x2x4x4x256xf32>
    %slice3A_229 = vector.extract_strided_slice %reshape3A_226 {offsets = [0, 0, 0, 1, 0, 0], sizes = [2, 2, 4, 1, 4, 256], strides = [1, 1, 1, 1, 1, 1]} : vector<2x2x4x2x4x256xf32> to vector<2x2x4x1x4x256xf32>
    %squeeze3A_230 = vector.shape_cast %slice3A_229 : vector<2x2x4x1x4x256xf32> to vector<2x2x4x4x256xf32>
    %max3A_231 = arith.maximumf %squeeze3A_228, %squeeze3A_230 : vector<2x2x4x4x256xf32>
    %min3A_232 = arith.minimumf %squeeze3A_228, %squeeze3A_230 : vector<2x2x4x4x256xf32>
    %slice3A_233 = vector.extract_strided_slice %max3A_231 {offsets = [0, 0, 0, 0, 0], sizes = [2, 1, 4, 4, 256], strides = [1, 1, 1, 1, 1]} : vector<2x2x4x4x256xf32> to vector<2x1x4x4x256xf32>
    %slice3A_234 = vector.extract_strided_slice %min3A_232 {offsets = [0, 1, 0, 0, 0], sizes = [2, 1, 4, 4, 256], strides = [1, 1, 1, 1, 1]} : vector<2x2x4x4x256xf32> to vector<2x1x4x4x256xf32>
    %concatenate3A_235 = tpu.concatenate %slice3A_233, %slice3A_234 in 1 : vector<2x1x4x4x256xf32>, vector<2x1x4x4x256xf32> -> vector<2x2x4x4x256xf32>
    %slice3A_236 = vector.extract_strided_slice %min3A_232 {offsets = [0, 0, 0, 0, 0], sizes = [2, 1, 4, 4, 256], strides = [1, 1, 1, 1, 1]} : vector<2x2x4x4x256xf32> to vector<2x1x4x4x256xf32>
    %slice3A_237 = vector.extract_strided_slice %max3A_231 {offsets = [0, 1, 0, 0, 0], sizes = [2, 1, 4, 4, 256], strides = [1, 1, 1, 1, 1]} : vector<2x2x4x4x256xf32> to vector<2x1x4x4x256xf32>
    %concatenate3A_238 = tpu.concatenate %slice3A_236, %slice3A_237 in 1 : vector<2x1x4x4x256xf32>, vector<2x1x4x4x256xf32> -> vector<2x2x4x4x256xf32>
    %stack3A_239 = vector.shape_cast %concatenate3A_235 : vector<2x2x4x4x256xf32> to vector<2x2x4x1x4x256xf32>
    %stack3A_240 = vector.shape_cast %concatenate3A_238 : vector<2x2x4x4x256xf32> to vector<2x2x4x1x4x256xf32>
    %stack3A_241 = tpu.concatenate %stack3A_239, %stack3A_240 in 3 : vector<2x2x4x1x4x256xf32>, vector<2x2x4x1x4x256xf32> -> vector<2x2x4x2x4x256xf32>
    %reshape3A_242 = vector.shape_cast %stack3A_241 : vector<2x2x4x2x4x256xf32> to vector<128x256xf32>
    %reshape3A_243 = vector.shape_cast %reshape3A_242 : vector<128x256xf32> to vector<2x2x8x2x2x256xf32>
    %slice3A_244 = vector.extract_strided_slice %reshape3A_243 {offsets = [0, 0, 0, 0, 0, 0], sizes = [2, 2, 8, 1, 2, 256], strides = [1, 1, 1, 1, 1, 1]} : vector<2x2x8x2x2x256xf32> to vector<2x2x8x1x2x256xf32>
    %squeeze3A_245 = vector.shape_cast %slice3A_244 : vector<2x2x8x1x2x256xf32> to vector<2x2x8x2x256xf32>
    %slice3A_246 = vector.extract_strided_slice %reshape3A_243 {offsets = [0, 0, 0, 1, 0, 0], sizes = [2, 2, 8, 1, 2, 256], strides = [1, 1, 1, 1, 1, 1]} : vector<2x2x8x2x2x256xf32> to vector<2x2x8x1x2x256xf32>
    %squeeze3A_247 = vector.shape_cast %slice3A_246 : vector<2x2x8x1x2x256xf32> to vector<2x2x8x2x256xf32>
    %max3A_248 = arith.maximumf %squeeze3A_245, %squeeze3A_247 : vector<2x2x8x2x256xf32>
    %min3A_249 = arith.minimumf %squeeze3A_245, %squeeze3A_247 : vector<2x2x8x2x256xf32>
    %slice3A_250 = vector.extract_strided_slice %max3A_248 {offsets = [0, 0, 0, 0, 0], sizes = [2, 1, 8, 2, 256], strides = [1, 1, 1, 1, 1]} : vector<2x2x8x2x256xf32> to vector<2x1x8x2x256xf32>
    %slice3A_251 = vector.extract_strided_slice %min3A_249 {offsets = [0, 1, 0, 0, 0], sizes = [2, 1, 8, 2, 256], strides = [1, 1, 1, 1, 1]} : vector<2x2x8x2x256xf32> to vector<2x1x8x2x256xf32>
    %concatenate3A_252 = tpu.concatenate %slice3A_250, %slice3A_251 in 1 : vector<2x1x8x2x256xf32>, vector<2x1x8x2x256xf32> -> vector<2x2x8x2x256xf32>
    %slice3A_253 = vector.extract_strided_slice %min3A_249 {offsets = [0, 0, 0, 0, 0], sizes = [2, 1, 8, 2, 256], strides = [1, 1, 1, 1, 1]} : vector<2x2x8x2x256xf32> to vector<2x1x8x2x256xf32>
    %slice3A_254 = vector.extract_strided_slice %max3A_248 {offsets = [0, 1, 0, 0, 0], sizes = [2, 1, 8, 2, 256], strides = [1, 1, 1, 1, 1]} : vector<2x2x8x2x256xf32> to vector<2x1x8x2x256xf32>
    %concatenate3A_255 = tpu.concatenate %slice3A_253, %slice3A_254 in 1 : vector<2x1x8x2x256xf32>, vector<2x1x8x2x256xf32> -> vector<2x2x8x2x256xf32>
    %stack3A_256 = vector.shape_cast %concatenate3A_252 : vector<2x2x8x2x256xf32> to vector<2x2x8x1x2x256xf32>
    %stack3A_257 = vector.shape_cast %concatenate3A_255 : vector<2x2x8x2x256xf32> to vector<2x2x8x1x2x256xf32>
    %stack3A_258 = tpu.concatenate %stack3A_256, %stack3A_257 in 3 : vector<2x2x8x1x2x256xf32>, vector<2x2x8x1x2x256xf32> -> vector<2x2x8x2x2x256xf32>
    %reshape3A_259 = vector.shape_cast %stack3A_258 : vector<2x2x8x2x2x256xf32> to vector<128x256xf32>
    %reshape3A_260 = vector.shape_cast %reshape3A_259 : vector<128x256xf32> to vector<2x2x16x2x1x256xf32>
    %slice3A_261 = vector.extract_strided_slice %reshape3A_260 {offsets = [0, 0, 0, 0, 0, 0], sizes = [2, 2, 16, 1, 1, 256], strides = [1, 1, 1, 1, 1, 1]} : vector<2x2x16x2x1x256xf32> to vector<2x2x16x1x1x256xf32>
    %squeeze3A_262 = vector.shape_cast %slice3A_261 : vector<2x2x16x1x1x256xf32> to vector<2x2x16x1x256xf32>
    %slice3A_263 = vector.extract_strided_slice %reshape3A_260 {offsets = [0, 0, 0, 1, 0, 0], sizes = [2, 2, 16, 1, 1, 256], strides = [1, 1, 1, 1, 1, 1]} : vector<2x2x16x2x1x256xf32> to vector<2x2x16x1x1x256xf32>
    %squeeze3A_264 = vector.shape_cast %slice3A_263 : vector<2x2x16x1x1x256xf32> to vector<2x2x16x1x256xf32>
    %max3A_265 = arith.maximumf %squeeze3A_262, %squeeze3A_264 : vector<2x2x16x1x256xf32>
    %min3A_266 = arith.minimumf %squeeze3A_262, %squeeze3A_264 : vector<2x2x16x1x256xf32>
    %slice3A_267 = vector.extract_strided_slice %max3A_265 {offsets = [0, 0, 0, 0, 0], sizes = [2, 1, 16, 1, 256], strides = [1, 1, 1, 1, 1]} : vector<2x2x16x1x256xf32> to vector<2x1x16x1x256xf32>
    %slice3A_268 = vector.extract_strided_slice %min3A_266 {offsets = [0, 1, 0, 0, 0], sizes = [2, 1, 16, 1, 256], strides = [1, 1, 1, 1, 1]} : vector<2x2x16x1x256xf32> to vector<2x1x16x1x256xf32>
    %concatenate3A_269 = tpu.concatenate %slice3A_267, %slice3A_268 in 1 : vector<2x1x16x1x256xf32>, vector<2x1x16x1x256xf32> -> vector<2x2x16x1x256xf32>
    %slice3A_270 = vector.extract_strided_slice %min3A_266 {offsets = [0, 0, 0, 0, 0], sizes = [2, 1, 16, 1, 256], strides = [1, 1, 1, 1, 1]} : vector<2x2x16x1x256xf32> to vector<2x1x16x1x256xf32>
    %slice3A_271 = vector.extract_strided_slice %max3A_265 {offsets = [0, 1, 0, 0, 0], sizes = [2, 1, 16, 1, 256], strides = [1, 1, 1, 1, 1]} : vector<2x2x16x1x256xf32> to vector<2x1x16x1x256xf32>
    %concatenate3A_272 = tpu.concatenate %slice3A_270, %slice3A_271 in 1 : vector<2x1x16x1x256xf32>, vector<2x1x16x1x256xf32> -> vector<2x2x16x1x256xf32>
    %stack3A_273 = vector.shape_cast %concatenate3A_269 : vector<2x2x16x1x256xf32> to vector<2x2x16x1x1x256xf32>
    %stack3A_274 = vector.shape_cast %concatenate3A_272 : vector<2x2x16x1x256xf32> to vector<2x2x16x1x1x256xf32>
    %stack3A_275 = tpu.concatenate %stack3A_273, %stack3A_274 in 3 : vector<2x2x16x1x1x256xf32>, vector<2x2x16x1x1x256xf32> -> vector<2x2x16x2x1x256xf32>
    %reshape3A_276 = vector.shape_cast %stack3A_275 : vector<2x2x16x2x1x256xf32> to vector<128x256xf32>
    %reshape3A_277 = vector.shape_cast %reshape3A_276 : vector<128x256xf32> to vector<1x2x1x2x32x256xf32>
    %slice3A_278 = vector.extract_strided_slice %reshape3A_277 {offsets = [0, 0, 0, 0, 0, 0], sizes = [1, 2, 1, 1, 32, 256], strides = [1, 1, 1, 1, 1, 1]} : vector<1x2x1x2x32x256xf32> to vector<1x2x1x1x32x256xf32>
    %squeeze3A_279 = vector.shape_cast %slice3A_278 : vector<1x2x1x1x32x256xf32> to vector<1x2x1x32x256xf32>
    %slice3A_280 = vector.extract_strided_slice %reshape3A_277 {offsets = [0, 0, 0, 1, 0, 0], sizes = [1, 2, 1, 1, 32, 256], strides = [1, 1, 1, 1, 1, 1]} : vector<1x2x1x2x32x256xf32> to vector<1x2x1x1x32x256xf32>
    %squeeze3A_281 = vector.shape_cast %slice3A_280 : vector<1x2x1x1x32x256xf32> to vector<1x2x1x32x256xf32>
    %max3A_282 = arith.maximumf %squeeze3A_279, %squeeze3A_281 : vector<1x2x1x32x256xf32>
    %min3A_283 = arith.minimumf %squeeze3A_279, %squeeze3A_281 : vector<1x2x1x32x256xf32>
    %slice3A_284 = vector.extract_strided_slice %max3A_282 {offsets = [0, 0, 0, 0, 0], sizes = [1, 1, 1, 32, 256], strides = [1, 1, 1, 1, 1]} : vector<1x2x1x32x256xf32> to vector<1x1x1x32x256xf32>
    %slice3A_285 = vector.extract_strided_slice %min3A_283 {offsets = [0, 1, 0, 0, 0], sizes = [1, 1, 1, 32, 256], strides = [1, 1, 1, 1, 1]} : vector<1x2x1x32x256xf32> to vector<1x1x1x32x256xf32>
    %concatenate3A_286 = tpu.concatenate %slice3A_284, %slice3A_285 in 1 : vector<1x1x1x32x256xf32>, vector<1x1x1x32x256xf32> -> vector<1x2x1x32x256xf32>
    %slice3A_287 = vector.extract_strided_slice %min3A_283 {offsets = [0, 0, 0, 0, 0], sizes = [1, 1, 1, 32, 256], strides = [1, 1, 1, 1, 1]} : vector<1x2x1x32x256xf32> to vector<1x1x1x32x256xf32>
    %slice3A_288 = vector.extract_strided_slice %max3A_282 {offsets = [0, 1, 0, 0, 0], sizes = [1, 1, 1, 32, 256], strides = [1, 1, 1, 1, 1]} : vector<1x2x1x32x256xf32> to vector<1x1x1x32x256xf32>
    %concatenate3A_289 = tpu.concatenate %slice3A_287, %slice3A_288 in 1 : vector<1x1x1x32x256xf32>, vector<1x1x1x32x256xf32> -> vector<1x2x1x32x256xf32>
    %stack3A_290 = vector.shape_cast %concatenate3A_286 : vector<1x2x1x32x256xf32> to vector<1x2x1x1x32x256xf32>
    %stack3A_291 = vector.shape_cast %concatenate3A_289 : vector<1x2x1x32x256xf32> to vector<1x2x1x1x32x256xf32>
    %stack3A_292 = tpu.concatenate %stack3A_290, %stack3A_291 in 3 : vector<1x2x1x1x32x256xf32>, vector<1x2x1x1x32x256xf32> -> vector<1x2x1x2x32x256xf32>
    %reshape3A_293 = vector.shape_cast %stack3A_292 : vector<1x2x1x2x32x256xf32> to vector<128x256xf32>
    %reshape3A_294 = vector.shape_cast %reshape3A_293 : vector<128x256xf32> to vector<1x2x2x2x16x256xf32>
    %slice3A_295 = vector.extract_strided_slice %reshape3A_294 {offsets = [0, 0, 0, 0, 0, 0], sizes = [1, 2, 2, 1, 16, 256], strides = [1, 1, 1, 1, 1, 1]} : vector<1x2x2x2x16x256xf32> to vector<1x2x2x1x16x256xf32>
    %squeeze3A_296 = vector.shape_cast %slice3A_295 : vector<1x2x2x1x16x256xf32> to vector<1x2x2x16x256xf32>
    %slice3A_297 = vector.extract_strided_slice %reshape3A_294 {offsets = [0, 0, 0, 1, 0, 0], sizes = [1, 2, 2, 1, 16, 256], strides = [1, 1, 1, 1, 1, 1]} : vector<1x2x2x2x16x256xf32> to vector<1x2x2x1x16x256xf32>
    %squeeze3A_298 = vector.shape_cast %slice3A_297 : vector<1x2x2x1x16x256xf32> to vector<1x2x2x16x256xf32>
    %max3A_299 = arith.maximumf %squeeze3A_296, %squeeze3A_298 : vector<1x2x2x16x256xf32>
    %min3A_300 = arith.minimumf %squeeze3A_296, %squeeze3A_298 : vector<1x2x2x16x256xf32>
    %slice3A_301 = vector.extract_strided_slice %max3A_299 {offsets = [0, 0, 0, 0, 0], sizes = [1, 1, 2, 16, 256], strides = [1, 1, 1, 1, 1]} : vector<1x2x2x16x256xf32> to vector<1x1x2x16x256xf32>
    %slice3A_302 = vector.extract_strided_slice %min3A_300 {offsets = [0, 1, 0, 0, 0], sizes = [1, 1, 2, 16, 256], strides = [1, 1, 1, 1, 1]} : vector<1x2x2x16x256xf32> to vector<1x1x2x16x256xf32>
    %concatenate3A_303 = tpu.concatenate %slice3A_301, %slice3A_302 in 1 : vector<1x1x2x16x256xf32>, vector<1x1x2x16x256xf32> -> vector<1x2x2x16x256xf32>
    %slice3A_304 = vector.extract_strided_slice %min3A_300 {offsets = [0, 0, 0, 0, 0], sizes = [1, 1, 2, 16, 256], strides = [1, 1, 1, 1, 1]} : vector<1x2x2x16x256xf32> to vector<1x1x2x16x256xf32>
    %slice3A_305 = vector.extract_strided_slice %max3A_299 {offsets = [0, 1, 0, 0, 0], sizes = [1, 1, 2, 16, 256], strides = [1, 1, 1, 1, 1]} : vector<1x2x2x16x256xf32> to vector<1x1x2x16x256xf32>
    %concatenate3A_306 = tpu.concatenate %slice3A_304, %slice3A_305 in 1 : vector<1x1x2x16x256xf32>, vector<1x1x2x16x256xf32> -> vector<1x2x2x16x256xf32>
    %stack3A_307 = vector.shape_cast %concatenate3A_303 : vector<1x2x2x16x256xf32> to vector<1x2x2x1x16x256xf32>
    %stack3A_308 = vector.shape_cast %concatenate3A_306 : vector<1x2x2x16x256xf32> to vector<1x2x2x1x16x256xf32>
    %stack3A_309 = tpu.concatenate %stack3A_307, %stack3A_308 in 3 : vector<1x2x2x1x16x256xf32>, vector<1x2x2x1x16x256xf32> -> vector<1x2x2x2x16x256xf32>
    %reshape3A_310 = vector.shape_cast %stack3A_309 : vector<1x2x2x2x16x256xf32> to vector<128x256xf32>
    %reshape3A_311 = vector.shape_cast %reshape3A_310 : vector<128x256xf32> to vector<1x2x4x2x8x256xf32>
    %slice3A_312 = vector.extract_strided_slice %reshape3A_311 {offsets = [0, 0, 0, 0, 0, 0], sizes = [1, 2, 4, 1, 8, 256], strides = [1, 1, 1, 1, 1, 1]} : vector<1x2x4x2x8x256xf32> to vector<1x2x4x1x8x256xf32>
    %squeeze3A_313 = vector.shape_cast %slice3A_312 : vector<1x2x4x1x8x256xf32> to vector<1x2x4x8x256xf32>
    %slice3A_314 = vector.extract_strided_slice %reshape3A_311 {offsets = [0, 0, 0, 1, 0, 0], sizes = [1, 2, 4, 1, 8, 256], strides = [1, 1, 1, 1, 1, 1]} : vector<1x2x4x2x8x256xf32> to vector<1x2x4x1x8x256xf32>
    %squeeze3A_315 = vector.shape_cast %slice3A_314 : vector<1x2x4x1x8x256xf32> to vector<1x2x4x8x256xf32>
    %max3A_316 = arith.maximumf %squeeze3A_313, %squeeze3A_315 : vector<1x2x4x8x256xf32>
    %min3A_317 = arith.minimumf %squeeze3A_313, %squeeze3A_315 : vector<1x2x4x8x256xf32>
    %slice3A_318 = vector.extract_strided_slice %max3A_316 {offsets = [0, 0, 0, 0, 0], sizes = [1, 1, 4, 8, 256], strides = [1, 1, 1, 1, 1]} : vector<1x2x4x8x256xf32> to vector<1x1x4x8x256xf32>
    %slice3A_319 = vector.extract_strided_slice %min3A_317 {offsets = [0, 1, 0, 0, 0], sizes = [1, 1, 4, 8, 256], strides = [1, 1, 1, 1, 1]} : vector<1x2x4x8x256xf32> to vector<1x1x4x8x256xf32>
    %concatenate3A_320 = tpu.concatenate %slice3A_318, %slice3A_319 in 1 : vector<1x1x4x8x256xf32>, vector<1x1x4x8x256xf32> -> vector<1x2x4x8x256xf32>
    %slice3A_321 = vector.extract_strided_slice %min3A_317 {offsets = [0, 0, 0, 0, 0], sizes = [1, 1, 4, 8, 256], strides = [1, 1, 1, 1, 1]} : vector<1x2x4x8x256xf32> to vector<1x1x4x8x256xf32>
    %slice3A_322 = vector.extract_strided_slice %max3A_316 {offsets = [0, 1, 0, 0, 0], sizes = [1, 1, 4, 8, 256], strides = [1, 1, 1, 1, 1]} : vector<1x2x4x8x256xf32> to vector<1x1x4x8x256xf32>
    %concatenate3A_323 = tpu.concatenate %slice3A_321, %slice3A_322 in 1 : vector<1x1x4x8x256xf32>, vector<1x1x4x8x256xf32> -> vector<1x2x4x8x256xf32>
    %stack3A_324 = vector.shape_cast %concatenate3A_320 : vector<1x2x4x8x256xf32> to vector<1x2x4x1x8x256xf32>
    %stack3A_325 = vector.shape_cast %concatenate3A_323 : vector<1x2x4x8x256xf32> to vector<1x2x4x1x8x256xf32>
    %stack3A_326 = tpu.concatenate %stack3A_324, %stack3A_325 in 3 : vector<1x2x4x1x8x256xf32>, vector<1x2x4x1x8x256xf32> -> vector<1x2x4x2x8x256xf32>
    %reshape3A_327 = vector.shape_cast %stack3A_326 : vector<1x2x4x2x8x256xf32> to vector<128x256xf32>
    %reshape3A_328 = vector.shape_cast %reshape3A_327 : vector<128x256xf32> to vector<1x2x8x2x4x256xf32>
    %slice3A_329 = vector.extract_strided_slice %reshape3A_328 {offsets = [0, 0, 0, 0, 0, 0], sizes = [1, 2, 8, 1, 4, 256], strides = [1, 1, 1, 1, 1, 1]} : vector<1x2x8x2x4x256xf32> to vector<1x2x8x1x4x256xf32>
    %squeeze3A_330 = vector.shape_cast %slice3A_329 : vector<1x2x8x1x4x256xf32> to vector<1x2x8x4x256xf32>
    %slice3A_331 = vector.extract_strided_slice %reshape3A_328 {offsets = [0, 0, 0, 1, 0, 0], sizes = [1, 2, 8, 1, 4, 256], strides = [1, 1, 1, 1, 1, 1]} : vector<1x2x8x2x4x256xf32> to vector<1x2x8x1x4x256xf32>
    %squeeze3A_332 = vector.shape_cast %slice3A_331 : vector<1x2x8x1x4x256xf32> to vector<1x2x8x4x256xf32>
    %max3A_333 = arith.maximumf %squeeze3A_330, %squeeze3A_332 : vector<1x2x8x4x256xf32>
    %min3A_334 = arith.minimumf %squeeze3A_330, %squeeze3A_332 : vector<1x2x8x4x256xf32>
    %slice3A_335 = vector.extract_strided_slice %max3A_333 {offsets = [0, 0, 0, 0, 0], sizes = [1, 1, 8, 4, 256], strides = [1, 1, 1, 1, 1]} : vector<1x2x8x4x256xf32> to vector<1x1x8x4x256xf32>
    %slice3A_336 = vector.extract_strided_slice %min3A_334 {offsets = [0, 1, 0, 0, 0], sizes = [1, 1, 8, 4, 256], strides = [1, 1, 1, 1, 1]} : vector<1x2x8x4x256xf32> to vector<1x1x8x4x256xf32>
    %concatenate3A_337 = tpu.concatenate %slice3A_335, %slice3A_336 in 1 : vector<1x1x8x4x256xf32>, vector<1x1x8x4x256xf32> -> vector<1x2x8x4x256xf32>
    %slice3A_338 = vector.extract_strided_slice %min3A_334 {offsets = [0, 0, 0, 0, 0], sizes = [1, 1, 8, 4, 256], strides = [1, 1, 1, 1, 1]} : vector<1x2x8x4x256xf32> to vector<1x1x8x4x256xf32>
    %slice3A_339 = vector.extract_strided_slice %max3A_333 {offsets = [0, 1, 0, 0, 0], sizes = [1, 1, 8, 4, 256], strides = [1, 1, 1, 1, 1]} : vector<1x2x8x4x256xf32> to vector<1x1x8x4x256xf32>
    %concatenate3A_340 = tpu.concatenate %slice3A_338, %slice3A_339 in 1 : vector<1x1x8x4x256xf32>, vector<1x1x8x4x256xf32> -> vector<1x2x8x4x256xf32>
    %stack3A_341 = vector.shape_cast %concatenate3A_337 : vector<1x2x8x4x256xf32> to vector<1x2x8x1x4x256xf32>
    %stack3A_342 = vector.shape_cast %concatenate3A_340 : vector<1x2x8x4x256xf32> to vector<1x2x8x1x4x256xf32>
    %stack3A_343 = tpu.concatenate %stack3A_341, %stack3A_342 in 3 : vector<1x2x8x1x4x256xf32>, vector<1x2x8x1x4x256xf32> -> vector<1x2x8x2x4x256xf32>
    %reshape3A_344 = vector.shape_cast %stack3A_343 : vector<1x2x8x2x4x256xf32> to vector<128x256xf32>
    %reshape3A_345 = vector.shape_cast %reshape3A_344 : vector<128x256xf32> to vector<1x2x16x2x2x256xf32>
    %slice3A_346 = vector.extract_strided_slice %reshape3A_345 {offsets = [0, 0, 0, 0, 0, 0], sizes = [1, 2, 16, 1, 2, 256], strides = [1, 1, 1, 1, 1, 1]} : vector<1x2x16x2x2x256xf32> to vector<1x2x16x1x2x256xf32>
    %squeeze3A_347 = vector.shape_cast %slice3A_346 : vector<1x2x16x1x2x256xf32> to vector<1x2x16x2x256xf32>
    %slice3A_348 = vector.extract_strided_slice %reshape3A_345 {offsets = [0, 0, 0, 1, 0, 0], sizes = [1, 2, 16, 1, 2, 256], strides = [1, 1, 1, 1, 1, 1]} : vector<1x2x16x2x2x256xf32> to vector<1x2x16x1x2x256xf32>
    %squeeze3A_349 = vector.shape_cast %slice3A_348 : vector<1x2x16x1x2x256xf32> to vector<1x2x16x2x256xf32>
    %max3A_350 = arith.maximumf %squeeze3A_347, %squeeze3A_349 : vector<1x2x16x2x256xf32>
    %min3A_351 = arith.minimumf %squeeze3A_347, %squeeze3A_349 : vector<1x2x16x2x256xf32>
    %slice3A_352 = vector.extract_strided_slice %max3A_350 {offsets = [0, 0, 0, 0, 0], sizes = [1, 1, 16, 2, 256], strides = [1, 1, 1, 1, 1]} : vector<1x2x16x2x256xf32> to vector<1x1x16x2x256xf32>
    %slice3A_353 = vector.extract_strided_slice %min3A_351 {offsets = [0, 1, 0, 0, 0], sizes = [1, 1, 16, 2, 256], strides = [1, 1, 1, 1, 1]} : vector<1x2x16x2x256xf32> to vector<1x1x16x2x256xf32>
    %concatenate3A_354 = tpu.concatenate %slice3A_352, %slice3A_353 in 1 : vector<1x1x16x2x256xf32>, vector<1x1x16x2x256xf32> -> vector<1x2x16x2x256xf32>
    %slice3A_355 = vector.extract_strided_slice %min3A_351 {offsets = [0, 0, 0, 0, 0], sizes = [1, 1, 16, 2, 256], strides = [1, 1, 1, 1, 1]} : vector<1x2x16x2x256xf32> to vector<1x1x16x2x256xf32>
    %slice3A_356 = vector.extract_strided_slice %max3A_350 {offsets = [0, 1, 0, 0, 0], sizes = [1, 1, 16, 2, 256], strides = [1, 1, 1, 1, 1]} : vector<1x2x16x2x256xf32> to vector<1x1x16x2x256xf32>
    %concatenate3A_357 = tpu.concatenate %slice3A_355, %slice3A_356 in 1 : vector<1x1x16x2x256xf32>, vector<1x1x16x2x256xf32> -> vector<1x2x16x2x256xf32>
    %stack3A_358 = vector.shape_cast %concatenate3A_354 : vector<1x2x16x2x256xf32> to vector<1x2x16x1x2x256xf32>
    %stack3A_359 = vector.shape_cast %concatenate3A_357 : vector<1x2x16x2x256xf32> to vector<1x2x16x1x2x256xf32>
    %stack3A_360 = tpu.concatenate %stack3A_358, %stack3A_359 in 3 : vector<1x2x16x1x2x256xf32>, vector<1x2x16x1x2x256xf32> -> vector<1x2x16x2x2x256xf32>
    %reshape3A_361 = vector.shape_cast %stack3A_360 : vector<1x2x16x2x2x256xf32> to vector<128x256xf32>
    %reshape3A_362 = vector.shape_cast %reshape3A_361 : vector<128x256xf32> to vector<1x2x32x2x1x256xf32>
    %slice3A_363 = vector.extract_strided_slice %reshape3A_362 {offsets = [0, 0, 0, 0, 0, 0], sizes = [1, 2, 32, 1, 1, 256], strides = [1, 1, 1, 1, 1, 1]} : vector<1x2x32x2x1x256xf32> to vector<1x2x32x1x1x256xf32>
    %squeeze3A_364 = vector.shape_cast %slice3A_363 : vector<1x2x32x1x1x256xf32> to vector<1x2x32x1x256xf32>
    %slice3A_365 = vector.extract_strided_slice %reshape3A_362 {offsets = [0, 0, 0, 1, 0, 0], sizes = [1, 2, 32, 1, 1, 256], strides = [1, 1, 1, 1, 1, 1]} : vector<1x2x32x2x1x256xf32> to vector<1x2x32x1x1x256xf32>
    %squeeze3A_366 = vector.shape_cast %slice3A_365 : vector<1x2x32x1x1x256xf32> to vector<1x2x32x1x256xf32>
    %max3A_367 = arith.maximumf %squeeze3A_364, %squeeze3A_366 : vector<1x2x32x1x256xf32>
    %min3A_368 = arith.minimumf %squeeze3A_364, %squeeze3A_366 : vector<1x2x32x1x256xf32>
    %slice3A_369 = vector.extract_strided_slice %max3A_367 {offsets = [0, 0, 0, 0, 0], sizes = [1, 1, 32, 1, 256], strides = [1, 1, 1, 1, 1]} : vector<1x2x32x1x256xf32> to vector<1x1x32x1x256xf32>
    %slice3A_370 = vector.extract_strided_slice %min3A_368 {offsets = [0, 1, 0, 0, 0], sizes = [1, 1, 32, 1, 256], strides = [1, 1, 1, 1, 1]} : vector<1x2x32x1x256xf32> to vector<1x1x32x1x256xf32>
    %concatenate3A_371 = tpu.concatenate %slice3A_369, %slice3A_370 in 1 : vector<1x1x32x1x256xf32>, vector<1x1x32x1x256xf32> -> vector<1x2x32x1x256xf32>
    %slice3A_372 = vector.extract_strided_slice %min3A_368 {offsets = [0, 0, 0, 0, 0], sizes = [1, 1, 32, 1, 256], strides = [1, 1, 1, 1, 1]} : vector<1x2x32x1x256xf32> to vector<1x1x32x1x256xf32>
    %slice3A_373 = vector.extract_strided_slice %max3A_367 {offsets = [0, 1, 0, 0, 0], sizes = [1, 1, 32, 1, 256], strides = [1, 1, 1, 1, 1]} : vector<1x2x32x1x256xf32> to vector<1x1x32x1x256xf32>
    %concatenate3A_374 = tpu.concatenate %slice3A_372, %slice3A_373 in 1 : vector<1x1x32x1x256xf32>, vector<1x1x32x1x256xf32> -> vector<1x2x32x1x256xf32>
    %stack3A_375 = vector.shape_cast %concatenate3A_371 : vector<1x2x32x1x256xf32> to vector<1x2x32x1x1x256xf32>
    %stack3A_376 = vector.shape_cast %concatenate3A_374 : vector<1x2x32x1x256xf32> to vector<1x2x32x1x1x256xf32>
    %stack3A_377 = tpu.concatenate %stack3A_375, %stack3A_376 in 3 : vector<1x2x32x1x1x256xf32>, vector<1x2x32x1x1x256xf32> -> vector<1x2x32x2x1x256xf32>
    %reshape3A_378 = vector.shape_cast %stack3A_377 : vector<1x2x32x2x1x256xf32> to vector<128x256xf32>
    %slice3A_379 = vector.extract_strided_slice %add3A_26 {offsets = [128, 0], sizes = [64, 256], strides = [1, 1]} : vector<198x256xf32> to vector<64x256xf32>
    %reshape3A_380 = vector.shape_cast %slice3A_379 : vector<64x256xf32> to vector<16x2x1x2x1x256xf32>
    %slice3A_381 = vector.extract_strided_slice %reshape3A_380 {offsets = [0, 0, 0, 0, 0, 0], sizes = [16, 2, 1, 1, 1, 256], strides = [1, 1, 1, 1, 1, 1]} : vector<16x2x1x2x1x256xf32> to vector<16x2x1x1x1x256xf32>
    %squeeze3A_382 = vector.shape_cast %slice3A_381 : vector<16x2x1x1x1x256xf32> to vector<16x2x1x1x256xf32>
    %slice3A_383 = vector.extract_strided_slice %reshape3A_380 {offsets = [0, 0, 0, 1, 0, 0], sizes = [16, 2, 1, 1, 1, 256], strides = [1, 1, 1, 1, 1, 1]} : vector<16x2x1x2x1x256xf32> to vector<16x2x1x1x1x256xf32>
    %squeeze3A_384 = vector.shape_cast %slice3A_383 : vector<16x2x1x1x1x256xf32> to vector<16x2x1x1x256xf32>
    %max3A_385 = arith.maximumf %squeeze3A_382, %squeeze3A_384 : vector<16x2x1x1x256xf32>
    %min3A_386 = arith.minimumf %squeeze3A_382, %squeeze3A_384 : vector<16x2x1x1x256xf32>
    %slice3A_387 = vector.extract_strided_slice %max3A_385 {offsets = [0, 0, 0, 0, 0], sizes = [16, 1, 1, 1, 256], strides = [1, 1, 1, 1, 1]} : vector<16x2x1x1x256xf32> to vector<16x1x1x1x256xf32>
    %slice3A_388 = vector.extract_strided_slice %min3A_386 {offsets = [0, 1, 0, 0, 0], sizes = [16, 1, 1, 1, 256], strides = [1, 1, 1, 1, 1]} : vector<16x2x1x1x256xf32> to vector<16x1x1x1x256xf32>
    %concatenate3A_389 = tpu.concatenate %slice3A_387, %slice3A_388 in 1 : vector<16x1x1x1x256xf32>, vector<16x1x1x1x256xf32> -> vector<16x2x1x1x256xf32>
    %slice3A_390 = vector.extract_strided_slice %min3A_386 {offsets = [0, 0, 0, 0, 0], sizes = [16, 1, 1, 1, 256], strides = [1, 1, 1, 1, 1]} : vector<16x2x1x1x256xf32> to vector<16x1x1x1x256xf32>
    %slice3A_391 = vector.extract_strided_slice %max3A_385 {offsets = [0, 1, 0, 0, 0], sizes = [16, 1, 1, 1, 256], strides = [1, 1, 1, 1, 1]} : vector<16x2x1x1x256xf32> to vector<16x1x1x1x256xf32>
    %concatenate3A_392 = tpu.concatenate %slice3A_390, %slice3A_391 in 1 : vector<16x1x1x1x256xf32>, vector<16x1x1x1x256xf32> -> vector<16x2x1x1x256xf32>
    %stack3A_393 = vector.shape_cast %concatenate3A_389 : vector<16x2x1x1x256xf32> to vector<16x2x1x1x1x256xf32>
    %stack3A_394 = vector.shape_cast %concatenate3A_392 : vector<16x2x1x1x256xf32> to vector<16x2x1x1x1x256xf32>
    %stack3A_395 = tpu.concatenate %stack3A_393, %stack3A_394 in 3 : vector<16x2x1x1x1x256xf32>, vector<16x2x1x1x1x256xf32> -> vector<16x2x1x2x1x256xf32>
    %reshape3A_396 = vector.shape_cast %stack3A_395 : vector<16x2x1x2x1x256xf32> to vector<64x256xf32>
    %reshape3A_397 = vector.shape_cast %reshape3A_396 : vector<64x256xf32> to vector<8x2x1x2x2x256xf32>
    %slice3A_398 = vector.extract_strided_slice %reshape3A_397 {offsets = [0, 0, 0, 0, 0, 0], sizes = [8, 2, 1, 1, 2, 256], strides = [1, 1, 1, 1, 1, 1]} : vector<8x2x1x2x2x256xf32> to vector<8x2x1x1x2x256xf32>
    %squeeze3A_399 = vector.shape_cast %slice3A_398 : vector<8x2x1x1x2x256xf32> to vector<8x2x1x2x256xf32>
    %slice3A_400 = vector.extract_strided_slice %reshape3A_397 {offsets = [0, 0, 0, 1, 0, 0], sizes = [8, 2, 1, 1, 2, 256], strides = [1, 1, 1, 1, 1, 1]} : vector<8x2x1x2x2x256xf32> to vector<8x2x1x1x2x256xf32>
    %squeeze3A_401 = vector.shape_cast %slice3A_400 : vector<8x2x1x1x2x256xf32> to vector<8x2x1x2x256xf32>
    %max3A_402 = arith.maximumf %squeeze3A_399, %squeeze3A_401 : vector<8x2x1x2x256xf32>
    %min3A_403 = arith.minimumf %squeeze3A_399, %squeeze3A_401 : vector<8x2x1x2x256xf32>
    %slice3A_404 = vector.extract_strided_slice %max3A_402 {offsets = [0, 0, 0, 0, 0], sizes = [8, 1, 1, 2, 256], strides = [1, 1, 1, 1, 1]} : vector<8x2x1x2x256xf32> to vector<8x1x1x2x256xf32>
    %slice3A_405 = vector.extract_strided_slice %min3A_403 {offsets = [0, 1, 0, 0, 0], sizes = [8, 1, 1, 2, 256], strides = [1, 1, 1, 1, 1]} : vector<8x2x1x2x256xf32> to vector<8x1x1x2x256xf32>
    %concatenate3A_406 = tpu.concatenate %slice3A_404, %slice3A_405 in 1 : vector<8x1x1x2x256xf32>, vector<8x1x1x2x256xf32> -> vector<8x2x1x2x256xf32>
    %slice3A_407 = vector.extract_strided_slice %min3A_403 {offsets = [0, 0, 0, 0, 0], sizes = [8, 1, 1, 2, 256], strides = [1, 1, 1, 1, 1]} : vector<8x2x1x2x256xf32> to vector<8x1x1x2x256xf32>
    %slice3A_408 = vector.extract_strided_slice %max3A_402 {offsets = [0, 1, 0, 0, 0], sizes = [8, 1, 1, 2, 256], strides = [1, 1, 1, 1, 1]} : vector<8x2x1x2x256xf32> to vector<8x1x1x2x256xf32>
    %concatenate3A_409 = tpu.concatenate %slice3A_407, %slice3A_408 in 1 : vector<8x1x1x2x256xf32>, vector<8x1x1x2x256xf32> -> vector<8x2x1x2x256xf32>
    %stack3A_410 = vector.shape_cast %concatenate3A_406 : vector<8x2x1x2x256xf32> to vector<8x2x1x1x2x256xf32>
    %stack3A_411 = vector.shape_cast %concatenate3A_409 : vector<8x2x1x2x256xf32> to vector<8x2x1x1x2x256xf32>
    %stack3A_412 = tpu.concatenate %stack3A_410, %stack3A_411 in 3 : vector<8x2x1x1x2x256xf32>, vector<8x2x1x1x2x256xf32> -> vector<8x2x1x2x2x256xf32>
    %reshape3A_413 = vector.shape_cast %stack3A_412 : vector<8x2x1x2x2x256xf32> to vector<64x256xf32>
    %reshape3A_414 = vector.shape_cast %reshape3A_413 : vector<64x256xf32> to vector<8x2x2x2x1x256xf32>
    %slice3A_415 = vector.extract_strided_slice %reshape3A_414 {offsets = [0, 0, 0, 0, 0, 0], sizes = [8, 2, 2, 1, 1, 256], strides = [1, 1, 1, 1, 1, 1]} : vector<8x2x2x2x1x256xf32> to vector<8x2x2x1x1x256xf32>
    %squeeze3A_416 = vector.shape_cast %slice3A_415 : vector<8x2x2x1x1x256xf32> to vector<8x2x2x1x256xf32>
    %slice3A_417 = vector.extract_strided_slice %reshape3A_414 {offsets = [0, 0, 0, 1, 0, 0], sizes = [8, 2, 2, 1, 1, 256], strides = [1, 1, 1, 1, 1, 1]} : vector<8x2x2x2x1x256xf32> to vector<8x2x2x1x1x256xf32>
    %squeeze3A_418 = vector.shape_cast %slice3A_417 : vector<8x2x2x1x1x256xf32> to vector<8x2x2x1x256xf32>
    %max3A_419 = arith.maximumf %squeeze3A_416, %squeeze3A_418 : vector<8x2x2x1x256xf32>
    %min3A_420 = arith.minimumf %squeeze3A_416, %squeeze3A_418 : vector<8x2x2x1x256xf32>
    %slice3A_421 = vector.extract_strided_slice %max3A_419 {offsets = [0, 0, 0, 0, 0], sizes = [8, 1, 2, 1, 256], strides = [1, 1, 1, 1, 1]} : vector<8x2x2x1x256xf32> to vector<8x1x2x1x256xf32>
    %slice3A_422 = vector.extract_strided_slice %min3A_420 {offsets = [0, 1, 0, 0, 0], sizes = [8, 1, 2, 1, 256], strides = [1, 1, 1, 1, 1]} : vector<8x2x2x1x256xf32> to vector<8x1x2x1x256xf32>
    %concatenate3A_423 = tpu.concatenate %slice3A_421, %slice3A_422 in 1 : vector<8x1x2x1x256xf32>, vector<8x1x2x1x256xf32> -> vector<8x2x2x1x256xf32>
    %slice3A_424 = vector.extract_strided_slice %min3A_420 {offsets = [0, 0, 0, 0, 0], sizes = [8, 1, 2, 1, 256], strides = [1, 1, 1, 1, 1]} : vector<8x2x2x1x256xf32> to vector<8x1x2x1x256xf32>
    %slice3A_425 = vector.extract_strided_slice %max3A_419 {offsets = [0, 1, 0, 0, 0], sizes = [8, 1, 2, 1, 256], strides = [1, 1, 1, 1, 1]} : vector<8x2x2x1x256xf32> to vector<8x1x2x1x256xf32>
    %concatenate3A_426 = tpu.concatenate %slice3A_424, %slice3A_425 in 1 : vector<8x1x2x1x256xf32>, vector<8x1x2x1x256xf32> -> vector<8x2x2x1x256xf32>
    %stack3A_427 = vector.shape_cast %concatenate3A_423 : vector<8x2x2x1x256xf32> to vector<8x2x2x1x1x256xf32>
    %stack3A_428 = vector.shape_cast %concatenate3A_426 : vector<8x2x2x1x256xf32> to vector<8x2x2x1x1x256xf32>
    %stack3A_429 = tpu.concatenate %stack3A_427, %stack3A_428 in 3 : vector<8x2x2x1x1x256xf32>, vector<8x2x2x1x1x256xf32> -> vector<8x2x2x2x1x256xf32>
    %reshape3A_430 = vector.shape_cast %stack3A_429 : vector<8x2x2x2x1x256xf32> to vector<64x256xf32>
    %reshape3A_431 = vector.shape_cast %reshape3A_430 : vector<64x256xf32> to vector<4x2x1x2x4x256xf32>
    %slice3A_432 = vector.extract_strided_slice %reshape3A_431 {offsets = [0, 0, 0, 0, 0, 0], sizes = [4, 2, 1, 1, 4, 256], strides = [1, 1, 1, 1, 1, 1]} : vector<4x2x1x2x4x256xf32> to vector<4x2x1x1x4x256xf32>
    %squeeze3A_433 = vector.shape_cast %slice3A_432 : vector<4x2x1x1x4x256xf32> to vector<4x2x1x4x256xf32>
    %slice3A_434 = vector.extract_strided_slice %reshape3A_431 {offsets = [0, 0, 0, 1, 0, 0], sizes = [4, 2, 1, 1, 4, 256], strides = [1, 1, 1, 1, 1, 1]} : vector<4x2x1x2x4x256xf32> to vector<4x2x1x1x4x256xf32>
    %squeeze3A_435 = vector.shape_cast %slice3A_434 : vector<4x2x1x1x4x256xf32> to vector<4x2x1x4x256xf32>
    %max3A_436 = arith.maximumf %squeeze3A_433, %squeeze3A_435 : vector<4x2x1x4x256xf32>
    %min3A_437 = arith.minimumf %squeeze3A_433, %squeeze3A_435 : vector<4x2x1x4x256xf32>
    %slice3A_438 = vector.extract_strided_slice %max3A_436 {offsets = [0, 0, 0, 0, 0], sizes = [4, 1, 1, 4, 256], strides = [1, 1, 1, 1, 1]} : vector<4x2x1x4x256xf32> to vector<4x1x1x4x256xf32>
    %slice3A_439 = vector.extract_strided_slice %min3A_437 {offsets = [0, 1, 0, 0, 0], sizes = [4, 1, 1, 4, 256], strides = [1, 1, 1, 1, 1]} : vector<4x2x1x4x256xf32> to vector<4x1x1x4x256xf32>
    %concatenate3A_440 = tpu.concatenate %slice3A_438, %slice3A_439 in 1 : vector<4x1x1x4x256xf32>, vector<4x1x1x4x256xf32> -> vector<4x2x1x4x256xf32>
    %slice3A_441 = vector.extract_strided_slice %min3A_437 {offsets = [0, 0, 0, 0, 0], sizes = [4, 1, 1, 4, 256], strides = [1, 1, 1, 1, 1]} : vector<4x2x1x4x256xf32> to vector<4x1x1x4x256xf32>
    %slice3A_442 = vector.extract_strided_slice %max3A_436 {offsets = [0, 1, 0, 0, 0], sizes = [4, 1, 1, 4, 256], strides = [1, 1, 1, 1, 1]} : vector<4x2x1x4x256xf32> to vector<4x1x1x4x256xf32>
    %concatenate3A_443 = tpu.concatenate %slice3A_441, %slice3A_442 in 1 : vector<4x1x1x4x256xf32>, vector<4x1x1x4x256xf32> -> vector<4x2x1x4x256xf32>
    %stack3A_444 = vector.shape_cast %concatenate3A_440 : vector<4x2x1x4x256xf32> to vector<4x2x1x1x4x256xf32>
    %stack3A_445 = vector.shape_cast %concatenate3A_443 : vector<4x2x1x4x256xf32> to vector<4x2x1x1x4x256xf32>
    %stack3A_446 = tpu.concatenate %stack3A_444, %stack3A_445 in 3 : vector<4x2x1x1x4x256xf32>, vector<4x2x1x1x4x256xf32> -> vector<4x2x1x2x4x256xf32>
    %reshape3A_447 = vector.shape_cast %stack3A_446 : vector<4x2x1x2x4x256xf32> to vector<64x256xf32>
    %reshape3A_448 = vector.shape_cast %reshape3A_447 : vector<64x256xf32> to vector<4x2x2x2x2x256xf32>
    %slice3A_449 = vector.extract_strided_slice %reshape3A_448 {offsets = [0, 0, 0, 0, 0, 0], sizes = [4, 2, 2, 1, 2, 256], strides = [1, 1, 1, 1, 1, 1]} : vector<4x2x2x2x2x256xf32> to vector<4x2x2x1x2x256xf32>
    %squeeze3A_450 = vector.shape_cast %slice3A_449 : vector<4x2x2x1x2x256xf32> to vector<4x2x2x2x256xf32>
    %slice3A_451 = vector.extract_strided_slice %reshape3A_448 {offsets = [0, 0, 0, 1, 0, 0], sizes = [4, 2, 2, 1, 2, 256], strides = [1, 1, 1, 1, 1, 1]} : vector<4x2x2x2x2x256xf32> to vector<4x2x2x1x2x256xf32>
    %squeeze3A_452 = vector.shape_cast %slice3A_451 : vector<4x2x2x1x2x256xf32> to vector<4x2x2x2x256xf32>
    %max3A_453 = arith.maximumf %squeeze3A_450, %squeeze3A_452 : vector<4x2x2x2x256xf32>
    %min3A_454 = arith.minimumf %squeeze3A_450, %squeeze3A_452 : vector<4x2x2x2x256xf32>
    %slice3A_455 = vector.extract_strided_slice %max3A_453 {offsets = [0, 0, 0, 0, 0], sizes = [4, 1, 2, 2, 256], strides = [1, 1, 1, 1, 1]} : vector<4x2x2x2x256xf32> to vector<4x1x2x2x256xf32>
    %slice3A_456 = vector.extract_strided_slice %min3A_454 {offsets = [0, 1, 0, 0, 0], sizes = [4, 1, 2, 2, 256], strides = [1, 1, 1, 1, 1]} : vector<4x2x2x2x256xf32> to vector<4x1x2x2x256xf32>
    %concatenate3A_457 = tpu.concatenate %slice3A_455, %slice3A_456 in 1 : vector<4x1x2x2x256xf32>, vector<4x1x2x2x256xf32> -> vector<4x2x2x2x256xf32>
    %slice3A_458 = vector.extract_strided_slice %min3A_454 {offsets = [0, 0, 0, 0, 0], sizes = [4, 1, 2, 2, 256], strides = [1, 1, 1, 1, 1]} : vector<4x2x2x2x256xf32> to vector<4x1x2x2x256xf32>
    %slice3A_459 = vector.extract_strided_slice %max3A_453 {offsets = [0, 1, 0, 0, 0], sizes = [4, 1, 2, 2, 256], strides = [1, 1, 1, 1, 1]} : vector<4x2x2x2x256xf32> to vector<4x1x2x2x256xf32>
    %concatenate3A_460 = tpu.concatenate %slice3A_458, %slice3A_459 in 1 : vector<4x1x2x2x256xf32>, vector<4x1x2x2x256xf32> -> vector<4x2x2x2x256xf32>
    %stack3A_461 = vector.shape_cast %concatenate3A_457 : vector<4x2x2x2x256xf32> to vector<4x2x2x1x2x256xf32>
    %stack3A_462 = vector.shape_cast %concatenate3A_460 : vector<4x2x2x2x256xf32> to vector<4x2x2x1x2x256xf32>
    %stack3A_463 = tpu.concatenate %stack3A_461, %stack3A_462 in 3 : vector<4x2x2x1x2x256xf32>, vector<4x2x2x1x2x256xf32> -> vector<4x2x2x2x2x256xf32>
    %reshape3A_464 = vector.shape_cast %stack3A_463 : vector<4x2x2x2x2x256xf32> to vector<64x256xf32>
    %reshape3A_465 = vector.shape_cast %reshape3A_464 : vector<64x256xf32> to vector<4x2x4x2x1x256xf32>
    %slice3A_466 = vector.extract_strided_slice %reshape3A_465 {offsets = [0, 0, 0, 0, 0, 0], sizes = [4, 2, 4, 1, 1, 256], strides = [1, 1, 1, 1, 1, 1]} : vector<4x2x4x2x1x256xf32> to vector<4x2x4x1x1x256xf32>
    %squeeze3A_467 = vector.shape_cast %slice3A_466 : vector<4x2x4x1x1x256xf32> to vector<4x2x4x1x256xf32>
    %slice3A_468 = vector.extract_strided_slice %reshape3A_465 {offsets = [0, 0, 0, 1, 0, 0], sizes = [4, 2, 4, 1, 1, 256], strides = [1, 1, 1, 1, 1, 1]} : vector<4x2x4x2x1x256xf32> to vector<4x2x4x1x1x256xf32>
    %squeeze3A_469 = vector.shape_cast %slice3A_468 : vector<4x2x4x1x1x256xf32> to vector<4x2x4x1x256xf32>
    %max3A_470 = arith.maximumf %squeeze3A_467, %squeeze3A_469 : vector<4x2x4x1x256xf32>
    %min3A_471 = arith.minimumf %squeeze3A_467, %squeeze3A_469 : vector<4x2x4x1x256xf32>
    %slice3A_472 = vector.extract_strided_slice %max3A_470 {offsets = [0, 0, 0, 0, 0], sizes = [4, 1, 4, 1, 256], strides = [1, 1, 1, 1, 1]} : vector<4x2x4x1x256xf32> to vector<4x1x4x1x256xf32>
    %slice3A_473 = vector.extract_strided_slice %min3A_471 {offsets = [0, 1, 0, 0, 0], sizes = [4, 1, 4, 1, 256], strides = [1, 1, 1, 1, 1]} : vector<4x2x4x1x256xf32> to vector<4x1x4x1x256xf32>
    %concatenate3A_474 = tpu.concatenate %slice3A_472, %slice3A_473 in 1 : vector<4x1x4x1x256xf32>, vector<4x1x4x1x256xf32> -> vector<4x2x4x1x256xf32>
    %slice3A_475 = vector.extract_strided_slice %min3A_471 {offsets = [0, 0, 0, 0, 0], sizes = [4, 1, 4, 1, 256], strides = [1, 1, 1, 1, 1]} : vector<4x2x4x1x256xf32> to vector<4x1x4x1x256xf32>
    %slice3A_476 = vector.extract_strided_slice %max3A_470 {offsets = [0, 1, 0, 0, 0], sizes = [4, 1, 4, 1, 256], strides = [1, 1, 1, 1, 1]} : vector<4x2x4x1x256xf32> to vector<4x1x4x1x256xf32>
    %concatenate3A_477 = tpu.concatenate %slice3A_475, %slice3A_476 in 1 : vector<4x1x4x1x256xf32>, vector<4x1x4x1x256xf32> -> vector<4x2x4x1x256xf32>
    %stack3A_478 = vector.shape_cast %concatenate3A_474 : vector<4x2x4x1x256xf32> to vector<4x2x4x1x1x256xf32>
    %stack3A_479 = vector.shape_cast %concatenate3A_477 : vector<4x2x4x1x256xf32> to vector<4x2x4x1x1x256xf32>
    %stack3A_480 = tpu.concatenate %stack3A_478, %stack3A_479 in 3 : vector<4x2x4x1x1x256xf32>, vector<4x2x4x1x1x256xf32> -> vector<4x2x4x2x1x256xf32>
    %reshape3A_481 = vector.shape_cast %stack3A_480 : vector<4x2x4x2x1x256xf32> to vector<64x256xf32>
    %reshape3A_482 = vector.shape_cast %reshape3A_481 : vector<64x256xf32> to vector<2x2x1x2x8x256xf32>
    %slice3A_483 = vector.extract_strided_slice %reshape3A_482 {offsets = [0, 0, 0, 0, 0, 0], sizes = [2, 2, 1, 1, 8, 256], strides = [1, 1, 1, 1, 1, 1]} : vector<2x2x1x2x8x256xf32> to vector<2x2x1x1x8x256xf32>
    %squeeze3A_484 = vector.shape_cast %slice3A_483 : vector<2x2x1x1x8x256xf32> to vector<2x2x1x8x256xf32>
    %slice3A_485 = vector.extract_strided_slice %reshape3A_482 {offsets = [0, 0, 0, 1, 0, 0], sizes = [2, 2, 1, 1, 8, 256], strides = [1, 1, 1, 1, 1, 1]} : vector<2x2x1x2x8x256xf32> to vector<2x2x1x1x8x256xf32>
    %squeeze3A_486 = vector.shape_cast %slice3A_485 : vector<2x2x1x1x8x256xf32> to vector<2x2x1x8x256xf32>
    %max3A_487 = arith.maximumf %squeeze3A_484, %squeeze3A_486 : vector<2x2x1x8x256xf32>
    %min3A_488 = arith.minimumf %squeeze3A_484, %squeeze3A_486 : vector<2x2x1x8x256xf32>
    %slice3A_489 = vector.extract_strided_slice %max3A_487 {offsets = [0, 0, 0, 0, 0], sizes = [2, 1, 1, 8, 256], strides = [1, 1, 1, 1, 1]} : vector<2x2x1x8x256xf32> to vector<2x1x1x8x256xf32>
    %slice3A_490 = vector.extract_strided_slice %min3A_488 {offsets = [0, 1, 0, 0, 0], sizes = [2, 1, 1, 8, 256], strides = [1, 1, 1, 1, 1]} : vector<2x2x1x8x256xf32> to vector<2x1x1x8x256xf32>
    %concatenate3A_491 = tpu.concatenate %slice3A_489, %slice3A_490 in 1 : vector<2x1x1x8x256xf32>, vector<2x1x1x8x256xf32> -> vector<2x2x1x8x256xf32>
    %slice3A_492 = vector.extract_strided_slice %min3A_488 {offsets = [0, 0, 0, 0, 0], sizes = [2, 1, 1, 8, 256], strides = [1, 1, 1, 1, 1]} : vector<2x2x1x8x256xf32> to vector<2x1x1x8x256xf32>
    %slice3A_493 = vector.extract_strided_slice %max3A_487 {offsets = [0, 1, 0, 0, 0], sizes = [2, 1, 1, 8, 256], strides = [1, 1, 1, 1, 1]} : vector<2x2x1x8x256xf32> to vector<2x1x1x8x256xf32>
    %concatenate3A_494 = tpu.concatenate %slice3A_492, %slice3A_493 in 1 : vector<2x1x1x8x256xf32>, vector<2x1x1x8x256xf32> -> vector<2x2x1x8x256xf32>
    %stack3A_495 = vector.shape_cast %concatenate3A_491 : vector<2x2x1x8x256xf32> to vector<2x2x1x1x8x256xf32>
    %stack3A_496 = vector.shape_cast %concatenate3A_494 : vector<2x2x1x8x256xf32> to vector<2x2x1x1x8x256xf32>
    %stack3A_497 = tpu.concatenate %stack3A_495, %stack3A_496 in 3 : vector<2x2x1x1x8x256xf32>, vector<2x2x1x1x8x256xf32> -> vector<2x2x1x2x8x256xf32>
    %reshape3A_498 = vector.shape_cast %stack3A_497 : vector<2x2x1x2x8x256xf32> to vector<64x256xf32>
    %reshape3A_499 = vector.shape_cast %reshape3A_498 : vector<64x256xf32> to vector<2x2x2x2x4x256xf32>
    %slice3A_500 = vector.extract_strided_slice %reshape3A_499 {offsets = [0, 0, 0, 0, 0, 0], sizes = [2, 2, 2, 1, 4, 256], strides = [1, 1, 1, 1, 1, 1]} : vector<2x2x2x2x4x256xf32> to vector<2x2x2x1x4x256xf32>
    %squeeze3A_501 = vector.shape_cast %slice3A_500 : vector<2x2x2x1x4x256xf32> to vector<2x2x2x4x256xf32>
    %slice3A_502 = vector.extract_strided_slice %reshape3A_499 {offsets = [0, 0, 0, 1, 0, 0], sizes = [2, 2, 2, 1, 4, 256], strides = [1, 1, 1, 1, 1, 1]} : vector<2x2x2x2x4x256xf32> to vector<2x2x2x1x4x256xf32>
    %squeeze3A_503 = vector.shape_cast %slice3A_502 : vector<2x2x2x1x4x256xf32> to vector<2x2x2x4x256xf32>
    %max3A_504 = arith.maximumf %squeeze3A_501, %squeeze3A_503 : vector<2x2x2x4x256xf32>
    %min3A_505 = arith.minimumf %squeeze3A_501, %squeeze3A_503 : vector<2x2x2x4x256xf32>
    %slice3A_506 = vector.extract_strided_slice %max3A_504 {offsets = [0, 0, 0, 0, 0], sizes = [2, 1, 2, 4, 256], strides = [1, 1, 1, 1, 1]} : vector<2x2x2x4x256xf32> to vector<2x1x2x4x256xf32>
    %slice3A_507 = vector.extract_strided_slice %min3A_505 {offsets = [0, 1, 0, 0, 0], sizes = [2, 1, 2, 4, 256], strides = [1, 1, 1, 1, 1]} : vector<2x2x2x4x256xf32> to vector<2x1x2x4x256xf32>
    %concatenate3A_508 = tpu.concatenate %slice3A_506, %slice3A_507 in 1 : vector<2x1x2x4x256xf32>, vector<2x1x2x4x256xf32> -> vector<2x2x2x4x256xf32>
    %slice3A_509 = vector.extract_strided_slice %min3A_505 {offsets = [0, 0, 0, 0, 0], sizes = [2, 1, 2, 4, 256], strides = [1, 1, 1, 1, 1]} : vector<2x2x2x4x256xf32> to vector<2x1x2x4x256xf32>
    %slice3A_510 = vector.extract_strided_slice %max3A_504 {offsets = [0, 1, 0, 0, 0], sizes = [2, 1, 2, 4, 256], strides = [1, 1, 1, 1, 1]} : vector<2x2x2x4x256xf32> to vector<2x1x2x4x256xf32>
    %concatenate3A_511 = tpu.concatenate %slice3A_509, %slice3A_510 in 1 : vector<2x1x2x4x256xf32>, vector<2x1x2x4x256xf32> -> vector<2x2x2x4x256xf32>
    %stack3A_512 = vector.shape_cast %concatenate3A_508 : vector<2x2x2x4x256xf32> to vector<2x2x2x1x4x256xf32>
    %stack3A_513 = vector.shape_cast %concatenate3A_511 : vector<2x2x2x4x256xf32> to vector<2x2x2x1x4x256xf32>
    %stack3A_514 = tpu.concatenate %stack3A_512, %stack3A_513 in 3 : vector<2x2x2x1x4x256xf32>, vector<2x2x2x1x4x256xf32> -> vector<2x2x2x2x4x256xf32>
    %reshape3A_515 = vector.shape_cast %stack3A_514 : vector<2x2x2x2x4x256xf32> to vector<64x256xf32>
    %reshape3A_516 = vector.shape_cast %reshape3A_515 : vector<64x256xf32> to vector<2x2x4x2x2x256xf32>
    %slice3A_517 = vector.extract_strided_slice %reshape3A_516 {offsets = [0, 0, 0, 0, 0, 0], sizes = [2, 2, 4, 1, 2, 256], strides = [1, 1, 1, 1, 1, 1]} : vector<2x2x4x2x2x256xf32> to vector<2x2x4x1x2x256xf32>
    %squeeze3A_518 = vector.shape_cast %slice3A_517 : vector<2x2x4x1x2x256xf32> to vector<2x2x4x2x256xf32>
    %slice3A_519 = vector.extract_strided_slice %reshape3A_516 {offsets = [0, 0, 0, 1, 0, 0], sizes = [2, 2, 4, 1, 2, 256], strides = [1, 1, 1, 1, 1, 1]} : vector<2x2x4x2x2x256xf32> to vector<2x2x4x1x2x256xf32>
    %squeeze3A_520 = vector.shape_cast %slice3A_519 : vector<2x2x4x1x2x256xf32> to vector<2x2x4x2x256xf32>
    %max3A_521 = arith.maximumf %squeeze3A_518, %squeeze3A_520 : vector<2x2x4x2x256xf32>
    %min3A_522 = arith.minimumf %squeeze3A_518, %squeeze3A_520 : vector<2x2x4x2x256xf32>
    %slice3A_523 = vector.extract_strided_slice %max3A_521 {offsets = [0, 0, 0, 0, 0], sizes = [2, 1, 4, 2, 256], strides = [1, 1, 1, 1, 1]} : vector<2x2x4x2x256xf32> to vector<2x1x4x2x256xf32>
    %slice3A_524 = vector.extract_strided_slice %min3A_522 {offsets = [0, 1, 0, 0, 0], sizes = [2, 1, 4, 2, 256], strides = [1, 1, 1, 1, 1]} : vector<2x2x4x2x256xf32> to vector<2x1x4x2x256xf32>
    %concatenate3A_525 = tpu.concatenate %slice3A_523, %slice3A_524 in 1 : vector<2x1x4x2x256xf32>, vector<2x1x4x2x256xf32> -> vector<2x2x4x2x256xf32>
    %slice3A_526 = vector.extract_strided_slice %min3A_522 {offsets = [0, 0, 0, 0, 0], sizes = [2, 1, 4, 2, 256], strides = [1, 1, 1, 1, 1]} : vector<2x2x4x2x256xf32> to vector<2x1x4x2x256xf32>
    %slice3A_527 = vector.extract_strided_slice %max3A_521 {offsets = [0, 1, 0, 0, 0], sizes = [2, 1, 4, 2, 256], strides = [1, 1, 1, 1, 1]} : vector<2x2x4x2x256xf32> to vector<2x1x4x2x256xf32>
    %concatenate3A_528 = tpu.concatenate %slice3A_526, %slice3A_527 in 1 : vector<2x1x4x2x256xf32>, vector<2x1x4x2x256xf32> -> vector<2x2x4x2x256xf32>
    %stack3A_529 = vector.shape_cast %concatenate3A_525 : vector<2x2x4x2x256xf32> to vector<2x2x4x1x2x256xf32>
    %stack3A_530 = vector.shape_cast %concatenate3A_528 : vector<2x2x4x2x256xf32> to vector<2x2x4x1x2x256xf32>
    %stack3A_531 = tpu.concatenate %stack3A_529, %stack3A_530 in 3 : vector<2x2x4x1x2x256xf32>, vector<2x2x4x1x2x256xf32> -> vector<2x2x4x2x2x256xf32>
    %reshape3A_532 = vector.shape_cast %stack3A_531 : vector<2x2x4x2x2x256xf32> to vector<64x256xf32>
    %reshape3A_533 = vector.shape_cast %reshape3A_532 : vector<64x256xf32> to vector<2x2x8x2x1x256xf32>
    %slice3A_534 = vector.extract_strided_slice %reshape3A_533 {offsets = [0, 0, 0, 0, 0, 0], sizes = [2, 2, 8, 1, 1, 256], strides = [1, 1, 1, 1, 1, 1]} : vector<2x2x8x2x1x256xf32> to vector<2x2x8x1x1x256xf32>
    %squeeze3A_535 = vector.shape_cast %slice3A_534 : vector<2x2x8x1x1x256xf32> to vector<2x2x8x1x256xf32>
    %slice3A_536 = vector.extract_strided_slice %reshape3A_533 {offsets = [0, 0, 0, 1, 0, 0], sizes = [2, 2, 8, 1, 1, 256], strides = [1, 1, 1, 1, 1, 1]} : vector<2x2x8x2x1x256xf32> to vector<2x2x8x1x1x256xf32>
    %squeeze3A_537 = vector.shape_cast %slice3A_536 : vector<2x2x8x1x1x256xf32> to vector<2x2x8x1x256xf32>
    %max3A_538 = arith.maximumf %squeeze3A_535, %squeeze3A_537 : vector<2x2x8x1x256xf32>
    %min3A_539 = arith.minimumf %squeeze3A_535, %squeeze3A_537 : vector<2x2x8x1x256xf32>
    %slice3A_540 = vector.extract_strided_slice %max3A_538 {offsets = [0, 0, 0, 0, 0], sizes = [2, 1, 8, 1, 256], strides = [1, 1, 1, 1, 1]} : vector<2x2x8x1x256xf32> to vector<2x1x8x1x256xf32>
    %slice3A_541 = vector.extract_strided_slice %min3A_539 {offsets = [0, 1, 0, 0, 0], sizes = [2, 1, 8, 1, 256], strides = [1, 1, 1, 1, 1]} : vector<2x2x8x1x256xf32> to vector<2x1x8x1x256xf32>
    %concatenate3A_542 = tpu.concatenate %slice3A_540, %slice3A_541 in 1 : vector<2x1x8x1x256xf32>, vector<2x1x8x1x256xf32> -> vector<2x2x8x1x256xf32>
    %slice3A_543 = vector.extract_strided_slice %min3A_539 {offsets = [0, 0, 0, 0, 0], sizes = [2, 1, 8, 1, 256], strides = [1, 1, 1, 1, 1]} : vector<2x2x8x1x256xf32> to vector<2x1x8x1x256xf32>
    %slice3A_544 = vector.extract_strided_slice %max3A_538 {offsets = [0, 1, 0, 0, 0], sizes = [2, 1, 8, 1, 256], strides = [1, 1, 1, 1, 1]} : vector<2x2x8x1x256xf32> to vector<2x1x8x1x256xf32>
    %concatenate3A_545 = tpu.concatenate %slice3A_543, %slice3A_544 in 1 : vector<2x1x8x1x256xf32>, vector<2x1x8x1x256xf32> -> vector<2x2x8x1x256xf32>
    %stack3A_546 = vector.shape_cast %concatenate3A_542 : vector<2x2x8x1x256xf32> to vector<2x2x8x1x1x256xf32>
    %stack3A_547 = vector.shape_cast %concatenate3A_545 : vector<2x2x8x1x256xf32> to vector<2x2x8x1x1x256xf32>
    %stack3A_548 = tpu.concatenate %stack3A_546, %stack3A_547 in 3 : vector<2x2x8x1x1x256xf32>, vector<2x2x8x1x1x256xf32> -> vector<2x2x8x2x1x256xf32>
    %reshape3A_549 = vector.shape_cast %stack3A_548 : vector<2x2x8x2x1x256xf32> to vector<64x256xf32>
    %reshape3A_550 = vector.shape_cast %reshape3A_549 : vector<64x256xf32> to vector<1x2x1x2x16x256xf32>
    %slice3A_551 = vector.extract_strided_slice %reshape3A_550 {offsets = [0, 0, 0, 0, 0, 0], sizes = [1, 2, 1, 1, 16, 256], strides = [1, 1, 1, 1, 1, 1]} : vector<1x2x1x2x16x256xf32> to vector<1x2x1x1x16x256xf32>
    %squeeze3A_552 = vector.shape_cast %slice3A_551 : vector<1x2x1x1x16x256xf32> to vector<1x2x1x16x256xf32>
    %slice3A_553 = vector.extract_strided_slice %reshape3A_550 {offsets = [0, 0, 0, 1, 0, 0], sizes = [1, 2, 1, 1, 16, 256], strides = [1, 1, 1, 1, 1, 1]} : vector<1x2x1x2x16x256xf32> to vector<1x2x1x1x16x256xf32>
    %squeeze3A_554 = vector.shape_cast %slice3A_553 : vector<1x2x1x1x16x256xf32> to vector<1x2x1x16x256xf32>
    %max3A_555 = arith.maximumf %squeeze3A_552, %squeeze3A_554 : vector<1x2x1x16x256xf32>
    %min3A_556 = arith.minimumf %squeeze3A_552, %squeeze3A_554 : vector<1x2x1x16x256xf32>
    %slice3A_557 = vector.extract_strided_slice %max3A_555 {offsets = [0, 0, 0, 0, 0], sizes = [1, 1, 1, 16, 256], strides = [1, 1, 1, 1, 1]} : vector<1x2x1x16x256xf32> to vector<1x1x1x16x256xf32>
    %slice3A_558 = vector.extract_strided_slice %min3A_556 {offsets = [0, 1, 0, 0, 0], sizes = [1, 1, 1, 16, 256], strides = [1, 1, 1, 1, 1]} : vector<1x2x1x16x256xf32> to vector<1x1x1x16x256xf32>
    %concatenate3A_559 = tpu.concatenate %slice3A_557, %slice3A_558 in 1 : vector<1x1x1x16x256xf32>, vector<1x1x1x16x256xf32> -> vector<1x2x1x16x256xf32>
    %slice3A_560 = vector.extract_strided_slice %min3A_556 {offsets = [0, 0, 0, 0, 0], sizes = [1, 1, 1, 16, 256], strides = [1, 1, 1, 1, 1]} : vector<1x2x1x16x256xf32> to vector<1x1x1x16x256xf32>
    %slice3A_561 = vector.extract_strided_slice %max3A_555 {offsets = [0, 1, 0, 0, 0], sizes = [1, 1, 1, 16, 256], strides = [1, 1, 1, 1, 1]} : vector<1x2x1x16x256xf32> to vector<1x1x1x16x256xf32>
    %concatenate3A_562 = tpu.concatenate %slice3A_560, %slice3A_561 in 1 : vector<1x1x1x16x256xf32>, vector<1x1x1x16x256xf32> -> vector<1x2x1x16x256xf32>
    %stack3A_563 = vector.shape_cast %concatenate3A_559 : vector<1x2x1x16x256xf32> to vector<1x2x1x1x16x256xf32>
    %stack3A_564 = vector.shape_cast %concatenate3A_562 : vector<1x2x1x16x256xf32> to vector<1x2x1x1x16x256xf32>
    %stack3A_565 = tpu.concatenate %stack3A_563, %stack3A_564 in 3 : vector<1x2x1x1x16x256xf32>, vector<1x2x1x1x16x256xf32> -> vector<1x2x1x2x16x256xf32>
    %reshape3A_566 = vector.shape_cast %stack3A_565 : vector<1x2x1x2x16x256xf32> to vector<64x256xf32>
    %reshape3A_567 = vector.shape_cast %reshape3A_566 : vector<64x256xf32> to vector<1x2x2x2x8x256xf32>
    %slice3A_568 = vector.extract_strided_slice %reshape3A_567 {offsets = [0, 0, 0, 0, 0, 0], sizes = [1, 2, 2, 1, 8, 256], strides = [1, 1, 1, 1, 1, 1]} : vector<1x2x2x2x8x256xf32> to vector<1x2x2x1x8x256xf32>
    %squeeze3A_569 = vector.shape_cast %slice3A_568 : vector<1x2x2x1x8x256xf32> to vector<1x2x2x8x256xf32>
    %slice3A_570 = vector.extract_strided_slice %reshape3A_567 {offsets = [0, 0, 0, 1, 0, 0], sizes = [1, 2, 2, 1, 8, 256], strides = [1, 1, 1, 1, 1, 1]} : vector<1x2x2x2x8x256xf32> to vector<1x2x2x1x8x256xf32>
    %squeeze3A_571 = vector.shape_cast %slice3A_570 : vector<1x2x2x1x8x256xf32> to vector<1x2x2x8x256xf32>
    %max3A_572 = arith.maximumf %squeeze3A_569, %squeeze3A_571 : vector<1x2x2x8x256xf32>
    %min3A_573 = arith.minimumf %squeeze3A_569, %squeeze3A_571 : vector<1x2x2x8x256xf32>
    %slice3A_574 = vector.extract_strided_slice %max3A_572 {offsets = [0, 0, 0, 0, 0], sizes = [1, 1, 2, 8, 256], strides = [1, 1, 1, 1, 1]} : vector<1x2x2x8x256xf32> to vector<1x1x2x8x256xf32>
    %slice3A_575 = vector.extract_strided_slice %min3A_573 {offsets = [0, 1, 0, 0, 0], sizes = [1, 1, 2, 8, 256], strides = [1, 1, 1, 1, 1]} : vector<1x2x2x8x256xf32> to vector<1x1x2x8x256xf32>
    %concatenate3A_576 = tpu.concatenate %slice3A_574, %slice3A_575 in 1 : vector<1x1x2x8x256xf32>, vector<1x1x2x8x256xf32> -> vector<1x2x2x8x256xf32>
    %slice3A_577 = vector.extract_strided_slice %min3A_573 {offsets = [0, 0, 0, 0, 0], sizes = [1, 1, 2, 8, 256], strides = [1, 1, 1, 1, 1]} : vector<1x2x2x8x256xf32> to vector<1x1x2x8x256xf32>
    %slice3A_578 = vector.extract_strided_slice %max3A_572 {offsets = [0, 1, 0, 0, 0], sizes = [1, 1, 2, 8, 256], strides = [1, 1, 1, 1, 1]} : vector<1x2x2x8x256xf32> to vector<1x1x2x8x256xf32>
    %concatenate3A_579 = tpu.concatenate %slice3A_577, %slice3A_578 in 1 : vector<1x1x2x8x256xf32>, vector<1x1x2x8x256xf32> -> vector<1x2x2x8x256xf32>
    %stack3A_580 = vector.shape_cast %concatenate3A_576 : vector<1x2x2x8x256xf32> to vector<1x2x2x1x8x256xf32>
    %stack3A_581 = vector.shape_cast %concatenate3A_579 : vector<1x2x2x8x256xf32> to vector<1x2x2x1x8x256xf32>
    %stack3A_582 = tpu.concatenate %stack3A_580, %stack3A_581 in 3 : vector<1x2x2x1x8x256xf32>, vector<1x2x2x1x8x256xf32> -> vector<1x2x2x2x8x256xf32>
    %reshape3A_583 = vector.shape_cast %stack3A_582 : vector<1x2x2x2x8x256xf32> to vector<64x256xf32>
    %reshape3A_584 = vector.shape_cast %reshape3A_583 : vector<64x256xf32> to vector<1x2x4x2x4x256xf32>
    %slice3A_585 = vector.extract_strided_slice %reshape3A_584 {offsets = [0, 0, 0, 0, 0, 0], sizes = [1, 2, 4, 1, 4, 256], strides = [1, 1, 1, 1, 1, 1]} : vector<1x2x4x2x4x256xf32> to vector<1x2x4x1x4x256xf32>
    %squeeze3A_586 = vector.shape_cast %slice3A_585 : vector<1x2x4x1x4x256xf32> to vector<1x2x4x4x256xf32>
    %slice3A_587 = vector.extract_strided_slice %reshape3A_584 {offsets = [0, 0, 0, 1, 0, 0], sizes = [1, 2, 4, 1, 4, 256], strides = [1, 1, 1, 1, 1, 1]} : vector<1x2x4x2x4x256xf32> to vector<1x2x4x1x4x256xf32>
    %squeeze3A_588 = vector.shape_cast %slice3A_587 : vector<1x2x4x1x4x256xf32> to vector<1x2x4x4x256xf32>
    %max3A_589 = arith.maximumf %squeeze3A_586, %squeeze3A_588 : vector<1x2x4x4x256xf32>
    %min3A_590 = arith.minimumf %squeeze3A_586, %squeeze3A_588 : vector<1x2x4x4x256xf32>
    %slice3A_591 = vector.extract_strided_slice %max3A_589 {offsets = [0, 0, 0, 0, 0], sizes = [1, 1, 4, 4, 256], strides = [1, 1, 1, 1, 1]} : vector<1x2x4x4x256xf32> to vector<1x1x4x4x256xf32>
    %slice3A_592 = vector.extract_strided_slice %min3A_590 {offsets = [0, 1, 0, 0, 0], sizes = [1, 1, 4, 4, 256], strides = [1, 1, 1, 1, 1]} : vector<1x2x4x4x256xf32> to vector<1x1x4x4x256xf32>
    %concatenate3A_593 = tpu.concatenate %slice3A_591, %slice3A_592 in 1 : vector<1x1x4x4x256xf32>, vector<1x1x4x4x256xf32> -> vector<1x2x4x4x256xf32>
    %slice3A_594 = vector.extract_strided_slice %min3A_590 {offsets = [0, 0, 0, 0, 0], sizes = [1, 1, 4, 4, 256], strides = [1, 1, 1, 1, 1]} : vector<1x2x4x4x256xf32> to vector<1x1x4x4x256xf32>
    %slice3A_595 = vector.extract_strided_slice %max3A_589 {offsets = [0, 1, 0, 0, 0], sizes = [1, 1, 4, 4, 256], strides = [1, 1, 1, 1, 1]} : vector<1x2x4x4x256xf32> to vector<1x1x4x4x256xf32>
    %concatenate3A_596 = tpu.concatenate %slice3A_594, %slice3A_595 in 1 : vector<1x1x4x4x256xf32>, vector<1x1x4x4x256xf32> -> vector<1x2x4x4x256xf32>
    %stack3A_597 = vector.shape_cast %concatenate3A_593 : vector<1x2x4x4x256xf32> to vector<1x2x4x1x4x256xf32>
    %stack3A_598 = vector.shape_cast %concatenate3A_596 : vector<1x2x4x4x256xf32> to vector<1x2x4x1x4x256xf32>
    %stack3A_599 = tpu.concatenate %stack3A_597, %stack3A_598 in 3 : vector<1x2x4x1x4x256xf32>, vector<1x2x4x1x4x256xf32> -> vector<1x2x4x2x4x256xf32>
    %reshape3A_600 = vector.shape_cast %stack3A_599 : vector<1x2x4x2x4x256xf32> to vector<64x256xf32>
    %reshape3A_601 = vector.shape_cast %reshape3A_600 : vector<64x256xf32> to vector<1x2x8x2x2x256xf32>
    %slice3A_602 = vector.extract_strided_slice %reshape3A_601 {offsets = [0, 0, 0, 0, 0, 0], sizes = [1, 2, 8, 1, 2, 256], strides = [1, 1, 1, 1, 1, 1]} : vector<1x2x8x2x2x256xf32> to vector<1x2x8x1x2x256xf32>
    %squeeze3A_603 = vector.shape_cast %slice3A_602 : vector<1x2x8x1x2x256xf32> to vector<1x2x8x2x256xf32>
    %slice3A_604 = vector.extract_strided_slice %reshape3A_601 {offsets = [0, 0, 0, 1, 0, 0], sizes = [1, 2, 8, 1, 2, 256], strides = [1, 1, 1, 1, 1, 1]} : vector<1x2x8x2x2x256xf32> to vector<1x2x8x1x2x256xf32>
    %squeeze3A_605 = vector.shape_cast %slice3A_604 : vector<1x2x8x1x2x256xf32> to vector<1x2x8x2x256xf32>
    %max3A_606 = arith.maximumf %squeeze3A_603, %squeeze3A_605 : vector<1x2x8x2x256xf32>
    %min3A_607 = arith.minimumf %squeeze3A_603, %squeeze3A_605 : vector<1x2x8x2x256xf32>
    %slice3A_608 = vector.extract_strided_slice %max3A_606 {offsets = [0, 0, 0, 0, 0], sizes = [1, 1, 8, 2, 256], strides = [1, 1, 1, 1, 1]} : vector<1x2x8x2x256xf32> to vector<1x1x8x2x256xf32>
    %slice3A_609 = vector.extract_strided_slice %min3A_607 {offsets = [0, 1, 0, 0, 0], sizes = [1, 1, 8, 2, 256], strides = [1, 1, 1, 1, 1]} : vector<1x2x8x2x256xf32> to vector<1x1x8x2x256xf32>
    %concatenate3A_610 = tpu.concatenate %slice3A_608, %slice3A_609 in 1 : vector<1x1x8x2x256xf32>, vector<1x1x8x2x256xf32> -> vector<1x2x8x2x256xf32>
    %slice3A_611 = vector.extract_strided_slice %min3A_607 {offsets = [0, 0, 0, 0, 0], sizes = [1, 1, 8, 2, 256], strides = [1, 1, 1, 1, 1]} : vector<1x2x8x2x256xf32> to vector<1x1x8x2x256xf32>
    %slice3A_612 = vector.extract_strided_slice %max3A_606 {offsets = [0, 1, 0, 0, 0], sizes = [1, 1, 8, 2, 256], strides = [1, 1, 1, 1, 1]} : vector<1x2x8x2x256xf32> to vector<1x1x8x2x256xf32>
    %concatenate3A_613 = tpu.concatenate %slice3A_611, %slice3A_612 in 1 : vector<1x1x8x2x256xf32>, vector<1x1x8x2x256xf32> -> vector<1x2x8x2x256xf32>
    %stack3A_614 = vector.shape_cast %concatenate3A_610 : vector<1x2x8x2x256xf32> to vector<1x2x8x1x2x256xf32>
    %stack3A_615 = vector.shape_cast %concatenate3A_613 : vector<1x2x8x2x256xf32> to vector<1x2x8x1x2x256xf32>
    %stack3A_616 = tpu.concatenate %stack3A_614, %stack3A_615 in 3 : vector<1x2x8x1x2x256xf32>, vector<1x2x8x1x2x256xf32> -> vector<1x2x8x2x2x256xf32>
    %reshape3A_617 = vector.shape_cast %stack3A_616 : vector<1x2x8x2x2x256xf32> to vector<64x256xf32>
    %reshape3A_618 = vector.shape_cast %reshape3A_617 : vector<64x256xf32> to vector<1x2x16x2x1x256xf32>
    %slice3A_619 = vector.extract_strided_slice %reshape3A_618 {offsets = [0, 0, 0, 0, 0, 0], sizes = [1, 2, 16, 1, 1, 256], strides = [1, 1, 1, 1, 1, 1]} : vector<1x2x16x2x1x256xf32> to vector<1x2x16x1x1x256xf32>
    %squeeze3A_620 = vector.shape_cast %slice3A_619 : vector<1x2x16x1x1x256xf32> to vector<1x2x16x1x256xf32>
    %slice3A_621 = vector.extract_strided_slice %reshape3A_618 {offsets = [0, 0, 0, 1, 0, 0], sizes = [1, 2, 16, 1, 1, 256], strides = [1, 1, 1, 1, 1, 1]} : vector<1x2x16x2x1x256xf32> to vector<1x2x16x1x1x256xf32>
    %squeeze3A_622 = vector.shape_cast %slice3A_621 : vector<1x2x16x1x1x256xf32> to vector<1x2x16x1x256xf32>
    %max3A_623 = arith.maximumf %squeeze3A_620, %squeeze3A_622 : vector<1x2x16x1x256xf32>
    %min3A_624 = arith.minimumf %squeeze3A_620, %squeeze3A_622 : vector<1x2x16x1x256xf32>
    %slice3A_625 = vector.extract_strided_slice %max3A_623 {offsets = [0, 0, 0, 0, 0], sizes = [1, 1, 16, 1, 256], strides = [1, 1, 1, 1, 1]} : vector<1x2x16x1x256xf32> to vector<1x1x16x1x256xf32>
    %slice3A_626 = vector.extract_strided_slice %min3A_624 {offsets = [0, 1, 0, 0, 0], sizes = [1, 1, 16, 1, 256], strides = [1, 1, 1, 1, 1]} : vector<1x2x16x1x256xf32> to vector<1x1x16x1x256xf32>
    %concatenate3A_627 = tpu.concatenate %slice3A_625, %slice3A_626 in 1 : vector<1x1x16x1x256xf32>, vector<1x1x16x1x256xf32> -> vector<1x2x16x1x256xf32>
    %slice3A_628 = vector.extract_strided_slice %min3A_624 {offsets = [0, 0, 0, 0, 0], sizes = [1, 1, 16, 1, 256], strides = [1, 1, 1, 1, 1]} : vector<1x2x16x1x256xf32> to vector<1x1x16x1x256xf32>
    %slice3A_629 = vector.extract_strided_slice %max3A_623 {offsets = [0, 1, 0, 0, 0], sizes = [1, 1, 16, 1, 256], strides = [1, 1, 1, 1, 1]} : vector<1x2x16x1x256xf32> to vector<1x1x16x1x256xf32>
    %concatenate3A_630 = tpu.concatenate %slice3A_628, %slice3A_629 in 1 : vector<1x1x16x1x256xf32>, vector<1x1x16x1x256xf32> -> vector<1x2x16x1x256xf32>
    %stack3A_631 = vector.shape_cast %concatenate3A_627 : vector<1x2x16x1x256xf32> to vector<1x2x16x1x1x256xf32>
    %stack3A_632 = vector.shape_cast %concatenate3A_630 : vector<1x2x16x1x256xf32> to vector<1x2x16x1x1x256xf32>
    %stack3A_633 = tpu.concatenate %stack3A_631, %stack3A_632 in 3 : vector<1x2x16x1x1x256xf32>, vector<1x2x16x1x1x256xf32> -> vector<1x2x16x2x1x256xf32>
    %reshape3A_634 = vector.shape_cast %stack3A_633 : vector<1x2x16x2x1x256xf32> to vector<64x256xf32>
    %reshape3A_635 = vector.shape_cast %reshape3A_634 : vector<64x256xf32> to vector<1x2x32x256xf32>
    %slice3A_636 = vector.extract_strided_slice %reshape3A_635 {offsets = [0, 0, 0, 0], sizes = [1, 1, 32, 256], strides = [1, 1, 1, 1]} : vector<1x2x32x256xf32> to vector<1x1x32x256xf32>
    %squeeze3A_637 = vector.shape_cast %slice3A_636 : vector<1x1x32x256xf32> to vector<1x32x256xf32>
    %slice3A_638 = vector.extract_strided_slice %reshape3A_635 {offsets = [0, 1, 0, 0], sizes = [1, 1, 32, 256], strides = [1, 1, 1, 1]} : vector<1x2x32x256xf32> to vector<1x1x32x256xf32>
    %squeeze3A_639 = vector.shape_cast %slice3A_638 : vector<1x1x32x256xf32> to vector<1x32x256xf32>
    %max3A_640 = arith.maximumf %squeeze3A_637, %squeeze3A_639 : vector<1x32x256xf32>
    %min3A_641 = arith.minimumf %squeeze3A_637, %squeeze3A_639 : vector<1x32x256xf32>
    %stack3A_642 = vector.shape_cast %max3A_640 : vector<1x32x256xf32> to vector<1x1x32x256xf32>
    %stack3A_643 = vector.shape_cast %min3A_641 : vector<1x32x256xf32> to vector<1x1x32x256xf32>
    %stack3A_644 = tpu.concatenate %stack3A_642, %stack3A_643 in 1 : vector<1x1x32x256xf32>, vector<1x1x32x256xf32> -> vector<1x2x32x256xf32>
    %reshape3A_645 = vector.shape_cast %stack3A_644 : vector<1x2x32x256xf32> to vector<64x256xf32>
    %reshape3A_646 = vector.shape_cast %reshape3A_645 : vector<64x256xf32> to vector<2x2x16x256xf32>
    %slice3A_647 = vector.extract_strided_slice %reshape3A_646 {offsets = [0, 0, 0, 0], sizes = [2, 1, 16, 256], strides = [1, 1, 1, 1]} : vector<2x2x16x256xf32> to vector<2x1x16x256xf32>
    %squeeze3A_648 = vector.shape_cast %slice3A_647 : vector<2x1x16x256xf32> to vector<2x16x256xf32>
    %slice3A_649 = vector.extract_strided_slice %reshape3A_646 {offsets = [0, 1, 0, 0], sizes = [2, 1, 16, 256], strides = [1, 1, 1, 1]} : vector<2x2x16x256xf32> to vector<2x1x16x256xf32>
    %squeeze3A_650 = vector.shape_cast %slice3A_649 : vector<2x1x16x256xf32> to vector<2x16x256xf32>
    %max3A_651 = arith.maximumf %squeeze3A_648, %squeeze3A_650 : vector<2x16x256xf32>
    %min3A_652 = arith.minimumf %squeeze3A_648, %squeeze3A_650 : vector<2x16x256xf32>
    %stack3A_653 = vector.shape_cast %max3A_651 : vector<2x16x256xf32> to vector<2x1x16x256xf32>
    %stack3A_654 = vector.shape_cast %min3A_652 : vector<2x16x256xf32> to vector<2x1x16x256xf32>
    %stack3A_655 = tpu.concatenate %stack3A_653, %stack3A_654 in 1 : vector<2x1x16x256xf32>, vector<2x1x16x256xf32> -> vector<2x2x16x256xf32>
    %reshape3A_656 = vector.shape_cast %stack3A_655 : vector<2x2x16x256xf32> to vector<64x256xf32>
    %reshape3A_657 = vector.shape_cast %reshape3A_656 : vector<64x256xf32> to vector<4x2x8x256xf32>
    %slice3A_658 = vector.extract_strided_slice %reshape3A_657 {offsets = [0, 0, 0, 0], sizes = [4, 1, 8, 256], strides = [1, 1, 1, 1]} : vector<4x2x8x256xf32> to vector<4x1x8x256xf32>
    %squeeze3A_659 = vector.shape_cast %slice3A_658 : vector<4x1x8x256xf32> to vector<4x8x256xf32>
    %slice3A_660 = vector.extract_strided_slice %reshape3A_657 {offsets = [0, 1, 0, 0], sizes = [4, 1, 8, 256], strides = [1, 1, 1, 1]} : vector<4x2x8x256xf32> to vector<4x1x8x256xf32>
    %squeeze3A_661 = vector.shape_cast %slice3A_660 : vector<4x1x8x256xf32> to vector<4x8x256xf32>
    %max3A_662 = arith.maximumf %squeeze3A_659, %squeeze3A_661 : vector<4x8x256xf32>
    %min3A_663 = arith.minimumf %squeeze3A_659, %squeeze3A_661 : vector<4x8x256xf32>
    %stack3A_664 = vector.shape_cast %max3A_662 : vector<4x8x256xf32> to vector<4x1x8x256xf32>
    %stack3A_665 = vector.shape_cast %min3A_663 : vector<4x8x256xf32> to vector<4x1x8x256xf32>
    %stack3A_666 = tpu.concatenate %stack3A_664, %stack3A_665 in 1 : vector<4x1x8x256xf32>, vector<4x1x8x256xf32> -> vector<4x2x8x256xf32>
    %reshape3A_667 = vector.shape_cast %stack3A_666 : vector<4x2x8x256xf32> to vector<64x256xf32>
    %reshape3A_668 = vector.shape_cast %reshape3A_667 : vector<64x256xf32> to vector<8x2x4x256xf32>
    %slice3A_669 = vector.extract_strided_slice %reshape3A_668 {offsets = [0, 0, 0, 0], sizes = [8, 1, 4, 256], strides = [1, 1, 1, 1]} : vector<8x2x4x256xf32> to vector<8x1x4x256xf32>
    %squeeze3A_670 = vector.shape_cast %slice3A_669 : vector<8x1x4x256xf32> to vector<8x4x256xf32>
    %slice3A_671 = vector.extract_strided_slice %reshape3A_668 {offsets = [0, 1, 0, 0], sizes = [8, 1, 4, 256], strides = [1, 1, 1, 1]} : vector<8x2x4x256xf32> to vector<8x1x4x256xf32>
    %squeeze3A_672 = vector.shape_cast %slice3A_671 : vector<8x1x4x256xf32> to vector<8x4x256xf32>
    %max3A_673 = arith.maximumf %squeeze3A_670, %squeeze3A_672 : vector<8x4x256xf32>
    %min3A_674 = arith.minimumf %squeeze3A_670, %squeeze3A_672 : vector<8x4x256xf32>
    %stack3A_675 = vector.shape_cast %max3A_673 : vector<8x4x256xf32> to vector<8x1x4x256xf32>
    %stack3A_676 = vector.shape_cast %min3A_674 : vector<8x4x256xf32> to vector<8x1x4x256xf32>
    %stack3A_677 = tpu.concatenate %stack3A_675, %stack3A_676 in 1 : vector<8x1x4x256xf32>, vector<8x1x4x256xf32> -> vector<8x2x4x256xf32>
    %reshape3A_678 = vector.shape_cast %stack3A_677 : vector<8x2x4x256xf32> to vector<64x256xf32>
    %reshape3A_679 = vector.shape_cast %reshape3A_678 : vector<64x256xf32> to vector<16x2x2x256xf32>
    %slice3A_680 = vector.extract_strided_slice %reshape3A_679 {offsets = [0, 0, 0, 0], sizes = [16, 1, 2, 256], strides = [1, 1, 1, 1]} : vector<16x2x2x256xf32> to vector<16x1x2x256xf32>
    %squeeze3A_681 = vector.shape_cast %slice3A_680 : vector<16x1x2x256xf32> to vector<16x2x256xf32>
    %slice3A_682 = vector.extract_strided_slice %reshape3A_679 {offsets = [0, 1, 0, 0], sizes = [16, 1, 2, 256], strides = [1, 1, 1, 1]} : vector<16x2x2x256xf32> to vector<16x1x2x256xf32>
    %squeeze3A_683 = vector.shape_cast %slice3A_682 : vector<16x1x2x256xf32> to vector<16x2x256xf32>
    %max3A_684 = arith.maximumf %squeeze3A_681, %squeeze3A_683 : vector<16x2x256xf32>
    %min3A_685 = arith.minimumf %squeeze3A_681, %squeeze3A_683 : vector<16x2x256xf32>
    %stack3A_686 = vector.shape_cast %max3A_684 : vector<16x2x256xf32> to vector<16x1x2x256xf32>
    %stack3A_687 = vector.shape_cast %min3A_685 : vector<16x2x256xf32> to vector<16x1x2x256xf32>
    %stack3A_688 = tpu.concatenate %stack3A_686, %stack3A_687 in 1 : vector<16x1x2x256xf32>, vector<16x1x2x256xf32> -> vector<16x2x2x256xf32>
    %reshape3A_689 = vector.shape_cast %stack3A_688 : vector<16x2x2x256xf32> to vector<64x256xf32>
    %reshape3A_690 = vector.shape_cast %reshape3A_689 : vector<64x256xf32> to vector<32x2x1x256xf32>
    %slice3A_691 = vector.extract_strided_slice %reshape3A_690 {offsets = [0, 0, 0, 0], sizes = [32, 1, 1, 256], strides = [1, 1, 1, 1]} : vector<32x2x1x256xf32> to vector<32x1x1x256xf32>
    %squeeze3A_692 = vector.shape_cast %slice3A_691 : vector<32x1x1x256xf32> to vector<32x1x256xf32>
    %slice3A_693 = vector.extract_strided_slice %reshape3A_690 {offsets = [0, 1, 0, 0], sizes = [32, 1, 1, 256], strides = [1, 1, 1, 1]} : vector<32x2x1x256xf32> to vector<32x1x1x256xf32>
    %squeeze3A_694 = vector.shape_cast %slice3A_693 : vector<32x1x1x256xf32> to vector<32x1x256xf32>
    %max3A_695 = arith.maximumf %squeeze3A_692, %squeeze3A_694 : vector<32x1x256xf32>
    %min3A_696 = arith.minimumf %squeeze3A_692, %squeeze3A_694 : vector<32x1x256xf32>
    %stack3A_697 = vector.shape_cast %max3A_695 : vector<32x1x256xf32> to vector<32x1x1x256xf32>
    %stack3A_698 = vector.shape_cast %min3A_696 : vector<32x1x256xf32> to vector<32x1x1x256xf32>
    %stack3A_699 = tpu.concatenate %stack3A_697, %stack3A_698 in 1 : vector<32x1x1x256xf32>, vector<32x1x1x256xf32> -> vector<32x2x1x256xf32>
    %reshape3A_700 = vector.shape_cast %stack3A_699 : vector<32x2x1x256xf32> to vector<64x256xf32>
    %slice3A_701 = vector.extract_strided_slice %add3A_26 {offsets = [192, 0], sizes = [6, 256], strides = [1, 1]} : vector<198x256xf32> to vector<6x256xf32>
    %broadcast_in_dim3A = arith.constant 0xFF800000 : f32
    %broadcast_in_dim3A_702 = vector.broadcast %broadcast_in_dim3A : f32 to vector<2x256xf32>
    %concatenate3A_703 = tpu.concatenate %slice3A_701, %broadcast_in_dim3A_702 in 0 : vector<6x256xf32>, vector<2x256xf32> -> vector<8x256xf32>
    %neg3A = arith.constant 0.000000e+00 : f32
    %neg3A_704 = vector.broadcast %neg3A : f32 to vector<8x256xf32>
    %neg3A_705 = arith.subf %neg3A_704, %concatenate3A_703 : vector<8x256xf32>
    %reshape3A_706 = vector.shape_cast %neg3A_705 : vector<8x256xf32> to vector<2x2x1x2x1x256xf32>
    %slice3A_707 = vector.extract_strided_slice %reshape3A_706 {offsets = [0, 0, 0, 0, 0, 0], sizes = [2, 2, 1, 1, 1, 256], strides = [1, 1, 1, 1, 1, 1]} : vector<2x2x1x2x1x256xf32> to vector<2x2x1x1x1x256xf32>
    %squeeze3A_708 = vector.shape_cast %slice3A_707 : vector<2x2x1x1x1x256xf32> to vector<2x2x1x1x256xf32>
    %slice3A_709 = vector.extract_strided_slice %reshape3A_706 {offsets = [0, 0, 0, 1, 0, 0], sizes = [2, 2, 1, 1, 1, 256], strides = [1, 1, 1, 1, 1, 1]} : vector<2x2x1x2x1x256xf32> to vector<2x2x1x1x1x256xf32>
    %squeeze3A_710 = vector.shape_cast %slice3A_709 : vector<2x2x1x1x1x256xf32> to vector<2x2x1x1x256xf32>
    %max3A_711 = arith.maximumf %squeeze3A_708, %squeeze3A_710 : vector<2x2x1x1x256xf32>
    %min3A_712 = arith.minimumf %squeeze3A_708, %squeeze3A_710 : vector<2x2x1x1x256xf32>
    %slice3A_713 = vector.extract_strided_slice %max3A_711 {offsets = [0, 0, 0, 0, 0], sizes = [2, 1, 1, 1, 256], strides = [1, 1, 1, 1, 1]} : vector<2x2x1x1x256xf32> to vector<2x1x1x1x256xf32>
    %slice3A_714 = vector.extract_strided_slice %min3A_712 {offsets = [0, 1, 0, 0, 0], sizes = [2, 1, 1, 1, 256], strides = [1, 1, 1, 1, 1]} : vector<2x2x1x1x256xf32> to vector<2x1x1x1x256xf32>
    %concatenate3A_715 = tpu.concatenate %slice3A_713, %slice3A_714 in 1 : vector<2x1x1x1x256xf32>, vector<2x1x1x1x256xf32> -> vector<2x2x1x1x256xf32>
    %slice3A_716 = vector.extract_strided_slice %min3A_712 {offsets = [0, 0, 0, 0, 0], sizes = [2, 1, 1, 1, 256], strides = [1, 1, 1, 1, 1]} : vector<2x2x1x1x256xf32> to vector<2x1x1x1x256xf32>
    %slice3A_717 = vector.extract_strided_slice %max3A_711 {offsets = [0, 1, 0, 0, 0], sizes = [2, 1, 1, 1, 256], strides = [1, 1, 1, 1, 1]} : vector<2x2x1x1x256xf32> to vector<2x1x1x1x256xf32>
    %concatenate3A_718 = tpu.concatenate %slice3A_716, %slice3A_717 in 1 : vector<2x1x1x1x256xf32>, vector<2x1x1x1x256xf32> -> vector<2x2x1x1x256xf32>
    %stack3A_719 = vector.shape_cast %concatenate3A_715 : vector<2x2x1x1x256xf32> to vector<2x2x1x1x1x256xf32>
    %stack3A_720 = vector.shape_cast %concatenate3A_718 : vector<2x2x1x1x256xf32> to vector<2x2x1x1x1x256xf32>
    %stack3A_721 = tpu.concatenate %stack3A_719, %stack3A_720 in 3 : vector<2x2x1x1x1x256xf32>, vector<2x2x1x1x1x256xf32> -> vector<2x2x1x2x1x256xf32>
    %reshape3A_722 = vector.shape_cast %stack3A_721 : vector<2x2x1x2x1x256xf32> to vector<8x256xf32>
    %reshape3A_723 = vector.shape_cast %reshape3A_722 : vector<8x256xf32> to vector<1x2x1x2x2x256xf32>
    %slice3A_724 = vector.extract_strided_slice %reshape3A_723 {offsets = [0, 0, 0, 0, 0, 0], sizes = [1, 2, 1, 1, 2, 256], strides = [1, 1, 1, 1, 1, 1]} : vector<1x2x1x2x2x256xf32> to vector<1x2x1x1x2x256xf32>
    %squeeze3A_725 = vector.shape_cast %slice3A_724 : vector<1x2x1x1x2x256xf32> to vector<1x2x1x2x256xf32>
    %slice3A_726 = vector.extract_strided_slice %reshape3A_723 {offsets = [0, 0, 0, 1, 0, 0], sizes = [1, 2, 1, 1, 2, 256], strides = [1, 1, 1, 1, 1, 1]} : vector<1x2x1x2x2x256xf32> to vector<1x2x1x1x2x256xf32>
    %squeeze3A_727 = vector.shape_cast %slice3A_726 : vector<1x2x1x1x2x256xf32> to vector<1x2x1x2x256xf32>
    %max3A_728 = arith.maximumf %squeeze3A_725, %squeeze3A_727 : vector<1x2x1x2x256xf32>
    %min3A_729 = arith.minimumf %squeeze3A_725, %squeeze3A_727 : vector<1x2x1x2x256xf32>
    %slice3A_730 = vector.extract_strided_slice %max3A_728 {offsets = [0, 0, 0, 0, 0], sizes = [1, 1, 1, 2, 256], strides = [1, 1, 1, 1, 1]} : vector<1x2x1x2x256xf32> to vector<1x1x1x2x256xf32>
    %slice3A_731 = vector.extract_strided_slice %min3A_729 {offsets = [0, 1, 0, 0, 0], sizes = [1, 1, 1, 2, 256], strides = [1, 1, 1, 1, 1]} : vector<1x2x1x2x256xf32> to vector<1x1x1x2x256xf32>
    %concatenate3A_732 = tpu.concatenate %slice3A_730, %slice3A_731 in 1 : vector<1x1x1x2x256xf32>, vector<1x1x1x2x256xf32> -> vector<1x2x1x2x256xf32>
    %slice3A_733 = vector.extract_strided_slice %min3A_729 {offsets = [0, 0, 0, 0, 0], sizes = [1, 1, 1, 2, 256], strides = [1, 1, 1, 1, 1]} : vector<1x2x1x2x256xf32> to vector<1x1x1x2x256xf32>
    %slice3A_734 = vector.extract_strided_slice %max3A_728 {offsets = [0, 1, 0, 0, 0], sizes = [1, 1, 1, 2, 256], strides = [1, 1, 1, 1, 1]} : vector<1x2x1x2x256xf32> to vector<1x1x1x2x256xf32>
    %concatenate3A_735 = tpu.concatenate %slice3A_733, %slice3A_734 in 1 : vector<1x1x1x2x256xf32>, vector<1x1x1x2x256xf32> -> vector<1x2x1x2x256xf32>
    %stack3A_736 = vector.shape_cast %concatenate3A_732 : vector<1x2x1x2x256xf32> to vector<1x2x1x1x2x256xf32>
    %stack3A_737 = vector.shape_cast %concatenate3A_735 : vector<1x2x1x2x256xf32> to vector<1x2x1x1x2x256xf32>
    %stack3A_738 = tpu.concatenate %stack3A_736, %stack3A_737 in 3 : vector<1x2x1x1x2x256xf32>, vector<1x2x1x1x2x256xf32> -> vector<1x2x1x2x2x256xf32>
    %reshape3A_739 = vector.shape_cast %stack3A_738 : vector<1x2x1x2x2x256xf32> to vector<8x256xf32>
    %reshape3A_740 = vector.shape_cast %reshape3A_739 : vector<8x256xf32> to vector<1x2x2x2x1x256xf32>
    %slice3A_741 = vector.extract_strided_slice %reshape3A_740 {offsets = [0, 0, 0, 0, 0, 0], sizes = [1, 2, 2, 1, 1, 256], strides = [1, 1, 1, 1, 1, 1]} : vector<1x2x2x2x1x256xf32> to vector<1x2x2x1x1x256xf32>
    %squeeze3A_742 = vector.shape_cast %slice3A_741 : vector<1x2x2x1x1x256xf32> to vector<1x2x2x1x256xf32>
    %slice3A_743 = vector.extract_strided_slice %reshape3A_740 {offsets = [0, 0, 0, 1, 0, 0], sizes = [1, 2, 2, 1, 1, 256], strides = [1, 1, 1, 1, 1, 1]} : vector<1x2x2x2x1x256xf32> to vector<1x2x2x1x1x256xf32>
    %squeeze3A_744 = vector.shape_cast %slice3A_743 : vector<1x2x2x1x1x256xf32> to vector<1x2x2x1x256xf32>
    %max3A_745 = arith.maximumf %squeeze3A_742, %squeeze3A_744 : vector<1x2x2x1x256xf32>
    %min3A_746 = arith.minimumf %squeeze3A_742, %squeeze3A_744 : vector<1x2x2x1x256xf32>
    %slice3A_747 = vector.extract_strided_slice %max3A_745 {offsets = [0, 0, 0, 0, 0], sizes = [1, 1, 2, 1, 256], strides = [1, 1, 1, 1, 1]} : vector<1x2x2x1x256xf32> to vector<1x1x2x1x256xf32>
    %slice3A_748 = vector.extract_strided_slice %min3A_746 {offsets = [0, 1, 0, 0, 0], sizes = [1, 1, 2, 1, 256], strides = [1, 1, 1, 1, 1]} : vector<1x2x2x1x256xf32> to vector<1x1x2x1x256xf32>
    %concatenate3A_749 = tpu.concatenate %slice3A_747, %slice3A_748 in 1 : vector<1x1x2x1x256xf32>, vector<1x1x2x1x256xf32> -> vector<1x2x2x1x256xf32>
    %slice3A_750 = vector.extract_strided_slice %min3A_746 {offsets = [0, 0, 0, 0, 0], sizes = [1, 1, 2, 1, 256], strides = [1, 1, 1, 1, 1]} : vector<1x2x2x1x256xf32> to vector<1x1x2x1x256xf32>
    %slice3A_751 = vector.extract_strided_slice %max3A_745 {offsets = [0, 1, 0, 0, 0], sizes = [1, 1, 2, 1, 256], strides = [1, 1, 1, 1, 1]} : vector<1x2x2x1x256xf32> to vector<1x1x2x1x256xf32>
    %concatenate3A_752 = tpu.concatenate %slice3A_750, %slice3A_751 in 1 : vector<1x1x2x1x256xf32>, vector<1x1x2x1x256xf32> -> vector<1x2x2x1x256xf32>
    %stack3A_753 = vector.shape_cast %concatenate3A_749 : vector<1x2x2x1x256xf32> to vector<1x2x2x1x1x256xf32>
    %stack3A_754 = vector.shape_cast %concatenate3A_752 : vector<1x2x2x1x256xf32> to vector<1x2x2x1x1x256xf32>
    %stack3A_755 = tpu.concatenate %stack3A_753, %stack3A_754 in 3 : vector<1x2x2x1x1x256xf32>, vector<1x2x2x1x1x256xf32> -> vector<1x2x2x2x1x256xf32>
    %reshape3A_756 = vector.shape_cast %stack3A_755 : vector<1x2x2x2x1x256xf32> to vector<8x256xf32>
    %reshape3A_757 = vector.shape_cast %reshape3A_756 : vector<8x256xf32> to vector<1x2x4x256xf32>
    %slice3A_758 = vector.extract_strided_slice %reshape3A_757 {offsets = [0, 0, 0, 0], sizes = [1, 1, 4, 256], strides = [1, 1, 1, 1]} : vector<1x2x4x256xf32> to vector<1x1x4x256xf32>
    %squeeze3A_759 = vector.shape_cast %slice3A_758 : vector<1x1x4x256xf32> to vector<1x4x256xf32>
    %slice3A_760 = vector.extract_strided_slice %reshape3A_757 {offsets = [0, 1, 0, 0], sizes = [1, 1, 4, 256], strides = [1, 1, 1, 1]} : vector<1x2x4x256xf32> to vector<1x1x4x256xf32>
    %squeeze3A_761 = vector.shape_cast %slice3A_760 : vector<1x1x4x256xf32> to vector<1x4x256xf32>
    %max3A_762 = arith.maximumf %squeeze3A_759, %squeeze3A_761 : vector<1x4x256xf32>
    %min3A_763 = arith.minimumf %squeeze3A_759, %squeeze3A_761 : vector<1x4x256xf32>
    %stack3A_764 = vector.shape_cast %max3A_762 : vector<1x4x256xf32> to vector<1x1x4x256xf32>
    %stack3A_765 = vector.shape_cast %min3A_763 : vector<1x4x256xf32> to vector<1x1x4x256xf32>
    %stack3A_766 = tpu.concatenate %stack3A_764, %stack3A_765 in 1 : vector<1x1x4x256xf32>, vector<1x1x4x256xf32> -> vector<1x2x4x256xf32>
    %reshape3A_767 = vector.shape_cast %stack3A_766 : vector<1x2x4x256xf32> to vector<8x256xf32>
    %reshape3A_768 = vector.shape_cast %reshape3A_767 : vector<8x256xf32> to vector<2x2x2x256xf32>
    %slice3A_769 = vector.extract_strided_slice %reshape3A_768 {offsets = [0, 0, 0, 0], sizes = [2, 1, 2, 256], strides = [1, 1, 1, 1]} : vector<2x2x2x256xf32> to vector<2x1x2x256xf32>
    %squeeze3A_770 = vector.shape_cast %slice3A_769 : vector<2x1x2x256xf32> to vector<2x2x256xf32>
    %slice3A_771 = vector.extract_strided_slice %reshape3A_768 {offsets = [0, 1, 0, 0], sizes = [2, 1, 2, 256], strides = [1, 1, 1, 1]} : vector<2x2x2x256xf32> to vector<2x1x2x256xf32>
    %squeeze3A_772 = vector.shape_cast %slice3A_771 : vector<2x1x2x256xf32> to vector<2x2x256xf32>
    %max3A_773 = arith.maximumf %squeeze3A_770, %squeeze3A_772 : vector<2x2x256xf32>
    %min3A_774 = arith.minimumf %squeeze3A_770, %squeeze3A_772 : vector<2x2x256xf32>
    %stack3A_775 = vector.shape_cast %max3A_773 : vector<2x2x256xf32> to vector<2x1x2x256xf32>
    %stack3A_776 = vector.shape_cast %min3A_774 : vector<2x2x256xf32> to vector<2x1x2x256xf32>
    %stack3A_777 = tpu.concatenate %stack3A_775, %stack3A_776 in 1 : vector<2x1x2x256xf32>, vector<2x1x2x256xf32> -> vector<2x2x2x256xf32>
    %reshape3A_778 = vector.shape_cast %stack3A_777 : vector<2x2x2x256xf32> to vector<8x256xf32>
    %reshape3A_779 = vector.shape_cast %reshape3A_778 : vector<8x256xf32> to vector<4x2x1x256xf32>
    %slice3A_780 = vector.extract_strided_slice %reshape3A_779 {offsets = [0, 0, 0, 0], sizes = [4, 1, 1, 256], strides = [1, 1, 1, 1]} : vector<4x2x1x256xf32> to vector<4x1x1x256xf32>
    %squeeze3A_781 = vector.shape_cast %slice3A_780 : vector<4x1x1x256xf32> to vector<4x1x256xf32>
    %slice3A_782 = vector.extract_strided_slice %reshape3A_779 {offsets = [0, 1, 0, 0], sizes = [4, 1, 1, 256], strides = [1, 1, 1, 1]} : vector<4x2x1x256xf32> to vector<4x1x1x256xf32>
    %squeeze3A_783 = vector.shape_cast %slice3A_782 : vector<4x1x1x256xf32> to vector<4x1x256xf32>
    %max3A_784 = arith.maximumf %squeeze3A_781, %squeeze3A_783 : vector<4x1x256xf32>
    %min3A_785 = arith.minimumf %squeeze3A_781, %squeeze3A_783 : vector<4x1x256xf32>
    %stack3A_786 = vector.shape_cast %max3A_784 : vector<4x1x256xf32> to vector<4x1x1x256xf32>
    %stack3A_787 = vector.shape_cast %min3A_785 : vector<4x1x256xf32> to vector<4x1x1x256xf32>
    %stack3A_788 = tpu.concatenate %stack3A_786, %stack3A_787 in 1 : vector<4x1x1x256xf32>, vector<4x1x1x256xf32> -> vector<4x2x1x256xf32>
    %reshape3A_789 = vector.shape_cast %stack3A_788 : vector<4x2x1x256xf32> to vector<8x256xf32>
    %neg3A_790 = arith.constant 0.000000e+00 : f32
    %neg3A_791 = vector.broadcast %neg3A_790 : f32 to vector<8x256xf32>
    %neg3A_792 = arith.subf %neg3A_791, %reshape3A_789 : vector<8x256xf32>
    %slice3A_793 = vector.extract_strided_slice %reshape3A_378 {offsets = [0, 0], sizes = [64, 256], strides = [1, 1]} : vector<128x256xf32> to vector<64x256xf32>
    %slice3A_794 = vector.extract_strided_slice %reshape3A_378 {offsets = [64, 0], sizes = [64, 256], strides = [1, 1]} : vector<128x256xf32> to vector<64x256xf32>
    %max3A_795 = arith.maximumf %slice3A_793, %slice3A_794 : vector<64x256xf32>
    %slice3A_796 = vector.extract_strided_slice %reshape3A_700 {offsets = [0, 0], sizes = [56, 256], strides = [1, 1]} : vector<64x256xf32> to vector<56x256xf32>
    %slice3A_797 = vector.extract_strided_slice %reshape3A_700 {offsets = [56, 0], sizes = [8, 256], strides = [1, 1]} : vector<64x256xf32> to vector<8x256xf32>
    %max3A_798 = arith.maximumf %slice3A_797, %neg3A_792 : vector<8x256xf32>
    %concatenate3A_799 = tpu.concatenate %slice3A_796, %max3A_798 in 0 : vector<56x256xf32>, vector<8x256xf32> -> vector<64x256xf32>
    %concatenate3A_800 = tpu.concatenate %max3A_795, %concatenate3A_799 in 0 : vector<64x256xf32>, vector<64x256xf32> -> vector<128x256xf32>
    %reshape3A_801 = vector.shape_cast %concatenate3A_800 : vector<128x256xf32> to vector<1x2x1x2x32x256xf32>
    %slice3A_802 = vector.extract_strided_slice %reshape3A_801 {offsets = [0, 0, 0, 0, 0, 0], sizes = [1, 2, 1, 1, 32, 256], strides = [1, 1, 1, 1, 1, 1]} : vector<1x2x1x2x32x256xf32> to vector<1x2x1x1x32x256xf32>
    %squeeze3A_803 = vector.shape_cast %slice3A_802 : vector<1x2x1x1x32x256xf32> to vector<1x2x1x32x256xf32>
    %slice3A_804 = vector.extract_strided_slice %reshape3A_801 {offsets = [0, 0, 0, 1, 0, 0], sizes = [1, 2, 1, 1, 32, 256], strides = [1, 1, 1, 1, 1, 1]} : vector<1x2x1x2x32x256xf32> to vector<1x2x1x1x32x256xf32>
    %squeeze3A_805 = vector.shape_cast %slice3A_804 : vector<1x2x1x1x32x256xf32> to vector<1x2x1x32x256xf32>
    %max3A_806 = arith.maximumf %squeeze3A_803, %squeeze3A_805 : vector<1x2x1x32x256xf32>
    %min3A_807 = arith.minimumf %squeeze3A_803, %squeeze3A_805 : vector<1x2x1x32x256xf32>
    %slice3A_808 = vector.extract_strided_slice %max3A_806 {offsets = [0, 0, 0, 0, 0], sizes = [1, 1, 1, 32, 256], strides = [1, 1, 1, 1, 1]} : vector<1x2x1x32x256xf32> to vector<1x1x1x32x256xf32>
    %slice3A_809 = vector.extract_strided_slice %min3A_807 {offsets = [0, 1, 0, 0, 0], sizes = [1, 1, 1, 32, 256], strides = [1, 1, 1, 1, 1]} : vector<1x2x1x32x256xf32> to vector<1x1x1x32x256xf32>
    %concatenate3A_810 = tpu.concatenate %slice3A_808, %slice3A_809 in 1 : vector<1x1x1x32x256xf32>, vector<1x1x1x32x256xf32> -> vector<1x2x1x32x256xf32>
    %slice3A_811 = vector.extract_strided_slice %min3A_807 {offsets = [0, 0, 0, 0, 0], sizes = [1, 1, 1, 32, 256], strides = [1, 1, 1, 1, 1]} : vector<1x2x1x32x256xf32> to vector<1x1x1x32x256xf32>
    %slice3A_812 = vector.extract_strided_slice %max3A_806 {offsets = [0, 1, 0, 0, 0], sizes = [1, 1, 1, 32, 256], strides = [1, 1, 1, 1, 1]} : vector<1x2x1x32x256xf32> to vector<1x1x1x32x256xf32>
    %concatenate3A_813 = tpu.concatenate %slice3A_811, %slice3A_812 in 1 : vector<1x1x1x32x256xf32>, vector<1x1x1x32x256xf32> -> vector<1x2x1x32x256xf32>
    %stack3A_814 = vector.shape_cast %concatenate3A_810 : vector<1x2x1x32x256xf32> to vector<1x2x1x1x32x256xf32>
    %stack3A_815 = vector.shape_cast %concatenate3A_813 : vector<1x2x1x32x256xf32> to vector<1x2x1x1x32x256xf32>
    %stack3A_816 = tpu.concatenate %stack3A_814, %stack3A_815 in 3 : vector<1x2x1x1x32x256xf32>, vector<1x2x1x1x32x256xf32> -> vector<1x2x1x2x32x256xf32>
    %reshape3A_817 = vector.shape_cast %stack3A_816 : vector<1x2x1x2x32x256xf32> to vector<128x256xf32>
    %reshape3A_818 = vector.shape_cast %reshape3A_817 : vector<128x256xf32> to vector<1x2x2x2x16x256xf32>
    %slice3A_819 = vector.extract_strided_slice %reshape3A_818 {offsets = [0, 0, 0, 0, 0, 0], sizes = [1, 2, 2, 1, 16, 256], strides = [1, 1, 1, 1, 1, 1]} : vector<1x2x2x2x16x256xf32> to vector<1x2x2x1x16x256xf32>
    %squeeze3A_820 = vector.shape_cast %slice3A_819 : vector<1x2x2x1x16x256xf32> to vector<1x2x2x16x256xf32>
    %slice3A_821 = vector.extract_strided_slice %reshape3A_818 {offsets = [0, 0, 0, 1, 0, 0], sizes = [1, 2, 2, 1, 16, 256], strides = [1, 1, 1, 1, 1, 1]} : vector<1x2x2x2x16x256xf32> to vector<1x2x2x1x16x256xf32>
    %squeeze3A_822 = vector.shape_cast %slice3A_821 : vector<1x2x2x1x16x256xf32> to vector<1x2x2x16x256xf32>
    %max3A_823 = arith.maximumf %squeeze3A_820, %squeeze3A_822 : vector<1x2x2x16x256xf32>
    %min3A_824 = arith.minimumf %squeeze3A_820, %squeeze3A_822 : vector<1x2x2x16x256xf32>
    %slice3A_825 = vector.extract_strided_slice %max3A_823 {offsets = [0, 0, 0, 0, 0], sizes = [1, 1, 2, 16, 256], strides = [1, 1, 1, 1, 1]} : vector<1x2x2x16x256xf32> to vector<1x1x2x16x256xf32>
    %slice3A_826 = vector.extract_strided_slice %min3A_824 {offsets = [0, 1, 0, 0, 0], sizes = [1, 1, 2, 16, 256], strides = [1, 1, 1, 1, 1]} : vector<1x2x2x16x256xf32> to vector<1x1x2x16x256xf32>
    %concatenate3A_827 = tpu.concatenate %slice3A_825, %slice3A_826 in 1 : vector<1x1x2x16x256xf32>, vector<1x1x2x16x256xf32> -> vector<1x2x2x16x256xf32>
    %slice3A_828 = vector.extract_strided_slice %min3A_824 {offsets = [0, 0, 0, 0, 0], sizes = [1, 1, 2, 16, 256], strides = [1, 1, 1, 1, 1]} : vector<1x2x2x16x256xf32> to vector<1x1x2x16x256xf32>
    %slice3A_829 = vector.extract_strided_slice %max3A_823 {offsets = [0, 1, 0, 0, 0], sizes = [1, 1, 2, 16, 256], strides = [1, 1, 1, 1, 1]} : vector<1x2x2x16x256xf32> to vector<1x1x2x16x256xf32>
    %concatenate3A_830 = tpu.concatenate %slice3A_828, %slice3A_829 in 1 : vector<1x1x2x16x256xf32>, vector<1x1x2x16x256xf32> -> vector<1x2x2x16x256xf32>
    %stack3A_831 = vector.shape_cast %concatenate3A_827 : vector<1x2x2x16x256xf32> to vector<1x2x2x1x16x256xf32>
    %stack3A_832 = vector.shape_cast %concatenate3A_830 : vector<1x2x2x16x256xf32> to vector<1x2x2x1x16x256xf32>
    %stack3A_833 = tpu.concatenate %stack3A_831, %stack3A_832 in 3 : vector<1x2x2x1x16x256xf32>, vector<1x2x2x1x16x256xf32> -> vector<1x2x2x2x16x256xf32>
    %reshape3A_834 = vector.shape_cast %stack3A_833 : vector<1x2x2x2x16x256xf32> to vector<128x256xf32>
    %reshape3A_835 = vector.shape_cast %reshape3A_834 : vector<128x256xf32> to vector<1x2x4x2x8x256xf32>
    %slice3A_836 = vector.extract_strided_slice %reshape3A_835 {offsets = [0, 0, 0, 0, 0, 0], sizes = [1, 2, 4, 1, 8, 256], strides = [1, 1, 1, 1, 1, 1]} : vector<1x2x4x2x8x256xf32> to vector<1x2x4x1x8x256xf32>
    %squeeze3A_837 = vector.shape_cast %slice3A_836 : vector<1x2x4x1x8x256xf32> to vector<1x2x4x8x256xf32>
    %slice3A_838 = vector.extract_strided_slice %reshape3A_835 {offsets = [0, 0, 0, 1, 0, 0], sizes = [1, 2, 4, 1, 8, 256], strides = [1, 1, 1, 1, 1, 1]} : vector<1x2x4x2x8x256xf32> to vector<1x2x4x1x8x256xf32>
    %squeeze3A_839 = vector.shape_cast %slice3A_838 : vector<1x2x4x1x8x256xf32> to vector<1x2x4x8x256xf32>
    %max3A_840 = arith.maximumf %squeeze3A_837, %squeeze3A_839 : vector<1x2x4x8x256xf32>
    %min3A_841 = arith.minimumf %squeeze3A_837, %squeeze3A_839 : vector<1x2x4x8x256xf32>
    %slice3A_842 = vector.extract_strided_slice %max3A_840 {offsets = [0, 0, 0, 0, 0], sizes = [1, 1, 4, 8, 256], strides = [1, 1, 1, 1, 1]} : vector<1x2x4x8x256xf32> to vector<1x1x4x8x256xf32>
    %slice3A_843 = vector.extract_strided_slice %min3A_841 {offsets = [0, 1, 0, 0, 0], sizes = [1, 1, 4, 8, 256], strides = [1, 1, 1, 1, 1]} : vector<1x2x4x8x256xf32> to vector<1x1x4x8x256xf32>
    %concatenate3A_844 = tpu.concatenate %slice3A_842, %slice3A_843 in 1 : vector<1x1x4x8x256xf32>, vector<1x1x4x8x256xf32> -> vector<1x2x4x8x256xf32>
    %slice3A_845 = vector.extract_strided_slice %min3A_841 {offsets = [0, 0, 0, 0, 0], sizes = [1, 1, 4, 8, 256], strides = [1, 1, 1, 1, 1]} : vector<1x2x4x8x256xf32> to vector<1x1x4x8x256xf32>
    %slice3A_846 = vector.extract_strided_slice %max3A_840 {offsets = [0, 1, 0, 0, 0], sizes = [1, 1, 4, 8, 256], strides = [1, 1, 1, 1, 1]} : vector<1x2x4x8x256xf32> to vector<1x1x4x8x256xf32>
    %concatenate3A_847 = tpu.concatenate %slice3A_845, %slice3A_846 in 1 : vector<1x1x4x8x256xf32>, vector<1x1x4x8x256xf32> -> vector<1x2x4x8x256xf32>
    %stack3A_848 = vector.shape_cast %concatenate3A_844 : vector<1x2x4x8x256xf32> to vector<1x2x4x1x8x256xf32>
    %stack3A_849 = vector.shape_cast %concatenate3A_847 : vector<1x2x4x8x256xf32> to vector<1x2x4x1x8x256xf32>
    %stack3A_850 = tpu.concatenate %stack3A_848, %stack3A_849 in 3 : vector<1x2x4x1x8x256xf32>, vector<1x2x4x1x8x256xf32> -> vector<1x2x4x2x8x256xf32>
    %reshape3A_851 = vector.shape_cast %stack3A_850 : vector<1x2x4x2x8x256xf32> to vector<128x256xf32>
    %reshape3A_852 = vector.shape_cast %reshape3A_851 : vector<128x256xf32> to vector<1x2x8x2x4x256xf32>
    %slice3A_853 = vector.extract_strided_slice %reshape3A_852 {offsets = [0, 0, 0, 0, 0, 0], sizes = [1, 2, 8, 1, 4, 256], strides = [1, 1, 1, 1, 1, 1]} : vector<1x2x8x2x4x256xf32> to vector<1x2x8x1x4x256xf32>
    %squeeze3A_854 = vector.shape_cast %slice3A_853 : vector<1x2x8x1x4x256xf32> to vector<1x2x8x4x256xf32>
    %slice3A_855 = vector.extract_strided_slice %reshape3A_852 {offsets = [0, 0, 0, 1, 0, 0], sizes = [1, 2, 8, 1, 4, 256], strides = [1, 1, 1, 1, 1, 1]} : vector<1x2x8x2x4x256xf32> to vector<1x2x8x1x4x256xf32>
    %squeeze3A_856 = vector.shape_cast %slice3A_855 : vector<1x2x8x1x4x256xf32> to vector<1x2x8x4x256xf32>
    %max3A_857 = arith.maximumf %squeeze3A_854, %squeeze3A_856 : vector<1x2x8x4x256xf32>
    %min3A_858 = arith.minimumf %squeeze3A_854, %squeeze3A_856 : vector<1x2x8x4x256xf32>
    %slice3A_859 = vector.extract_strided_slice %max3A_857 {offsets = [0, 0, 0, 0, 0], sizes = [1, 1, 8, 4, 256], strides = [1, 1, 1, 1, 1]} : vector<1x2x8x4x256xf32> to vector<1x1x8x4x256xf32>
    %slice3A_860 = vector.extract_strided_slice %min3A_858 {offsets = [0, 1, 0, 0, 0], sizes = [1, 1, 8, 4, 256], strides = [1, 1, 1, 1, 1]} : vector<1x2x8x4x256xf32> to vector<1x1x8x4x256xf32>
    %concatenate3A_861 = tpu.concatenate %slice3A_859, %slice3A_860 in 1 : vector<1x1x8x4x256xf32>, vector<1x1x8x4x256xf32> -> vector<1x2x8x4x256xf32>
    %slice3A_862 = vector.extract_strided_slice %min3A_858 {offsets = [0, 0, 0, 0, 0], sizes = [1, 1, 8, 4, 256], strides = [1, 1, 1, 1, 1]} : vector<1x2x8x4x256xf32> to vector<1x1x8x4x256xf32>
    %slice3A_863 = vector.extract_strided_slice %max3A_857 {offsets = [0, 1, 0, 0, 0], sizes = [1, 1, 8, 4, 256], strides = [1, 1, 1, 1, 1]} : vector<1x2x8x4x256xf32> to vector<1x1x8x4x256xf32>
    %concatenate3A_864 = tpu.concatenate %slice3A_862, %slice3A_863 in 1 : vector<1x1x8x4x256xf32>, vector<1x1x8x4x256xf32> -> vector<1x2x8x4x256xf32>
    %stack3A_865 = vector.shape_cast %concatenate3A_861 : vector<1x2x8x4x256xf32> to vector<1x2x8x1x4x256xf32>
    %stack3A_866 = vector.shape_cast %concatenate3A_864 : vector<1x2x8x4x256xf32> to vector<1x2x8x1x4x256xf32>
    %stack3A_867 = tpu.concatenate %stack3A_865, %stack3A_866 in 3 : vector<1x2x8x1x4x256xf32>, vector<1x2x8x1x4x256xf32> -> vector<1x2x8x2x4x256xf32>
    %reshape3A_868 = vector.shape_cast %stack3A_867 : vector<1x2x8x2x4x256xf32> to vector<128x256xf32>
    %reshape3A_869 = vector.shape_cast %reshape3A_868 : vector<128x256xf32> to vector<1x2x16x2x2x256xf32>
    %slice3A_870 = vector.extract_strided_slice %reshape3A_869 {offsets = [0, 0, 0, 0, 0, 0], sizes = [1, 2, 16, 1, 2, 256], strides = [1, 1, 1, 1, 1, 1]} : vector<1x2x16x2x2x256xf32> to vector<1x2x16x1x2x256xf32>
    %squeeze3A_871 = vector.shape_cast %slice3A_870 : vector<1x2x16x1x2x256xf32> to vector<1x2x16x2x256xf32>
    %slice3A_872 = vector.extract_strided_slice %reshape3A_869 {offsets = [0, 0, 0, 1, 0, 0], sizes = [1, 2, 16, 1, 2, 256], strides = [1, 1, 1, 1, 1, 1]} : vector<1x2x16x2x2x256xf32> to vector<1x2x16x1x2x256xf32>
    %squeeze3A_873 = vector.shape_cast %slice3A_872 : vector<1x2x16x1x2x256xf32> to vector<1x2x16x2x256xf32>
    %max3A_874 = arith.maximumf %squeeze3A_871, %squeeze3A_873 : vector<1x2x16x2x256xf32>
    %min3A_875 = arith.minimumf %squeeze3A_871, %squeeze3A_873 : vector<1x2x16x2x256xf32>
    %slice3A_876 = vector.extract_strided_slice %max3A_874 {offsets = [0, 0, 0, 0, 0], sizes = [1, 1, 16, 2, 256], strides = [1, 1, 1, 1, 1]} : vector<1x2x16x2x256xf32> to vector<1x1x16x2x256xf32>
    %slice3A_877 = vector.extract_strided_slice %min3A_875 {offsets = [0, 1, 0, 0, 0], sizes = [1, 1, 16, 2, 256], strides = [1, 1, 1, 1, 1]} : vector<1x2x16x2x256xf32> to vector<1x1x16x2x256xf32>
    %concatenate3A_878 = tpu.concatenate %slice3A_876, %slice3A_877 in 1 : vector<1x1x16x2x256xf32>, vector<1x1x16x2x256xf32> -> vector<1x2x16x2x256xf32>
    %slice3A_879 = vector.extract_strided_slice %min3A_875 {offsets = [0, 0, 0, 0, 0], sizes = [1, 1, 16, 2, 256], strides = [1, 1, 1, 1, 1]} : vector<1x2x16x2x256xf32> to vector<1x1x16x2x256xf32>
    %slice3A_880 = vector.extract_strided_slice %max3A_874 {offsets = [0, 1, 0, 0, 0], sizes = [1, 1, 16, 2, 256], strides = [1, 1, 1, 1, 1]} : vector<1x2x16x2x256xf32> to vector<1x1x16x2x256xf32>
    %concatenate3A_881 = tpu.concatenate %slice3A_879, %slice3A_880 in 1 : vector<1x1x16x2x256xf32>, vector<1x1x16x2x256xf32> -> vector<1x2x16x2x256xf32>
    %stack3A_882 = vector.shape_cast %concatenate3A_878 : vector<1x2x16x2x256xf32> to vector<1x2x16x1x2x256xf32>
    %stack3A_883 = vector.shape_cast %concatenate3A_881 : vector<1x2x16x2x256xf32> to vector<1x2x16x1x2x256xf32>
    %stack3A_884 = tpu.concatenate %stack3A_882, %stack3A_883 in 3 : vector<1x2x16x1x2x256xf32>, vector<1x2x16x1x2x256xf32> -> vector<1x2x16x2x2x256xf32>
    %reshape3A_885 = vector.shape_cast %stack3A_884 : vector<1x2x16x2x2x256xf32> to vector<128x256xf32>
    %reshape3A_886 = vector.shape_cast %reshape3A_885 : vector<128x256xf32> to vector<1x2x32x2x1x256xf32>
    %slice3A_887 = vector.extract_strided_slice %reshape3A_886 {offsets = [0, 0, 0, 0, 0, 0], sizes = [1, 2, 32, 1, 1, 256], strides = [1, 1, 1, 1, 1, 1]} : vector<1x2x32x2x1x256xf32> to vector<1x2x32x1x1x256xf32>
    %squeeze3A_888 = vector.shape_cast %slice3A_887 : vector<1x2x32x1x1x256xf32> to vector<1x2x32x1x256xf32>
    %slice3A_889 = vector.extract_strided_slice %reshape3A_886 {offsets = [0, 0, 0, 1, 0, 0], sizes = [1, 2, 32, 1, 1, 256], strides = [1, 1, 1, 1, 1, 1]} : vector<1x2x32x2x1x256xf32> to vector<1x2x32x1x1x256xf32>
    %squeeze3A_890 = vector.shape_cast %slice3A_889 : vector<1x2x32x1x1x256xf32> to vector<1x2x32x1x256xf32>
    %max3A_891 = arith.maximumf %squeeze3A_888, %squeeze3A_890 : vector<1x2x32x1x256xf32>
    %min3A_892 = arith.minimumf %squeeze3A_888, %squeeze3A_890 : vector<1x2x32x1x256xf32>
    %slice3A_893 = vector.extract_strided_slice %max3A_891 {offsets = [0, 0, 0, 0, 0], sizes = [1, 1, 32, 1, 256], strides = [1, 1, 1, 1, 1]} : vector<1x2x32x1x256xf32> to vector<1x1x32x1x256xf32>
    %slice3A_894 = vector.extract_strided_slice %min3A_892 {offsets = [0, 1, 0, 0, 0], sizes = [1, 1, 32, 1, 256], strides = [1, 1, 1, 1, 1]} : vector<1x2x32x1x256xf32> to vector<1x1x32x1x256xf32>
    %concatenate3A_895 = tpu.concatenate %slice3A_893, %slice3A_894 in 1 : vector<1x1x32x1x256xf32>, vector<1x1x32x1x256xf32> -> vector<1x2x32x1x256xf32>
    %slice3A_896 = vector.extract_strided_slice %min3A_892 {offsets = [0, 0, 0, 0, 0], sizes = [1, 1, 32, 1, 256], strides = [1, 1, 1, 1, 1]} : vector<1x2x32x1x256xf32> to vector<1x1x32x1x256xf32>
    %slice3A_897 = vector.extract_strided_slice %max3A_891 {offsets = [0, 1, 0, 0, 0], sizes = [1, 1, 32, 1, 256], strides = [1, 1, 1, 1, 1]} : vector<1x2x32x1x256xf32> to vector<1x1x32x1x256xf32>
    %concatenate3A_898 = tpu.concatenate %slice3A_896, %slice3A_897 in 1 : vector<1x1x32x1x256xf32>, vector<1x1x32x1x256xf32> -> vector<1x2x32x1x256xf32>
    %stack3A_899 = vector.shape_cast %concatenate3A_895 : vector<1x2x32x1x256xf32> to vector<1x2x32x1x1x256xf32>
    %stack3A_900 = vector.shape_cast %concatenate3A_898 : vector<1x2x32x1x256xf32> to vector<1x2x32x1x1x256xf32>
    %stack3A_901 = tpu.concatenate %stack3A_899, %stack3A_900 in 3 : vector<1x2x32x1x1x256xf32>, vector<1x2x32x1x1x256xf32> -> vector<1x2x32x2x1x256xf32>
    %reshape3A_902 = vector.shape_cast %stack3A_901 : vector<1x2x32x2x1x256xf32> to vector<128x256xf32>
    %slice3A_903 = vector.extract_strided_slice %reshape3A_902 {offsets = [0, 0], sizes = [64, 256], strides = [1, 1]} : vector<128x256xf32> to vector<64x256xf32>
    %slice3A_904 = vector.extract_strided_slice %reshape3A_902 {offsets = [64, 0], sizes = [64, 256], strides = [1, 1]} : vector<128x256xf32> to vector<64x256xf32>
    %max3A_905 = arith.maximumf %slice3A_903, %slice3A_904 : vector<64x256xf32>
    %reshape3A_906 = vector.shape_cast %max3A_905 : vector<64x256xf32> to vector<1x2x32x256xf32>
    %slice3A_907 = vector.extract_strided_slice %reshape3A_906 {offsets = [0, 0, 0, 0], sizes = [1, 1, 32, 256], strides = [1, 1, 1, 1]} : vector<1x2x32x256xf32> to vector<1x1x32x256xf32>
    %squeeze3A_908 = vector.shape_cast %slice3A_907 : vector<1x1x32x256xf32> to vector<1x32x256xf32>
    %slice3A_909 = vector.extract_strided_slice %reshape3A_906 {offsets = [0, 1, 0, 0], sizes = [1, 1, 32, 256], strides = [1, 1, 1, 1]} : vector<1x2x32x256xf32> to vector<1x1x32x256xf32>
    %squeeze3A_910 = vector.shape_cast %slice3A_909 : vector<1x1x32x256xf32> to vector<1x32x256xf32>
    %max3A_911 = arith.maximumf %squeeze3A_908, %squeeze3A_910 : vector<1x32x256xf32>
    %min3A_912 = arith.minimumf %squeeze3A_908, %squeeze3A_910 : vector<1x32x256xf32>
    %stack3A_913 = vector.shape_cast %max3A_911 : vector<1x32x256xf32> to vector<1x1x32x256xf32>
    %stack3A_914 = vector.shape_cast %min3A_912 : vector<1x32x256xf32> to vector<1x1x32x256xf32>
    %stack3A_915 = tpu.concatenate %stack3A_913, %stack3A_914 in 1 : vector<1x1x32x256xf32>, vector<1x1x32x256xf32> -> vector<1x2x32x256xf32>
    %reshape3A_916 = vector.shape_cast %stack3A_915 : vector<1x2x32x256xf32> to vector<64x256xf32>
    %reshape3A_917 = vector.shape_cast %reshape3A_916 : vector<64x256xf32> to vector<2x2x16x256xf32>
    %slice3A_918 = vector.extract_strided_slice %reshape3A_917 {offsets = [0, 0, 0, 0], sizes = [2, 1, 16, 256], strides = [1, 1, 1, 1]} : vector<2x2x16x256xf32> to vector<2x1x16x256xf32>
    %squeeze3A_919 = vector.shape_cast %slice3A_918 : vector<2x1x16x256xf32> to vector<2x16x256xf32>
    %slice3A_920 = vector.extract_strided_slice %reshape3A_917 {offsets = [0, 1, 0, 0], sizes = [2, 1, 16, 256], strides = [1, 1, 1, 1]} : vector<2x2x16x256xf32> to vector<2x1x16x256xf32>
    %squeeze3A_921 = vector.shape_cast %slice3A_920 : vector<2x1x16x256xf32> to vector<2x16x256xf32>
    %max3A_922 = arith.maximumf %squeeze3A_919, %squeeze3A_921 : vector<2x16x256xf32>
    %min3A_923 = arith.minimumf %squeeze3A_919, %squeeze3A_921 : vector<2x16x256xf32>
    %stack3A_924 = vector.shape_cast %max3A_922 : vector<2x16x256xf32> to vector<2x1x16x256xf32>
    %stack3A_925 = vector.shape_cast %min3A_923 : vector<2x16x256xf32> to vector<2x1x16x256xf32>
    %stack3A_926 = tpu.concatenate %stack3A_924, %stack3A_925 in 1 : vector<2x1x16x256xf32>, vector<2x1x16x256xf32> -> vector<2x2x16x256xf32>
    %reshape3A_927 = vector.shape_cast %stack3A_926 : vector<2x2x16x256xf32> to vector<64x256xf32>
    %reshape3A_928 = vector.shape_cast %reshape3A_927 : vector<64x256xf32> to vector<4x2x8x256xf32>
    %slice3A_929 = vector.extract_strided_slice %reshape3A_928 {offsets = [0, 0, 0, 0], sizes = [4, 1, 8, 256], strides = [1, 1, 1, 1]} : vector<4x2x8x256xf32> to vector<4x1x8x256xf32>
    %squeeze3A_930 = vector.shape_cast %slice3A_929 : vector<4x1x8x256xf32> to vector<4x8x256xf32>
    %slice3A_931 = vector.extract_strided_slice %reshape3A_928 {offsets = [0, 1, 0, 0], sizes = [4, 1, 8, 256], strides = [1, 1, 1, 1]} : vector<4x2x8x256xf32> to vector<4x1x8x256xf32>
    %squeeze3A_932 = vector.shape_cast %slice3A_931 : vector<4x1x8x256xf32> to vector<4x8x256xf32>
    %max3A_933 = arith.maximumf %squeeze3A_930, %squeeze3A_932 : vector<4x8x256xf32>
    %min3A_934 = arith.minimumf %squeeze3A_930, %squeeze3A_932 : vector<4x8x256xf32>
    %stack3A_935 = vector.shape_cast %max3A_933 : vector<4x8x256xf32> to vector<4x1x8x256xf32>
    %stack3A_936 = vector.shape_cast %min3A_934 : vector<4x8x256xf32> to vector<4x1x8x256xf32>
    %stack3A_937 = tpu.concatenate %stack3A_935, %stack3A_936 in 1 : vector<4x1x8x256xf32>, vector<4x1x8x256xf32> -> vector<4x2x8x256xf32>
    %reshape3A_938 = vector.shape_cast %stack3A_937 : vector<4x2x8x256xf32> to vector<64x256xf32>
    %reshape3A_939 = vector.shape_cast %reshape3A_938 : vector<64x256xf32> to vector<8x2x4x256xf32>
    %slice3A_940 = vector.extract_strided_slice %reshape3A_939 {offsets = [0, 0, 0, 0], sizes = [8, 1, 4, 256], strides = [1, 1, 1, 1]} : vector<8x2x4x256xf32> to vector<8x1x4x256xf32>
    %squeeze3A_941 = vector.shape_cast %slice3A_940 : vector<8x1x4x256xf32> to vector<8x4x256xf32>
    %slice3A_942 = vector.extract_strided_slice %reshape3A_939 {offsets = [0, 1, 0, 0], sizes = [8, 1, 4, 256], strides = [1, 1, 1, 1]} : vector<8x2x4x256xf32> to vector<8x1x4x256xf32>
    %squeeze3A_943 = vector.shape_cast %slice3A_942 : vector<8x1x4x256xf32> to vector<8x4x256xf32>
    %max3A_944 = arith.maximumf %squeeze3A_941, %squeeze3A_943 : vector<8x4x256xf32>
    %min3A_945 = arith.minimumf %squeeze3A_941, %squeeze3A_943 : vector<8x4x256xf32>
    %stack3A_946 = vector.shape_cast %max3A_944 : vector<8x4x256xf32> to vector<8x1x4x256xf32>
    %stack3A_947 = vector.shape_cast %min3A_945 : vector<8x4x256xf32> to vector<8x1x4x256xf32>
    %stack3A_948 = tpu.concatenate %stack3A_946, %stack3A_947 in 1 : vector<8x1x4x256xf32>, vector<8x1x4x256xf32> -> vector<8x2x4x256xf32>
    %reshape3A_949 = vector.shape_cast %stack3A_948 : vector<8x2x4x256xf32> to vector<64x256xf32>
    %reshape3A_950 = vector.shape_cast %reshape3A_949 : vector<64x256xf32> to vector<16x2x2x256xf32>
    %slice3A_951 = vector.extract_strided_slice %reshape3A_950 {offsets = [0, 0, 0, 0], sizes = [16, 1, 2, 256], strides = [1, 1, 1, 1]} : vector<16x2x2x256xf32> to vector<16x1x2x256xf32>
    %squeeze3A_952 = vector.shape_cast %slice3A_951 : vector<16x1x2x256xf32> to vector<16x2x256xf32>
    %slice3A_953 = vector.extract_strided_slice %reshape3A_950 {offsets = [0, 1, 0, 0], sizes = [16, 1, 2, 256], strides = [1, 1, 1, 1]} : vector<16x2x2x256xf32> to vector<16x1x2x256xf32>
    %squeeze3A_954 = vector.shape_cast %slice3A_953 : vector<16x1x2x256xf32> to vector<16x2x256xf32>
    %max3A_955 = arith.maximumf %squeeze3A_952, %squeeze3A_954 : vector<16x2x256xf32>
    %min3A_956 = arith.minimumf %squeeze3A_952, %squeeze3A_954 : vector<16x2x256xf32>
    %stack3A_957 = vector.shape_cast %max3A_955 : vector<16x2x256xf32> to vector<16x1x2x256xf32>
    %stack3A_958 = vector.shape_cast %min3A_956 : vector<16x2x256xf32> to vector<16x1x2x256xf32>
    %stack3A_959 = tpu.concatenate %stack3A_957, %stack3A_958 in 1 : vector<16x1x2x256xf32>, vector<16x1x2x256xf32> -> vector<16x2x2x256xf32>
    %reshape3A_960 = vector.shape_cast %stack3A_959 : vector<16x2x2x256xf32> to vector<64x256xf32>
    %reshape3A_961 = vector.shape_cast %reshape3A_960 : vector<64x256xf32> to vector<32x2x1x256xf32>
    %slice3A_962 = vector.extract_strided_slice %reshape3A_961 {offsets = [0, 0, 0, 0], sizes = [32, 1, 1, 256], strides = [1, 1, 1, 1]} : vector<32x2x1x256xf32> to vector<32x1x1x256xf32>
    %squeeze3A_963 = vector.shape_cast %slice3A_962 : vector<32x1x1x256xf32> to vector<32x1x256xf32>
    %slice3A_964 = vector.extract_strided_slice %reshape3A_961 {offsets = [0, 1, 0, 0], sizes = [32, 1, 1, 256], strides = [1, 1, 1, 1]} : vector<32x2x1x256xf32> to vector<32x1x1x256xf32>
    %squeeze3A_965 = vector.shape_cast %slice3A_964 : vector<32x1x1x256xf32> to vector<32x1x256xf32>
    %max3A_966 = arith.maximumf %squeeze3A_963, %squeeze3A_965 : vector<32x1x256xf32>
    %min3A_967 = arith.minimumf %squeeze3A_963, %squeeze3A_965 : vector<32x1x256xf32>
    %stack3A_968 = vector.shape_cast %max3A_966 : vector<32x1x256xf32> to vector<32x1x1x256xf32>
    %stack3A_969 = vector.shape_cast %min3A_967 : vector<32x1x256xf32> to vector<32x1x1x256xf32>
    %stack3A_970 = tpu.concatenate %stack3A_968, %stack3A_969 in 1 : vector<32x1x1x256xf32>, vector<32x1x1x256xf32> -> vector<32x2x1x256xf32>
    %reshape3A_971 = vector.shape_cast %stack3A_970 : vector<32x2x1x256xf32> to vector<64x256xf32>
    %slice3A_972 = vector.extract_strided_slice %reshape3A_971 {offsets = [0, 0], sizes = [56, 256], strides = [1, 1]} : vector<64x256xf32> to vector<56x256xf32>
    %get3A_973 = arith.constant 0 : index
    %get3A_974 = arith.constant 0 : index
    %get3A_975 = vector.load %arg4[%get3A_973, %get3A_974] : memref<256x256xf32, #tpu.memory_space<vmem>>, vector<256x256xf32>
    %dot_general3A_976 = arith.constant dense<0.000000e+00> : vector<56x256xf32>
    %dot_general3A_977 = tpu.matmul %slice3A_972, %get3A_975, %dot_general3A_976 {dimension_numbers = #tpu.dot_dimension_numbers<[1], [0], [0], [1], [0, 0, 1, 1], [], []>, transpose_lhs_hint = false} : vector<56x256xf32>, vector<256x256xf32>, vector<56x256xf32> -> vector<56x256xf32>
    %get3A_978 = arith.constant 0 : index
    %get3A_979 = arith.constant 0 : index
    %get3A_980 = vector.load %arg5[%get3A_978, %get3A_979] : memref<8x256xf32, #tpu.memory_space<vmem>>, vector<1x256xf32>
    %add3A_981 = vector.broadcast %get3A_980 : vector<1x256xf32> to vector<56x256xf32>
    %add3A_982 = arith.addf %dot_general3A_977, %add3A_981 : vector<56x256xf32>
    %max3A_983 = arith.constant 0.000000e+00 : f32
    %max3A_984 = vector.broadcast %max3A_983 : f32 to vector<56x256xf32>
    %max3A_985 = arith.maximumf %add3A_982, %max3A_984 : vector<56x256xf32>
    %swap3A = arith.constant 0 : index
    %swap3A_986 = arith.constant 0 : index
    %swap3A_987 = arith.constant 0 : index
    %swap3A_988 = arith.constant 0 : index
    %swap3A_989 = vector.load %arg6[%swap3A, %swap3A_986, %swap3A_987, %swap3A_988] : memref<1x1x56x256xf32, #tpu.memory_space<vmem>>, vector<1x1x56x256xf32>
    %swap3A_990 = vector.shape_cast %swap3A_989 : vector<1x1x56x256xf32> to vector<56x256xf32>
    %swap3A_991 = vector.shape_cast %max3A_985 : vector<56x256xf32> to vector<1x1x56x256xf32>
    tpu.vector_store %arg6[%swap3A, %swap3A_986, %swap3A_987, %swap3A_988], %swap3A_991 {strides = array<i32>} : memref<1x1x56x256xf32, #tpu.memory_space<vmem>>, vector<1x1x56x256xf32>,
    return
  }
  func.func @transform_0(%arg0: i32, %arg1: i32) -> (i32, i32, i32) {
    %c0_i32 = arith.constant 0 : i32
    %c0_i32_0 = arith.constant 0 : i32
    return %arg0, %c0_i32, %arg1 : i32, i32, i32
  }
  func.func @transform_1(%arg0: i32, %arg1: i32) -> (i32, i32, i32) {
    %c0_i32 = arith.constant 0 : i32
    %c0_i32_0 = arith.constant 0 : i32
    %c0_i32_1 = arith.constant 0 : i32
    %c0_i32_2 = arith.constant 0 : i32
    return %c0_i32, %c0_i32_0, %c0_i32_1 : i32, i32, i32
  }
  func.func @transform_2(%arg0: i32, %arg1: i32) -> (i32, i32) {
    %c0_i32 = arith.constant 0 : i32
    %c0_i32_0 = arith.constant 0 : i32
    %c0_i32_1 = arith.constant 0 : i32
    return %c0_i32, %c0_i32_0 : i32, i32
  }
  func.func @transform_3(%arg0: i32, %arg1: i32) -> (i32, i32) {
    %c0_i32 = arith.constant 0 : i32
    %c0_i32_0 = arith.constant 0 : i32
    %c0_i32_1 = arith.constant 0 : i32
    return %c0_i32, %c0_i32_0 : i32, i32
  }
  func.func @transform_4(%arg0: i32, %arg1: i32) -> (i32, i32, i32, i32) {
    %c0_i32 = arith.constant 0 : i32
    %c0_i32_0 = arith.constant 0 : i32
    %c0_i32_1 = arith.constant 0 : i32
    return %arg0, %arg1, %c0_i32, %c0_i32_0 : i32, i32, i32, i32
  }
}

</mosaic_0001>

<sc_bundles>
// kernel: kernel.4.cloned.1.call-start
scs
__scs_entry_jumppad:
0x0: {  	(pc) =	sbr.rel $0x88, $3  }
0x1: {  	(tag) =	ssettag $0x0;
	lr =	simm.s32 $0x1  }
0x2: {  	[smem:$0x3F9B] =	sst lr;
	_ =	strace $0xD0000000  }
0x3: {  	_ = 	snop  }
0x4: {  	_ = 	snop  }
0x5: {  	_ = 	snop  }
0x6: {  	_ = 	snop  }
0x7: {  	_ = 	snop  }
__scs_overlays_trampoline_lowered:
0x8: {  	[smem:$0x3FAA] =	sst s0  }
0x9: {  	[smem:$0x3FAB] =	sst s1  }
0xa: {  	[smem:$0x3FAC] =	sst s2  }
0xb: {  	[smem:$0x3FAD] =	sst s3  }
0xc: {  	[smem:$0x3FAE] =	sst s4  }
0xd: {  	[smem:$0x3FAF] =	sst s5  }
0xe: {  	[smem:$0x3FB0] =	sst s6  }
0xf: {  	[smem:$0x3FB1] =	sst s7  }
0x10: {  	[smem:$0x3FB2] =	sst s8  }
0x11: {  	[smem:$0x3FB3] =	sst s9;
	s0 =	simm.s32 @!p0 $0x0  }
0x12: {  	s1 =	sld [smem:$0x3F99];
	s0 =	simm.s32 @p0 $0x1  }
0x13: {  	[smem:$0x3FB4] =	sst s0;
	s0 =	simm.s32 @!p1 $0x0  }
0x14: {  	s2 =	sld [smem:$0x3F98];
	s0 =	simm.s32 @p1 $0x1  }
0x15: {  	[smem:$0x3FB5] =	sst s0;
	s0 =	simm.s32 @!p2 $0x0  }
0x16: {  	s3 =	sld [smem:$0x3FDB];
	s0 =	simm.s32 @p2 $0x1  }
0x17: {  	s4 =	simm.s32 $0x1BF5;
	[smem:$0x3FB7] =	sst s0  }
0x18: {  	s0 =	sld [smem:$0x3F9A];
	_ =	swait.ge [sflag:s4], $0x0  }
0x19: {  	s7 =	sld [smem:$0x3F9B]  }
0x1a: {  	s8 =	sadd.s32 $0xFFFFE003, lr  }
0x1b: {  	s9 =	sadd.s32 $0xFFFFFEF7, lr;
	s5 =	simm.s32 $0xFFFFFFFF;
	p2 =	slt.u32 s8, $0xFFFFF086  }
0x1c: {  	p1 =	slt.u32 s9, $0xF7A;
	s5 =	simm.s32 @!p2 $0x0  }
0x1d: {  	s5 =	simm.s32 @p1 $0x1;
	p0 =	seq.s32 s7, s2  }
0x1e: {  	s7 =	smul.u32 @!p0 $0xF7A, s2;
	p2 =	seq.s32 @!p0 s5, $0x0  }
0x1f: {  	s9 =	smul.u32 $0xF7A, s1;
	s8 =	simm.s32 @!p0 $0x1BF5;
	p2 =	por !p2, p0  }
0x20: {  	[sflag:s8] =	ssyncset.s32 @!p0 $0xFFFFF086;
	s6 =	sadd.s32 @!p0 s3, s7;
	s7 =	simm.s32 @!p0 $0x108  }
0x21: {  	s3 =	sadd.s32 s3, s9;
	s6 =	sadd.s32 @!p0 $0x88, s6;
	s7 =	simm.s32 @p2 $0x1082  }
0x22: {  	[simem:s7], [sflag:s8] =	dma.local @!p0 [hbm:s6], $0xF7A  }
0x23: {  	s9 =	sor.u32 $0xD0000000, s2;
	s6 =	simm.s32 $0x108;
	_ =	swait.ge @!p0 [sflag:s8], $0x0  }
0x24: {  	s3 =	sadd.s32 $0x88, s3;
	s6 =	simm.s32 @!p1 $0x1082;
	[sflag:s4] =	ssyncset.s32 $0xFFFFF086  }
0x25: {  	[simem:s6], [sflag:s4] =	dma.local [hbm:s3], $0xF7A  }
0x26: {  	[smem:$0x3F9B] =	sst s1;
	(tag) =	ssettag s2;
	_ =	strace s9  }
0x27: {  	s1 =	sld [smem:$0x3FAB]  }
0x28: {  	s2 =	sld [smem:$0x3FAC]  }
0x29: {  	s4 =	sld [smem:$0x3FAE]  }
0x2a: {  	p0 =	seq.s32 s5, $0x0;
	s5 =	sld [smem:$0x3FAF]  }
0x2b: {  	s6 =	sld [smem:$0x3FB0]  }
0x2c: {  	s7 =	sld [smem:$0x3FB1]  }
0x2d: {  	s3 =	simm.s32 $0x108;
	s8 =	sld [smem:$0x3FB2]  }
0x2e: {  	s3 =	simm.s32 @!p0 $0x1082;
	s9 =	sld [smem:$0x3FB3]  }
0x2f: {  	lr =	sadd.s32 s0, s3;
	s0 =	sld [smem:$0x3FAA]  }
0x30: {  	s3 =	sld [smem:$0x3FAD]  }
0x31: {  	[smem:$0x3FB6] =	sst s10  }
0x32: {  	s10 =	sld [smem:$0x3FB4];
	_ =	sdelay $0x3  }
0x33: {  	p0 =	seq.s32 s10, $0x1;
	s10 =	sld [smem:$0x3FB6];
	_ =	sdelay $0x3  }
0x34: {  	[smem:$0x3FB6] =	sst s10  }
0x35: {  	s10 =	sld [smem:$0x3FB5];
	_ =	sdelay $0x3  }
0x36: {  	p1 =	seq.s32 s10, $0x1;
	s10 =	sld [smem:$0x3FB6];
	_ =	sdelay $0x3  }
0x37: {  	[smem:$0x3FB6] =	sst s10  }
0x38: {  	s10 =	sld [smem:$0x3FB7]  }
0x39: {  	_ = 	snop;
	(pc) =	sbr.ind lr, $3  }
0x3a: {  	_ = 	snop  }
0x3b: {  	_ = 	snop  }
0x3c: {  	p2 =	seq.s32 s10, $0x1;
	s10 =	sld [smem:$0x3FB6]  }
0x3d: {  	_ =	shalt  }
0x3e: {  	_ =	shalt  }
0x3f: {  	_ =	shalt  }
0x40: {  	_ =	shalt  }
0x41: {  	_ =	shalt  }
0x42: {  	_ =	shalt  }
0x43: {  	_ =	shalt  }
0x44: {  	_ =	shalt  }
0x45: {  	_ =	shalt  }
0x46: {  	_ =	shalt  }
0x47: {  	_ =	shalt  }
0x48: {  	_ =	shalt  }
0x49: {  	_ =	shalt  }
0x4a: {  	_ =	shalt  }
0x4b: {  	_ =	shalt  }
0x4c: {  	_ =	shalt  }
0x4d: {  	_ =	shalt  }
0x4e: {  	_ =	shalt  }
0x4f: {  	_ =	shalt  }
0x50: {  	_ =	shalt  }
0x51: {  	_ =	shalt  }
0x52: {  	_ =	shalt  }
0x53: {  	_ =	shalt  }
0x54: {  	_ =	shalt  }
0x55: {  	_ =	shalt  }
0x56: {  	_ =	shalt  }
0x57: {  	_ =	shalt  }
0x58: {  	_ =	shalt  }
0x59: {  	_ =	shalt  }
0x5a: {  	_ =	shalt  }
0x5b: {  	_ =	shalt  }
0x5c: {  	_ =	shalt  }
0x5d: {  	_ =	shalt  }
0x5e: {  	_ =	shalt  }
0x5f: {  	_ =	shalt  }
0x60: {  	_ =	shalt  }
0x61: {  	_ =	shalt  }
0x62: {  	_ =	shalt  }
0x63: {  	_ =	shalt  }
0x64: {  	_ =	shalt  }
0x65: {  	_ =	shalt  }
0x66: {  	_ =	shalt  }
0x67: {  	_ =	shalt  }
0x68: {  	_ =	shalt  }
0x69: {  	_ =	shalt  }
0x6a: {  	_ =	shalt  }
0x6b: {  	_ =	shalt  }
0x6c: {  	_ =	shalt  }
0x6d: {  	_ =	shalt  }
0x6e: {  	_ =	shalt  }
0x6f: {  	_ =	shalt  }
0x70: {  	_ =	shalt  }
0x71: {  	_ =	shalt  }
0x72: {  	_ =	shalt  }
0x73: {  	_ =	shalt  }
0x74: {  	_ =	shalt  }
0x75: {  	_ =	shalt  }
0x76: {  	_ =	shalt  }
0x77: {  	_ =	shalt  }
0x78: {  	_ =	shalt  }
0x79: {  	_ =	shalt  }
0x7a: {  	_ =	shalt  }
0x7b: {  	_ =	shalt  }
0x7c: {  	_ =	shalt  }
0x7d: {  	_ =	shalt  }
0x7e: {  	_ =	shalt  }
0x7f: {  	_ =	shalt  }
0x80: {  	_ =	shalt  }
0x81: {  	_ =	shalt  }
0x82: {  	_ =	shalt  }
0x83: {  	_ =	shalt  }
0x84: {  	_ =	shalt  }
0x85: {  	_ =	shalt  }
0x86: {  	_ =	shalt  }
0x87: {  	_ =	shalt  }
.Lfunc_end0:
.L_simem_size_0:
called_computation_lowered:
.L_overlay_start_0:
0x88: {  	s2 =	sld [smem:$0x3FD9]  }
0x89: {  	s3 =	sld [smem:$0x3FFE];
	_ =	sdelay $0x1  }
0x8a: {  	s1 =	srdreg.scid  }
0x8b: {  	s0 =	sand.u32 $0x1, s1  }
0x8c: {  	s16 =	sshll.u32 s0, $0xA;
	s2 =	sadd.s32 s3, s2  }
0x8d: {  	s2 =	sadd.s32 s2, s16  }
0x8e: {  	[smem:$0x3FC2] =	sst s2  }
0x8f: {  	_ = 	snop  }
0x90: {  	(tm) =	ssettm $0x1  }
0x91: {  	s17 =	sld [smem:$0x3FFB];
	_ =	sdelay $0x3  }
0x92: {  	_ =	strace s17  }
0x93: {  	s2 =	sld [smem:$0x3FFC];
	_ =	sdelay $0x3  }
0x94: {  	_ =	strace s2  }
0x95: {  	s2 =	sld [smem:$0x3FFD];
	_ =	sdelay $0x3  }
0x96: {  	_ =	strace s2  }
0x97: {  	_ =	strace $0x8FFFFFFF  }
0x98: {  	s18 =	sld [smem:$0x3FDB];
	_ =	sdelay $0x1  }
0x99: {  	s19 =	simm.s32 $_scs_section_size  }
0x9a: {  	s4 =	simm.s32 $_size__tile_overlayer_lowered;
	s5 =	simm.s32 $_tile_overlayer_lowered  }
0x9b: {  	s22 =	simm.s32 $0x1BFF;
	s21 =	sshll.u32 s5, $0x1;
	s2 =	sadd.s32 s19, s18  }
0x9c: {  	s6 =	simm.s32 $0x0;
	s20 =	sshll.u32 s4, $0x1;
	s4 =	sadd.s32 s21, s2  }
0x9d: {  	[timem:s6], [sflag:s22] =	dma.local [hbm:s4], s20  }
0x9e: {  	_ =	swait.ge [sflag:s22], s20  }
0x9f: {  	s3 =	ssub.s32 $0x0, s20;
	[sflag:s22] =	ssyncset.done $0x0  }
0xa0: {  	[sflag:s22] =	ssyncadd.s32 s3;
	_ =	sdelay $0x1  }
0xa1: {  	s23 =	simm.s32 $0x1B8B  }
0xa2: {  	_ =	swait.ge [sflag:s23], $0x1  }
0xa3: {  	[sflag:s23] =	ssyncset.done $0x0  }
0xa4: {  	s25 =	simm.s32 $0x1B8E;
	s24 =	sld [smem:$0x3FFE];
	[sflag:s23] =	ssyncadd.s32 $0xFFFFFFFF  }
0xa5: {  	s26 =	simm.s32 $execute0_lowered;
	[smem:$0x3FD2] =	sst s25  }
0xa6: {  	s4 =	sshll.u32 s26, $0x1;
	_ =	strace $0x80000046;
	[dreg:$0x1] =	wrdreg $0xFFFFFFFF  }
0xa7: {  	s28 =	simm.s32 $_size_execute0_lowered;
	s2 =	sadd.s32 s2, s4;
	[dreg:$0x0] =	wrdreg $0x0  }
0xa8: {  	s4 =	sshll.u32 s28, $0x1;
	[dreg:$0x2] =	wrdreg s2  }
0xa9: {  	[dreg:$0x3] =	wrdreg s4  }
0xaa: {  	[dreg:$0x4] =	wrdreg $0xC0  }
0xab: {  	_ =	task [dreg:s6], $0x5FFFF  }
0xac: {  	[dreg:$0x1] =	wrdreg $0xFFFFFFFF  }
0xad: {  	[dreg:$0x0] =	wrdreg $0x60  }
0xae: {  	[dreg:$0x2] =	wrdreg s24  }
0xaf: {  	[dreg:$0x3] =	wrdreg $0x9  }
0xb0: {  	_ =	task.clear_ibuf [dreg:s6], $0x4FFFF;
	_ =	strace $0x90000046  }
0xb1: {  	s29 =	simm.s32 $0x9;
	_ =	strace $0x80000048  }
0xb2: {  	_ =	swait.ge [sflag:s29], $0x1  }
0xb3: {  	[sflag:s29] =	ssyncadd.s32 $0xFFFFFFFF  }
0xb4: {  	_ =	strace $0x90000048  }
0xb5: {  	_ =	sfence  }
0xb6: {  	s30 =	sld [smem:$0x0];
	_ =	sdelay $0x2  }
0xb7: {  	s31 =	sshll.u32 s1, $0xD;
	s1 =	sshrl.u32 s1, $0x2  }
0xb8: {  	s3 =	sand.u32 $0x4000, s31;
	s1 =	sadd.s32 s1, s30  }
0xb9: {  	s0 =	sor.u32 s3, s0;
	s1 =	sshll.u32 s1, $0x11  }
0xba: {  	s0 =	sor.u32 s1, s0  }
0xbb: {  	s0 =	sadd.s32 $0x8F2B, s0  }
0xbc: {  	[sflag:s0] =	ssyncadd.remote.s32 $0x1  }
0xbd: {  	_ =	sfence.sel $0xFFFF  }
0xbe: {  	[dreg:$0x0] =	wrdreg $0xFFFFFFFF;
	(pc) =	sbr.abs _section_cstart, $3  }
0xbf: {  	[dreg:$0x1] =	wrdreg $0xFFFFFFFF  }
0xc0: {  	_ =	task.clear_ibuf [dreg:s6], $0x2FFFF;
	_ =	strace $0x9FFFFFFF  }
0xc1: {  	(tm) =	ssettm $0x7FFFFFFF  }
tec
execute0_lowered:
.L_overlay_start_1:
0x0: {  	(tag) =	ssettag $0x1  }
0x1: {  	s0 =	srdreg.scid  }
0x2: {  	s9 =	stileid.u32;
	s1 =	rddreg [dreg:$0x0]  }
0x3: {  	s2 =	simm.s32 $0x0;
	s10 =	simm.s32 $0x3200;
	s18 =	simm.s32 $0x8A00  }
0x4: {  	s19 =	simm.s32 $0x9200;
	s20 =	simm.s32 $0x9A00;
	s21 =	simm.s32 $0xA200  }
0x5: {  	s22 =	simm.s32 $0xAA00;
	s23 =	simm.s32 $0xB200;
	s24 =	simm.s32 $0xBA00  }
0x6: {  	s25 =	simm.s32 $0xC200;
	s26 =	simm.s32 $0xCA00;
	[smem:$0x7FF] =	sst s2  }
0x7: {  	s28 =	simm.s32 $0x7A00;
	_ =	strace $0x80000047;
	[dreg:$0x2] =	wrdreg s18  }
0x8: {  	s29 =	simm.s32 $0x8200;
	s30 =	simm.s32 $0x1;
	[dreg:$0x3] =	wrdreg s19  }
0x9: {  	s31 =	simm.s32 $0x2;
	s0 =	sand.u32 $0x1, s0;
	[dreg:$0x4] =	wrdreg s20  }
0xa: {  	s3 =	sshll.u32 s9, $0x1;
	s5 =	smul.u32 $0x6400, s9;
	[dreg:$0x5] =	wrdreg s21  }
0xb: {  	s9 =	smul.u32 $0xC800, s9;
	s3 =	sor.u32 s0, s3;
	[dreg:$0x6] =	wrdreg s22  }
0xc: {  	s6 =	smul.u32 $0x3200, s0;
	s7 =	ssub.s32 $0x2, s0;
	[dreg:$0x7] =	wrdreg s23  }
0xd: {  	s0 =	smul.u32 $0x6400, s0;
	s22 =	simm.s32 $0x380;
	[dreg:$0x8] =	wrdreg s24  }
0xe: {  	s23 =	simm.s32 $0x6A00;
	[dreg:$0x9] =	wrdreg s25;
	s24 =	simm.s32 $0x400  }
0xf: {  	[dreg:$0xa] =	wrdreg s26;
	s25 =	simm.s32 $0x7200;
	s4 =	smul.u32 $0x3200, s3  }
0x10: {  	s26 =	simm.s32 $0x480;
	s3 =	sadd.s32 $0x1200, s1;
	s8 =	sshrl.u32 s7, $0x1  }
0x11: {  	s5 =	sadd.s32 s6, s5;
	s16 =	ssub.s32 s7, s8;
	s4 =	sshrl.u32 s4, $0x3  }
0x12: {  	s8 =	simm.s32 $0x3;
	s4 =	sadd.s32 s4, s1;
	s1 =	sadd.s32 $0x3E800, s1  }
0x13: {  	s5 =	sshll.u32 s5, $0x1;
	s4 =	sadd.s32 $0x32000, s4;
	s17 =	sadd.s32 s9, s1  }
0x14: {  	s1 =	sadd.s32 s1, s5;
	s5 =	smax.u32 s16, $0x1;
	s9 =	simm.s32 $0x80  }
0x15: {  	s6 =	sadd.s32 s0, s17;
	s7 =	sadd.s32 $0xA00, s1;
	s1 =	simm.s32 $0x0  }
.LBB2_1:
0x16: {  	[tilespmem:s2], [sflag:$0x3] =	stream.linear.gather [hbm4b:s4+s2], $0x3200, $0x38;
	[tilespmem:$0xD200] =	vst v63  }
0x17: {  	_ =	swait.ge [sflag:s8], $0x3200  }
0x18: {  	[sflag:s8] =	ssyncset.done $0x0  }
0x19: {  	[sflag:s8] =	ssyncadd.s32 $0xFFFFCE00  }
0x1a: {  	[tilespmem:s10], [sflag:$0x1] =	stream.indirect.gather [hbm4b:s3+s9], $0x10, s2, s9, $0xb8;
	[tilespmem:$0xD200] =	vst v63  }
0x1b: {  	s0 =	simm.s32 $0x3A00  }
0x1c: {  	[tilespmem:s0], [sflag:$0x1] =	stream.indirect.gather [hbm4b:s3+s9], $0x10, s9, s9, $0xb8;
	[tilespmem:$0xD200] =	vst v63  }
0x1d: {  	s15 =	simm.s32 $0x100;
	s11 =	simm.s32 $0x4200  }
0x1e: {  	[tilespmem:s11], [sflag:$0x1] =	stream.indirect.gather [hbm4b:s3+s9], $0x10, s15, s9, $0xb8;
	[tilespmem:$0xD200] =	vst v63  }
0x1f: {  	s16 =	simm.s32 $0x180;
	s17 =	simm.s32 $0x4A00  }
0x20: {  	[tilespmem:s17], [sflag:$0x1] =	stream.indirect.gather [hbm4b:s3+s9], $0x10, s16, s9, $0xb8;
	[tilespmem:$0xD200] =	vst v63  }
0x21: {  	s18 =	simm.s32 $0x200;
	s19 =	simm.s32 $0x5200  }
0x22: {  	[tilespmem:s19], [sflag:$0x1] =	stream.indirect.gather [hbm4b:s3+s9], $0x10, s18, s9, $0xb8;
	[tilespmem:$0xD200] =	vst v63  }
0x23: {  	s20 =	simm.s32 $0x280;
	s21 =	simm.s32 $0x5A00  }
0x24: {  	[tilespmem:s21], [sflag:$0x1] =	stream.indirect.gather [hbm4b:s3+s9], $0x10, s20, s9, $0xb8;
	[tilespmem:$0xD200] =	vst v63  }
0x25: {  	s12 =	simm.s32 $0x6200;
	s11 =	simm.s32 $0x300  }
0x26: {  	[tilespmem:s12], [sflag:$0x1] =	stream.indirect.gather [hbm4b:s3+s9], $0x10, s11, s9, $0xb8;
	[tilespmem:$0xD200] =	vst v63  }
0x27: {  	_ = 	snop  }
0x28: {  	[tilespmem:s23], [sflag:$0x1] =	stream.indirect.gather [hbm4b:s3+s9], $0x10, s22, s9, $0xb8;
	[tilespmem:$0xD200] =	vst v63  }
0x29: {  	_ = 	snop  }
0x2a: {  	[tilespmem:s25], [sflag:$0x1] =	stream.indirect.gather [hbm4b:s3+s9], $0x10, s24, s9, $0xb8;
	[tilespmem:$0xD200] =	vst v63  }
0x2b: {  	_ = 	snop  }
0x2c: {  	[tilespmem:s28], [sflag:$0x1] =	stream.indirect.gather [hbm4b:s3+s9], $0x10, s26, s9, $0xb8;
	[tilespmem:$0xD200] =	vst v63  }
0x2d: {  	s14 =	simm.s32 $0x500  }
0x2e: {  	[tilespmem:s29], [sflag:$0x2] =	stream.indirect.gather [hbm4b:s3+s9], $0x10, s14, s9, $0xb8;
	[tilespmem:$0xD200] =	vst v63  }
0x2f: {  	s13 =	rddreg [dreg:$0x2];
	s15 =	simm.s32 $0x580  }
0x30: {  	[tilespmem:s13], [sflag:$0x2] =	stream.indirect.gather [hbm4b:s3+s9], $0x10, s15, s9, $0xb8;
	[tilespmem:$0xD200] =	vst v63  }
0x31: {  	s16 =	simm.s32 $0x600;
	s12 =	rddreg [dreg:$0x3]  }
0x32: {  	[tilespmem:s12], [sflag:$0x2] =	stream.indirect.gather [hbm4b:s3+s9], $0x10, s16, s9, $0xb8;
	[tilespmem:$0xD200] =	vst v63  }
0x33: {  	s17 =	rddreg [dreg:$0x4];
	s18 =	simm.s32 $0x680  }
0x34: {  	[tilespmem:s17], [sflag:$0x2] =	stream.indirect.gather [hbm4b:s3+s9], $0x10, s18, s9, $0xb8;
	[tilespmem:$0xD200] =	vst v63  }
0x35: {  	s19 =	rddreg [dreg:$0x5];
	s20 =	simm.s32 $0x700  }
0x36: {  	[tilespmem:s19], [sflag:$0x2] =	stream.indirect.gather [hbm4b:s3+s9], $0x10, s20, s9, $0xb8;
	[tilespmem:$0xD200] =	vst v63  }
0x37: {  	s21 =	rddreg [dreg:$0x6];
	s13 =	simm.s32 $0x780  }
0x38: {  	[tilespmem:s21], [sflag:$0x2] =	stream.indirect.gather [hbm4b:s3+s9], $0x10, s13, s9, $0xb8;
	[tilespmem:$0xD200] =	vst v63  }
0x39: {  	s14 =	rddreg [dreg:$0x7];
	s15 =	simm.s32 $0x800  }
0x3a: {  	[tilespmem:s14], [sflag:$0x2] =	stream.indirect.gather [hbm4b:s3+s9], $0x10, s15, s9, $0xb8;
	[tilespmem:$0xD200] =	vst v63  }
0x3b: {  	s16 =	rddreg [dreg:$0x8];
	s17 =	simm.s32 $0x880  }
0x3c: {  	[tilespmem:s16], [sflag:$0x2] =	stream.indirect.gather [hbm4b:s3+s9], $0x10, s17, s9, $0xb8;
	[tilespmem:$0xD200] =	vst v63  }
0x3d: {  	s18 =	rddreg [dreg:$0x9];
	s19 =	simm.s32 $0x900  }
0x3e: {  	[tilespmem:s18], [sflag:$0x2] =	stream.indirect.gather [hbm4b:s3+s9], $0x10, s19, s9, $0xb8;
	[tilespmem:$0xD200] =	vst v63  }
0x3f: {  	s20 =	rddreg [dreg:$0xa];
	s21 =	simm.s32 $0x980  }
0x40: {  	[tilespmem:s20], [sflag:$0x2] =	stream.indirect.gather [hbm4b:s3+s9], $0x10, s21, s9, $0xb8;
	[tilespmem:$0xD200] =	vst v63  }
0x41: {  	_ =	swait.ge [sflag:s30], $0x800  }
0x42: {  	[sflag:s30] =	ssyncset.done $0x0  }
0x43: {  	[sflag:s30] =	ssyncadd.s32 $0xFFFFF800  }
0x44: {  	_ =	swait.ge [sflag:s30], $0x800  }
0x45: {  	[sflag:s30] =	ssyncset.done $0x0  }
0x46: {  	[sflag:s30] =	ssyncadd.s32 $0xFFFFF800  }
0x47: {  	_ =	swait.ge [sflag:s30], $0x800  }
0x48: {  	[sflag:s30] =	ssyncset.done $0x0  }
0x49: {  	[sflag:s30] =	ssyncadd.s32 $0xFFFFF800  }
0x4a: {  	_ =	swait.ge [sflag:s30], $0x800  }
0x4b: {  	[sflag:s30] =	ssyncset.done $0x0  }
0x4c: {  	[sflag:s30] =	ssyncadd.s32 $0xFFFFF800  }
0x4d: {  	_ =	swait.ge [sflag:s30], $0x800  }
0x4e: {  	[sflag:s30] =	ssyncset.done $0x0  }
0x4f: {  	[sflag:s30] =	ssyncadd.s32 $0xFFFFF800  }
0x50: {  	_ =	swait.ge [sflag:s30], $0x800  }
0x51: {  	[sflag:s30] =	ssyncset.done $0x0  }
0x52: {  	[sflag:s30] =	ssyncadd.s32 $0xFFFFF800  }
0x53: {  	_ =	swait.ge [sflag:s30], $0x800  }
0x54: {  	[sflag:s30] =	ssyncset.done $0x0  }
0x55: {  	[sflag:s30] =	ssyncadd.s32 $0xFFFFF800  }
0x56: {  	_ =	swait.ge [sflag:s30], $0x800  }
0x57: {  	[sflag:s30] =	ssyncset.done $0x0  }
0x58: {  	[sflag:s30] =	ssyncadd.s32 $0xFFFFF800  }
0x59: {  	_ =	swait.ge [sflag:s30], $0x800  }
0x5a: {  	[sflag:s30] =	ssyncset.done $0x0  }
0x5b: {  	[sflag:s30] =	ssyncadd.s32 $0xFFFFF800  }
0x5c: {  	_ =	swait.ge [sflag:s30], $0x800  }
0x5d: {  	[sflag:s30] =	ssyncset.done $0x0  }
0x5e: {  	[sflag:s30] =	ssyncadd.s32 $0xFFFFF800  }
0x5f: {  	[hbm4b:s6+s2] =	stream.linear.scatter [tilespmem:s10], [sflag:$0x3], $0x5000, $0x38;
	[tilespmem:$0xD200] =	vst v63  }
0x60: {  	p0 =	por $0x0, $0x0;
	_ =	swait.ge [sflag:s8], $0x5000  }
0x61: {  	s0 =	simm.s32 @!p0 $0x3200;
	[sflag:s8] =	ssyncset.done $0x0  }
0x62: {  	s11 =	simm.s32 @!p0 $0xA00;
	s12 =	simm.s32 @!p0 $0x80;
	[sflag:s8] =	ssyncadd.s32 $0xFFFFB000  }
0x63: {  	[tilespmem:s0], [sflag:$0x1] =	stream.indirect.gather @!p0 [hbm4b:s3+s12], $0x10, s11, s12, $0xb8;
	[tilespmem:$0xD200] =	vst v63  }
0x64: {  	s0 =	simm.s32 @!p0 $0xA80;
	s11 =	simm.s32 @!p0 $0x3A00  }
0x65: {  	[tilespmem:s11], [sflag:$0x1] =	stream.indirect.gather @!p0 [hbm4b:s3+s12], $0x10, s0, s12, $0xb8;
	[tilespmem:$0xD200] =	vst v63  }
0x66: {  	s0 =	simm.s32 @!p0 $0xB00;
	s11 =	simm.s32 @!p0 $0x4200  }
0x67: {  	[tilespmem:s11], [sflag:$0x1] =	stream.indirect.gather @!p0 [hbm4b:s3+s12], $0x10, s0, s12, $0xb8;
	[tilespmem:$0xD200] =	vst v63  }
0x68: {  	s0 =	simm.s32 @!p0 $0xB80;
	s11 =	simm.s32 @!p0 $0x4A00  }
0x69: {  	[tilespmem:s11], [sflag:$0x1] =	stream.indirect.gather @!p0 [hbm4b:s3+s12], $0x10, s0, s12, $0xb8;
	[tilespmem:$0xD200] =	vst v63  }
0x6a: {  	s0 =	simm.s32 @!p0 $0xC00;
	s11 =	simm.s32 @!p0 $0x5200  }
0x6b: {  	[tilespmem:s11], [sflag:$0x1] =	stream.indirect.gather @!p0 [hbm4b:s3+s12], $0x10, s0, s12, $0xb8;
	[tilespmem:$0xD200] =	vst v63  }
0x6c: {  	s0 =	simm.s32 @!p0 $0xC80;
	s11 =	simm.s32 @!p0 $0x5A00  }
0x6d: {  	[tilespmem:s11], [sflag:$0x1] =	stream.indirect.gather @!p0 [hbm4b:s3+s12], $0x10, s0, s12, $0xb8;
	[tilespmem:$0xD200] =	vst v63  }
0x6e: {  	s0 =	simm.s32 @!p0 $0xD00;
	s11 =	simm.s32 @!p0 $0x6200  }
0x6f: {  	[tilespmem:s11], [sflag:$0x1] =	stream.indirect.gather @!p0 [hbm4b:s3+s12], $0x10, s0, s12, $0xb8;
	[tilespmem:$0xD200] =	vst v63  }
0x70: {  	s0 =	simm.s32 @!p0 $0xD80;
	s11 =	simm.s32 @!p0 $0x6A00  }
0x71: {  	[tilespmem:s11], [sflag:$0x1] =	stream.indirect.gather @!p0 [hbm4b:s3+s12], $0x10, s0, s12, $0xb8;
	[tilespmem:$0xD200] =	vst v63  }
0x72: {  	s0 =	simm.s32 @!p0 $0xE00;
	s11 =	simm.s32 @!p0 $0x7200  }
0x73: {  	[tilespmem:s11], [sflag:$0x1] =	stream.indirect.gather @!p0 [hbm4b:s3+s12], $0x10, s0, s12, $0xb8;
	[tilespmem:$0xD200] =	vst v63  }
0x74: {  	s0 =	simm.s32 @!p0 $0xE80;
	s11 =	simm.s32 @!p0 $0x7A00  }
0x75: {  	[tilespmem:s11], [sflag:$0x1] =	stream.indirect.gather @!p0 [hbm4b:s3+s12], $0x10, s0, s12, $0xb8;
	[tilespmem:$0xD200] =	vst v63  }
0x76: {  	_ =	swait.ge [sflag:s31], $0x800  }
0x77: {  	[sflag:s31] =	ssyncset.done $0x0  }
0x78: {  	[sflag:s31] =	ssyncadd.s32 $0xFFFFF800  }
0x79: {  	_ =	swait.ge [sflag:s31], $0x800  }
0x7a: {  	[sflag:s31] =	ssyncset.done $0x0  }
0x7b: {  	[sflag:s31] =	ssyncadd.s32 $0xFFFFF800  }
0x7c: {  	_ =	swait.ge [sflag:s31], $0x800  }
0x7d: {  	[sflag:s31] =	ssyncset.done $0x0  }
0x7e: {  	[sflag:s31] =	ssyncadd.s32 $0xFFFFF800  }
0x7f: {  	_ =	swait.ge [sflag:s31], $0x800  }
0x80: {  	[sflag:s31] =	ssyncset.done $0x0  }
0x81: {  	[sflag:s31] =	ssyncadd.s32 $0xFFFFF800  }
0x82: {  	_ =	swait.ge [sflag:s31], $0x800  }
0x83: {  	[sflag:s31] =	ssyncset.done $0x0  }
0x84: {  	[sflag:s31] =	ssyncadd.s32 $0xFFFFF800  }
0x85: {  	_ =	swait.ge [sflag:s31], $0x800  }
0x86: {  	[sflag:s31] =	ssyncset.done $0x0  }
0x87: {  	[sflag:s31] =	ssyncadd.s32 $0xFFFFF800  }
0x88: {  	_ =	swait.ge [sflag:s31], $0x800  }
0x89: {  	[sflag:s31] =	ssyncset.done $0x0  }
0x8a: {  	[sflag:s31] =	ssyncadd.s32 $0xFFFFF800  }
0x8b: {  	_ =	swait.ge [sflag:s31], $0x800  }
0x8c: {  	[sflag:s31] =	ssyncset.done $0x0  }
0x8d: {  	[sflag:s31] =	ssyncadd.s32 $0xFFFFF800  }
0x8e: {  	_ =	swait.ge [sflag:s31], $0x800  }
0x8f: {  	[sflag:s31] =	ssyncset.done $0x0  }
0x90: {  	[sflag:s31] =	ssyncadd.s32 $0xFFFFF800  }
0x91: {  	_ =	swait.ge [sflag:s31], $0x800  }
0x92: {  	[sflag:s31] =	ssyncset.done $0x0  }
0x93: {  	s13 =	simm.s32 $0x5000;
	s15 =	simm.s32 $0xA00;
	[sflag:s31] =	ssyncadd.s32 $0xFFFFF800  }
0x94: {  	[hbm4b:s7+s2] =	stream.linear.scatter [tilespmem:s29], [sflag:$0x3], $0x5000, $0x38;
	[tilespmem:$0xD200] =	vst v63  }
0x95: {  	s12 =	simm.s32 $0x2800;
	s11 =	sadd.s32 $0x1400, s6;
	_ =	swait.ge [sflag:s8], $0x5000  }
0x96: {  	s0 =	sadd.s32 $0x1400, s7;
	s16 =	rddreg [dreg:$0x2];
	[sflag:s8] =	ssyncset.done $0x0  }
.LBB2_2:
0x97: {  	s17 =	sadd.s32 $0x500, s15;
	[sflag:s8] =	ssyncadd.s32 $0xFFFFB000  }
0x98: {  	[tilespmem:s29], [sflag:$0x2] =	stream.indirect.gather [hbm4b:s3+s9], $0x10, s17, s9, $0xb8;
	[tilespmem:$0xD200] =	vst v63  }
0x99: {  	s21 =	sadd.s32 $0x580, s15  }
0x9a: {  	[tilespmem:s16], [sflag:$0x2] =	stream.indirect.gather [hbm4b:s3+s9], $0x10, s21, s9, $0xb8;
	[tilespmem:$0xD200] =	vst v63  }
0x9b: {  	s18 =	rddreg [dreg:$0x3];
	s17 =	sadd.s32 $0x600, s15  }
0x9c: {  	[tilespmem:s18], [sflag:$0x2] =	stream.indirect.gather [hbm4b:s3+s9], $0x10, s17, s9, $0xb8;
	[tilespmem:$0xD200] =	vst v63  }
0x9d: {  	s19 =	rddreg [dreg:$0x4];
	s20 =	sadd.s32 $0x680, s15  }
0x9e: {  	[tilespmem:s19], [sflag:$0x2] =	stream.indirect.gather [hbm4b:s3+s9], $0x10, s20, s9, $0xb8;
	[tilespmem:$0xD200] =	vst v63  }
0x9f: {  	s21 =	rddreg [dreg:$0x5];
	s17 =	sadd.s32 $0x700, s15  }
0xa0: {  	[tilespmem:s21], [sflag:$0x2] =	stream.indirect.gather [hbm4b:s3+s9], $0x10, s17, s9, $0xb8;
	[tilespmem:$0xD200] =	vst v63  }
0xa1: {  	s19 =	rddreg [dreg:$0x6];
	s20 =	sadd.s32 $0x780, s15  }
0xa2: {  	[tilespmem:s19], [sflag:$0x2] =	stream.indirect.gather [hbm4b:s3+s9], $0x10, s20, s9, $0xb8;
	[tilespmem:$0xD200] =	vst v63  }
0xa3: {  	s21 =	rddreg [dreg:$0x7];
	s17 =	sadd.s32 $0x800, s15  }
0xa4: {  	[tilespmem:s21], [sflag:$0x2] =	stream.indirect.gather [hbm4b:s3+s9], $0x10, s17, s9, $0xb8;
	[tilespmem:$0xD200] =	vst v63  }
0xa5: {  	s19 =	rddreg [dreg:$0x8];
	s20 =	sadd.s32 $0x880, s15  }
0xa6: {  	[tilespmem:s19], [sflag:$0x2] =	stream.indirect.gather [hbm4b:s3+s9], $0x10, s20, s9, $0xb8;
	[tilespmem:$0xD200] =	vst v63  }
0xa7: {  	s21 =	rddreg [dreg:$0x9];
	s19 =	sadd.s32 $0x900, s15  }
0xa8: {  	[tilespmem:s21], [sflag:$0x2] =	stream.indirect.gather [hbm4b:s3+s9], $0x10, s19, s9, $0xb8;
	[tilespmem:$0xD200] =	vst v63  }
0xa9: {  	s20 =	rddreg [dreg:$0xa];
	s21 =	sadd.s32 $0x980, s15  }
0xaa: {  	[tilespmem:s20], [sflag:$0x2] =	stream.indirect.gather [hbm4b:s3+s9], $0x10, s21, s9, $0xb8;
	[tilespmem:$0xD200] =	vst v63  }
0xab: {  	_ =	swait.ge [sflag:s30], $0x800  }
0xac: {  	[sflag:s30] =	ssyncset.done $0x0  }
0xad: {  	[sflag:s30] =	ssyncadd.s32 $0xFFFFF800  }
0xae: {  	_ =	swait.ge [sflag:s30], $0x800  }
0xaf: {  	[sflag:s30] =	ssyncset.done $0x0  }
0xb0: {  	[sflag:s30] =	ssyncadd.s32 $0xFFFFF800  }
0xb1: {  	_ =	swait.ge [sflag:s30], $0x800  }
0xb2: {  	[sflag:s30] =	ssyncset.done $0x0  }
0xb3: {  	[sflag:s30] =	ssyncadd.s32 $0xFFFFF800  }
0xb4: {  	_ =	swait.ge [sflag:s30], $0x800  }
0xb5: {  	[sflag:s30] =	ssyncset.done $0x0  }
0xb6: {  	[sflag:s30] =	ssyncadd.s32 $0xFFFFF800  }
0xb7: {  	_ =	swait.ge [sflag:s30], $0x800  }
0xb8: {  	[sflag:s30] =	ssyncset.done $0x0  }
0xb9: {  	[sflag:s30] =	ssyncadd.s32 $0xFFFFF800  }
0xba: {  	_ =	swait.ge [sflag:s30], $0x800  }
0xbb: {  	[sflag:s30] =	ssyncset.done $0x0  }
0xbc: {  	[sflag:s30] =	ssyncadd.s32 $0xFFFFF800  }
0xbd: {  	_ =	swait.ge [sflag:s30], $0x800  }
0xbe: {  	[sflag:s30] =	ssyncset.done $0x0  }
0xbf: {  	[sflag:s30] =	ssyncadd.s32 $0xFFFFF800  }
0xc0: {  	_ =	swait.ge [sflag:s30], $0x800  }
0xc1: {  	[sflag:s30] =	ssyncset.done $0x0  }
0xc2: {  	[sflag:s30] =	ssyncadd.s32 $0xFFFFF800  }
0xc3: {  	_ =	swait.ge [sflag:s30], $0x800  }
0xc4: {  	[sflag:s30] =	ssyncset.done $0x0  }
0xc5: {  	[sflag:s30] =	ssyncadd.s32 $0xFFFFF800  }
0xc6: {  	_ =	swait.ge [sflag:s30], $0x800  }
0xc7: {  	[sflag:s30] =	ssyncset.done $0x0  }
0xc8: {  	p1 =	seq.s32 s12, $0xA000;
	[sflag:s30] =	ssyncadd.s32 $0xFFFFF800  }
0xc9: {  	[hbm4b:s11+s2] =	stream.linear.scatter [tilespmem:s10], [sflag:$0x3], $0x5000, $0x38;
	[tilespmem:$0xD200] =	vst v63  }
0xca: {  	s12 =	sshra.s32 @!p1 s12, $0x2;
	_ =	swait.ge [sflag:s8], $0x5000  }
0xcb: {  	s16 =	sadd.s32 @!p1 $0xA00, s12;
	[sflag:s8] =	ssyncset.done $0x0  }
0xcc: {  	s17 =	simm.s32 @!p1 $0x80;
	s15 =	simm.s32 @!p1 $0x3200;
	[sflag:s8] =	ssyncadd.s32 $0xFFFFB000  }
0xcd: {  	[tilespmem:s15], [sflag:$0x1] =	stream.indirect.gather @!p1 [hbm4b:s3+s17], $0x10, s16, s17, $0xb8;
	[tilespmem:$0xD200] =	vst v63  }
0xce: {  	s15 =	sadd.s32 @!p1 $0xA80, s12;
	s16 =	simm.s32 @!p1 $0x3A00  }
0xcf: {  	[tilespmem:s16], [sflag:$0x1] =	stream.indirect.gather @!p1 [hbm4b:s3+s17], $0x10, s15, s17, $0xb8;
	[tilespmem:$0xD200] =	vst v63  }
0xd0: {  	s14 =	smov.u32 s13;
	s18 =	sadd.s32 @!p1 $0xB00, s12;
	s15 =	simm.s32 @!p1 $0x4200  }
0xd1: {  	[tilespmem:s15], [sflag:$0x1] =	stream.indirect.gather @!p1 [hbm4b:s3+s17], $0x10, s18, s17, $0xb8;
	[tilespmem:$0xD200] =	vst v63  }
0xd2: {  	s19 =	sadd.s32 @!p1 $0xC00, s12;
	s16 =	sadd.s32 @!p1 $0xB80, s12;
	s15 =	simm.s32 @!p1 $0x4A00  }
0xd3: {  	[tilespmem:s15], [sflag:$0x1] =	stream.indirect.gather @!p1 [hbm4b:s3+s17], $0x10, s16, s17, $0xb8;
	[tilespmem:$0xD200] =	vst v63  }
0xd4: {  	s20 =	sadd.s32 @!p1 $0xD00, s12;
	s21 =	sadd.s32 @!p1 $0xE00, s12;
	s15 =	simm.s32 @!p1 $0x5200  }
0xd5: {  	[tilespmem:s15], [sflag:$0x1] =	stream.indirect.gather @!p1 [hbm4b:s3+s17], $0x10, s19, s17, $0xb8;
	[tilespmem:$0xD200] =	vst v63  }
0xd6: {  	s18 =	sadd.s32 @!p1 $0xC80, s12;
	s16 =	sadd.s32 @!p1 $0xD80, s12;
	s15 =	simm.s32 @!p1 $0x5A00  }
0xd7: {  	[tilespmem:s15], [sflag:$0x1] =	stream.indirect.gather @!p1 [hbm4b:s3+s17], $0x10, s18, s17, $0xb8;
	[tilespmem:$0xD200] =	vst v63  }
0xd8: {  	s19 =	sadd.s32 @!p1 $0xE80, s12;
	s12 =	smov.u32 s14;
	s14 =	simm.s32 @!p1 $0x6200  }
0xd9: {  	[tilespmem:s14], [sflag:$0x1] =	stream.indirect.gather @!p1 [hbm4b:s3+s17], $0x10, s20, s17, $0xb8;
	[tilespmem:$0xD200] =	vst v63  }
0xda: {  	s14 =	simm.s32 @!p1 $0x6A00  }
0xdb: {  	[tilespmem:s14], [sflag:$0x1] =	stream.indirect.gather @!p1 [hbm4b:s3+s17], $0x10, s16, s17, $0xb8;
	[tilespmem:$0xD200] =	vst v63  }
0xdc: {  	s14 =	simm.s32 @!p1 $0x7200  }
0xdd: {  	[tilespmem:s14], [sflag:$0x1] =	stream.indirect.gather @!p1 [hbm4b:s3+s17], $0x10, s21, s17, $0xb8;
	[tilespmem:$0xD200] =	vst v63  }
0xde: {  	s14 =	simm.s32 @!p1 $0x7A00  }
0xdf: {  	[tilespmem:s14], [sflag:$0x1] =	stream.indirect.gather @!p1 [hbm4b:s3+s17], $0x10, s19, s17, $0xb8;
	[tilespmem:$0xD200] =	vst v63  }
0xe0: {  	_ =	swait.ge [sflag:s31], $0x800  }
0xe1: {  	[sflag:s31] =	ssyncset.done $0x0  }
0xe2: {  	[sflag:s31] =	ssyncadd.s32 $0xFFFFF800  }
0xe3: {  	_ =	swait.ge [sflag:s31], $0x800  }
0xe4: {  	[sflag:s31] =	ssyncset.done $0x0  }
0xe5: {  	[sflag:s31] =	ssyncadd.s32 $0xFFFFF800  }
0xe6: {  	_ =	swait.ge [sflag:s31], $0x800  }
0xe7: {  	[sflag:s31] =	ssyncset.done $0x0  }
0xe8: {  	[sflag:s31] =	ssyncadd.s32 $0xFFFFF800  }
0xe9: {  	_ =	swait.ge [sflag:s31], $0x800  }
0xea: {  	[sflag:s31] =	ssyncset.done $0x0  }
0xeb: {  	[sflag:s31] =	ssyncadd.s32 $0xFFFFF800  }
0xec: {  	_ =	swait.ge [sflag:s31], $0x800  }
0xed: {  	[sflag:s31] =	ssyncset.done $0x0  }
0xee: {  	[sflag:s31] =	ssyncadd.s32 $0xFFFFF800  }
0xef: {  	_ =	swait.ge [sflag:s31], $0x800  }
0xf0: {  	[sflag:s31] =	ssyncset.done $0x0  }
0xf1: {  	[sflag:s31] =	ssyncadd.s32 $0xFFFFF800  }
0xf2: {  	_ =	swait.ge [sflag:s31], $0x800  }
0xf3: {  	[sflag:s31] =	ssyncset.done $0x0  }
0xf4: {  	[sflag:s31] =	ssyncadd.s32 $0xFFFFF800  }
0xf5: {  	_ =	swait.ge [sflag:s31], $0x800  }
0xf6: {  	[sflag:s31] =	ssyncset.done $0x0  }
0xf7: {  	[sflag:s31] =	ssyncadd.s32 $0xFFFFF800  }
0xf8: {  	_ =	swait.ge [sflag:s31], $0x800  }
0xf9: {  	[sflag:s31] =	ssyncset.done $0x0  }
0xfa: {  	s13 =	sadd.s32 $0x2800, s13;
	[sflag:s31] =	ssyncadd.s32 $0xFFFFF800  }
0xfb: {  	p0 =	sne.s32 s13, $0xC800;
	_ =	swait.ge [sflag:s31], $0x800  }
.Ltmp0:
0xfc: {  	[sflag:s31] =	ssyncset.done $0x0;
	(pc) =	sbr.rel @p0 .LBB2_2-.Ltmp0, $4  }
0xfd: {  	[sflag:s31] =	ssyncadd.s32 $0xFFFFF800  }
0xfe: {  	[hbm4b:s0+s2] =	stream.linear.scatter [tilespmem:s29], [sflag:$0x3], $0x5000, $0x38;
	[tilespmem:$0xD200] =	vst v63  }
0xff: {  	s11 =	sadd.s32 $0x1400, s11;
	s15 =	sshra.s32 s12, $0x2;
	_ =	swait.ge [sflag:s8], $0x5000  }
0x100: {  	s0 =	sadd.s32 $0x1400, s0;
	s16 =	rddreg [dreg:$0x2];
	[sflag:s8] =	ssyncset.done $0x0  }
0x101: {  	s13 =	sadd.s32 $0x500, s15;
	[sflag:s8] =	ssyncadd.s32 $0xFFFFB000  }
0x102: {  	[tilespmem:s29], [sflag:$0x2] =	stream.indirect.gather [hbm4b:s3+s9], $0x10, s13, s9, $0xb8;
	[tilespmem:$0xD200] =	vst v63  }
0x103: {  	s17 =	sadd.s32 $0x580, s15  }
0x104: {  	[tilespmem:s16], [sflag:$0x2] =	stream.indirect.gather [hbm4b:s3+s9], $0x10, s17, s9, $0xb8;
	[tilespmem:$0xD200] =	vst v63  }
0x105: {  	s14 =	rddreg [dreg:$0x3];
	s18 =	sadd.s32 $0x600, s15  }
0x106: {  	[tilespmem:s14], [sflag:$0x2] =	stream.indirect.gather [hbm4b:s3+s9], $0x10, s18, s9, $0xb8;
	[tilespmem:$0xD200] =	vst v63  }
0x107: {  	s19 =	rddreg [dreg:$0x4];
	s20 =	sadd.s32 $0x680, s15  }
0x108: {  	[tilespmem:s19], [sflag:$0x2] =	stream.indirect.gather [hbm4b:s3+s9], $0x10, s20, s9, $0xb8;
	[tilespmem:$0xD200] =	vst v63  }
0x109: {  	s21 =	rddreg [dreg:$0x5];
	s16 =	sadd.s32 $0x700, s15  }
0x10a: {  	[tilespmem:s21], [sflag:$0x2] =	stream.indirect.gather [hbm4b:s3+s9], $0x10, s16, s9, $0xb8;
	[tilespmem:$0xD200] =	vst v63  }
0x10b: {  	s17 =	rddreg [dreg:$0x6];
	s18 =	sadd.s32 $0x780, s15  }
0x10c: {  	[tilespmem:s17], [sflag:$0x2] =	stream.indirect.gather [hbm4b:s3+s9], $0x10, s18, s9, $0xb8;
	[tilespmem:$0xD200] =	vst v63  }
0x10d: {  	s19 =	rddreg [dreg:$0x7];
	s20 =	sadd.s32 $0x800, s15  }
0x10e: {  	[tilespmem:s19], [sflag:$0x2] =	stream.indirect.gather [hbm4b:s3+s9], $0x10, s20, s9, $0xb8;
	[tilespmem:$0xD200] =	vst v63  }
0x10f: {  	s21 =	rddreg [dreg:$0x8];
	s17 =	sadd.s32 $0x880, s15  }
0x110: {  	[tilespmem:s21], [sflag:$0x2] =	stream.indirect.gather [hbm4b:s3+s9], $0x10, s17, s9, $0xb8;
	[tilespmem:$0xD200] =	vst v63  }
0x111: {  	s18 =	rddreg [dreg:$0x9];
	s19 =	sadd.s32 $0x900, s15  }
0x112: {  	[tilespmem:s18], [sflag:$0x2] =	stream.indirect.gather [hbm4b:s3+s9], $0x10, s19, s9, $0xb8;
	[tilespmem:$0xD200] =	vst v63  }
0x113: {  	s20 =	rddreg [dreg:$0xa];
	s21 =	sadd.s32 $0x980, s15  }
0x114: {  	[tilespmem:s20], [sflag:$0x2] =	stream.indirect.gather [hbm4b:s3+s9], $0x10, s21, s9, $0xb8;
	[tilespmem:$0xD200] =	vst v63  }
0x115: {  	_ =	swait.ge [sflag:s30], $0x800  }
0x116: {  	[sflag:s30] =	ssyncset.done $0x0  }
0x117: {  	[sflag:s30] =	ssyncadd.s32 $0xFFFFF800  }
0x118: {  	_ =	swait.ge [sflag:s30], $0x800  }
0x119: {  	[sflag:s30] =	ssyncset.done $0x0  }
0x11a: {  	[sflag:s30] =	ssyncadd.s32 $0xFFFFF800  }
0x11b: {  	_ =	swait.ge [sflag:s30], $0x800  }
0x11c: {  	[sflag:s30] =	ssyncset.done $0x0  }
0x11d: {  	[sflag:s30] =	ssyncadd.s32 $0xFFFFF800  }
0x11e: {  	_ =	swait.ge [sflag:s30], $0x800  }
0x11f: {  	[sflag:s30] =	ssyncset.done $0x0  }
0x120: {  	[sflag:s30] =	ssyncadd.s32 $0xFFFFF800  }
0x121: {  	_ =	swait.ge [sflag:s30], $0x800  }
0x122: {  	[sflag:s30] =	ssyncset.done $0x0  }
0x123: {  	[sflag:s30] =	ssyncadd.s32 $0xFFFFF800  }
0x124: {  	_ =	swait.ge [sflag:s30], $0x800  }
0x125: {  	[sflag:s30] =	ssyncset.done $0x0  }
0x126: {  	[sflag:s30] =	ssyncadd.s32 $0xFFFFF800  }
0x127: {  	_ =	swait.ge [sflag:s30], $0x800  }
0x128: {  	[sflag:s30] =	ssyncset.done $0x0  }
0x129: {  	[sflag:s30] =	ssyncadd.s32 $0xFFFFF800  }
0x12a: {  	_ =	swait.ge [sflag:s30], $0x800  }
0x12b: {  	[sflag:s30] =	ssyncset.done $0x0  }
0x12c: {  	[sflag:s30] =	ssyncadd.s32 $0xFFFFF800  }
0x12d: {  	_ =	swait.ge [sflag:s30], $0x800  }
0x12e: {  	[sflag:s30] =	ssyncset.done $0x0  }
0x12f: {  	[sflag:s30] =	ssyncadd.s32 $0xFFFFF800  }
0x130: {  	_ =	swait.ge [sflag:s30], $0x800  }
0x131: {  	[sflag:s30] =	ssyncset.done $0x0  }
0x132: {  	[sflag:s30] =	ssyncadd.s32 $0xFFFFF800  }
0x133: {  	[hbm4b:s11+s2] =	stream.linear.scatter [tilespmem:s10], [sflag:$0x3], $0x5000, $0x38;
	[tilespmem:$0xD200] =	vst v63  }
0x134: {  	p0 =	seq.s32 s12, $0xA000;
	_ =	swait.ge [sflag:s8], $0x5000  }
0x135: {  	s14 =	simm.s32 @!p0 $0x80;
	s11 =	sshra.s32 @!p0 s12, $0x2;
	[sflag:s8] =	ssyncset.done $0x0  }
0x136: {  	s12 =	simm.s32 @!p0 $0x3200;
	s13 =	sadd.s32 @!p0 $0xA00, s11;
	[sflag:s8] =	ssyncadd.s32 $0xFFFFB000  }
0x137: {  	[tilespmem:s12], [sflag:$0x1] =	stream.indirect.gather @!p0 [hbm4b:s3+s14], $0x10, s13, s14, $0xb8;
	[tilespmem:$0xD200] =	vst v63  }
0x138: {  	s12 =	sadd.s32 @!p0 $0xA80, s11;
	s13 =	simm.s32 @!p0 $0x3A00  }
0x139: {  	[tilespmem:s13], [sflag:$0x1] =	stream.indirect.gather @!p0 [hbm4b:s3+s14], $0x10, s12, s14, $0xb8;
	[tilespmem:$0xD200] =	vst v63  }
0x13a: {  	s12 =	sadd.s32 @!p0 $0xB00, s11;
	s13 =	simm.s32 @!p0 $0x4200  }
0x13b: {  	[tilespmem:s13], [sflag:$0x1] =	stream.indirect.gather @!p0 [hbm4b:s3+s14], $0x10, s12, s14, $0xb8;
	[tilespmem:$0xD200] =	vst v63  }
0x13c: {  	s12 =	sadd.s32 @!p0 $0xB80, s11;
	s13 =	simm.s32 @!p0 $0x4A00  }
0x13d: {  	[tilespmem:s13], [sflag:$0x1] =	stream.indirect.gather @!p0 [hbm4b:s3+s14], $0x10, s12, s14, $0xb8;
	[tilespmem:$0xD200] =	vst v63  }
0x13e: {  	s12 =	sadd.s32 @!p0 $0xC00, s11;
	s13 =	simm.s32 @!p0 $0x5200  }
0x13f: {  	[tilespmem:s13], [sflag:$0x1] =	stream.indirect.gather @!p0 [hbm4b:s3+s14], $0x10, s12, s14, $0xb8;
	[tilespmem:$0xD200] =	vst v63  }
0x140: {  	s12 =	sadd.s32 @!p0 $0xC80, s11;
	s13 =	simm.s32 @!p0 $0x5A00  }
0x141: {  	[tilespmem:s13], [sflag:$0x1] =	stream.indirect.gather @!p0 [hbm4b:s3+s14], $0x10, s12, s14, $0xb8;
	[tilespmem:$0xD200] =	vst v63  }
0x142: {  	s12 =	sadd.s32 @!p0 $0xD00, s11;
	s13 =	simm.s32 @!p0 $0x6200  }
0x143: {  	[tilespmem:s13], [sflag:$0x1] =	stream.indirect.gather @!p0 [hbm4b:s3+s14], $0x10, s12, s14, $0xb8;
	[tilespmem:$0xD200] =	vst v63  }
0x144: {  	s12 =	sadd.s32 @!p0 $0xD80, s11;
	s13 =	simm.s32 @!p0 $0x6A00  }
0x145: {  	[tilespmem:s13], [sflag:$0x1] =	stream.indirect.gather @!p0 [hbm4b:s3+s14], $0x10, s12, s14, $0xb8;
	[tilespmem:$0xD200] =	vst v63  }
0x146: {  	s12 =	sadd.s32 @!p0 $0xE00, s11;
	s13 =	simm.s32 @!p0 $0x7200  }
0x147: {  	[tilespmem:s13], [sflag:$0x1] =	stream.indirect.gather @!p0 [hbm4b:s3+s14], $0x10, s12, s14, $0xb8;
	[tilespmem:$0xD200] =	vst v63  }
0x148: {  	s11 =	sadd.s32 @!p0 $0xE80, s11;
	s12 =	simm.s32 @!p0 $0x7A00  }
0x149: {  	[tilespmem:s12], [sflag:$0x1] =	stream.indirect.gather @!p0 [hbm4b:s3+s14], $0x10, s11, s14, $0xb8;
	[tilespmem:$0xD200] =	vst v63  }
0x14a: {  	_ =	swait.ge [sflag:s31], $0x800  }
0x14b: {  	[sflag:s31] =	ssyncset.done $0x0  }
0x14c: {  	[sflag:s31] =	ssyncadd.s32 $0xFFFFF800  }
0x14d: {  	_ =	swait.ge [sflag:s31], $0x800  }
0x14e: {  	[sflag:s31] =	ssyncset.done $0x0  }
0x14f: {  	[sflag:s31] =	ssyncadd.s32 $0xFFFFF800  }
0x150: {  	_ =	swait.ge [sflag:s31], $0x800  }
0x151: {  	[sflag:s31] =	ssyncset.done $0x0  }
0x152: {  	[sflag:s31] =	ssyncadd.s32 $0xFFFFF800  }
0x153: {  	_ =	swait.ge [sflag:s31], $0x800  }
0x154: {  	[sflag:s31] =	ssyncset.done $0x0  }
0x155: {  	[sflag:s31] =	ssyncadd.s32 $0xFFFFF800  }
0x156: {  	_ =	swait.ge [sflag:s31], $0x800  }
0x157: {  	[sflag:s31] =	ssyncset.done $0x0  }
0x158: {  	[sflag:s31] =	ssyncadd.s32 $0xFFFFF800  }
0x159: {  	_ =	swait.ge [sflag:s31], $0x800  }
0x15a: {  	[sflag:s31] =	ssyncset.done $0x0  }
0x15b: {  	[sflag:s31] =	ssyncadd.s32 $0xFFFFF800  }
0x15c: {  	_ =	swait.ge [sflag:s31], $0x800  }
0x15d: {  	[sflag:s31] =	ssyncset.done $0x0  }
0x15e: {  	[sflag:s31] =	ssyncadd.s32 $0xFFFFF800  }
0x15f: {  	_ =	swait.ge [sflag:s31], $0x800  }
0x160: {  	[sflag:s31] =	ssyncset.done $0x0  }
0x161: {  	[sflag:s31] =	ssyncadd.s32 $0xFFFFF800  }
0x162: {  	_ =	swait.ge [sflag:s31], $0x800  }
0x163: {  	[sflag:s31] =	ssyncset.done $0x0  }
0x164: {  	[sflag:s31] =	ssyncadd.s32 $0xFFFFF800  }
0x165: {  	s1 =	sadd.s32 $0x1, s1;
	_ =	swait.ge [sflag:s31], $0x800  }
0x166: {  	p0 =	sne.s32 s1, s5;
	[sflag:s31] =	ssyncset.done $0x0  }
.Ltmp1:
0x167: {  	[sflag:s31] =	ssyncadd.s32 $0xFFFFF800;
	(pc) =	sbr.rel @p0 .LBB2_1-.Ltmp1, $4  }
0x168: {  	[hbm4b:s0+s2] =	stream.linear.scatter [tilespmem:s29], [sflag:$0x3], $0x5000, $0x38;
	[tilespmem:$0xD200] =	vst v63  }
0x169: {  	_ =	swait.ge [sflag:s8], $0x5000  }
0x16a: {  	[sflag:s8] =	ssyncset.done $0x0  }
0x16b: {  	[sflag:s8] =	ssyncadd.s32 $0xFFFFB000  }
0x16c: {  	_ =	sfence.sel $0x180000  }
0x16d: {  	[bflag:$0x0] =	sbarrier.arrive $0xFFFF  }
0x16e: {  	_ =	strace $0x90000047  }
0x16f: {  	s0 =	stileid.u32;
	[bflag:$0x2] =	sbarrier.arrive $0xFFFF  }
0x170: {  	p0 =	sne.s32 s0, $0x0;
	s0 =	rddreg [dreg:$0x1]  }
0x171: {  	s0 =	sadd.s32 @!p0 $0x100000, s0  }
0x172: {  	[sflag:s0] =	ssyncadd.tile.s32 @!p0 $0x1;
	_ =	shalt  }
.Lfunc_end2:
_tile_overlayer_lowered:
.L_overlay_start_2:
0x173: {  	(tag) =	ssettag $0x2  }
0x174: {  	s0 =	rddreg [dreg:$0x0];
	s2 =	stileid.u32  }
0x175: {  	s1 =	rddreg [dreg:$0x1];
	p0 =	sne.s32 s2, $0x0  }
0x176: {  	s3 =	rddreg [dreg:$0x2];
	[bflag:$0x3] =	sbarrier.arrive $0xFFFF;
	s2 =	simm.s32 @!p0 $0x1C03  }
0x177: {  	[timem:s3], [sflag:s2] =	dma.local @!p0 [hbm:s0], s1  }
0x178: {  	s0 =	simm.s32 @!p0 $0x3  }
0x179: {  	_ =	swait.ge @!p0 [sflag:s0], s1  }
0x17a: {  	s1 =	ssub.s32 @!p0 $0x0, s1;
	[sflag:s0] =	ssyncset.done @!p0 $0x0  }
0x17b: {  	[sflag:s0] =	ssyncadd.s32 @!p0 s1  }
0x17c: {  	[bflag:$0x3] =	sbarrier.arrive $0xFFFF  }
0x17d: {  	_ =	shalt  }

</sc_bundles>
